<compile_context>
chip_gen: v7x
topology: tpu7x:2x2x1
jax: 0.10.2.dev20260603
libtpu: 0.0.44.dev20260713+nightly
codegen_flags: <defaults>
</compile_context>

<pallas_src>
import jax
import jax.numpy as jnp
from jax import lax
from jax.experimental import pallas as pl
from jax.experimental.pallas import tpu as pltpu
from jax.experimental.pallas import tpu_sc as plsc

N = 10000
E = 320000
D = 128
NUM_CENTROID = 100
NUM_CLASS = 10
NUM_GRAPHS = 128

NC = 2
NS = 16
NW = NC * NS
ACC_PAD = 10240
ROWS_PER_TILE = ACC_PAD // NS
ECHUNK = 128
NCHUNK = 80
E_PAD = NW * NCHUNK * ECHUNK
DEG_PAD = 10240
DEG_PER_TILE = DEG_PAD // NS

_HIGH = jax.lax.Precision.HIGHEST


def _mesh():
    return plsc.VectorSubcoreMesh(core_axis_name="c", subcore_axis_name="s")


def _deg_body(dst_hbm, deg_hbm, acc_sh, dstall, ones_v, zbuf):
    c = lax.axis_index("c")
    s = lax.axis_index("s")
    w = c * NS + s
    one16 = jnp.full((16,), 1.0, dtype=jnp.float32)
    zero16 = jnp.zeros((16,), dtype=jnp.float32)

    def fill_ones(k, _):
        ones_v[pl.ds(k * 16, 16)] = one16
        return 0

    lax.fori_loop(0, ECHUNK // 16, fill_ones, 0)

    def fill_zero(k, _):
        zbuf[pl.ds(k * 16, 16)] = zero16
        return 0

    lax.fori_loop(0, DEG_PER_TILE // 16, fill_zero, 0)
    pltpu.sync_copy(zbuf, acc_sh.at[pl.ds(s * DEG_PER_TILE, DEG_PER_TILE)])
    pltpu.sync_copy(dst_hbm.at[pl.ds(w * NCHUNK, NCHUNK)], dstall)
    plsc.subcore_barrier()

    def step(it, _):
        pltpu.sync_copy(ones_v, acc_sh.at[dstall.at[it]], add=True)
        return 0

    lax.fori_loop(0, jnp.minimum(NCHUNK, E // ECHUNK - w * NCHUNK), step, 0)
    plsc.subcore_barrier()
    pltpu.sync_copy(
        acc_sh.at[pl.ds(s * DEG_PER_TILE, DEG_PER_TILE)],
        deg_hbm.at[pl.ds(c * DEG_PAD + s * DEG_PER_TILE, DEG_PER_TILE)],
    )


def _sc_degree(dst2d):
    kern = pl.kernel(
        _deg_body,
        out_type=jax.ShapeDtypeStruct((NC * DEG_PAD,), jnp.float32),
        mesh=_mesh(),
        scratch_types=[
            pltpu.VMEM_SHARED((DEG_PAD,), jnp.float32),
            pltpu.VMEM((NCHUNK, ECHUNK), jnp.int32),
            pltpu.VMEM((ECHUNK,), jnp.float32),
            pltpu.VMEM((DEG_PER_TILE,), jnp.float32),
        ],
    )
    return kern(dst2d)


_PHCH = NCHUNK // 2


def _agg_body(g_hbm, src_hbm, dst_hbm, out_hbm, acc_sh, srcall, dstall,
              rows_a, rows_b, sem_a, sem_b):
    c = lax.axis_index("c")
    s = lax.axis_index("s")
    w = c * NS + s
    nch = jnp.minimum(NCHUNK, E // ECHUNK - w * NCHUNK)
    zero16 = jnp.zeros((16,), dtype=jnp.float32)

    def zrow(r, _):
        for j in range(D // 16):
            rows_a[r, pl.ds(j * 16, 16)] = zero16
        return 0

    lax.fori_loop(0, ECHUNK, zrow, 0)
    for rr in range(ROWS_PER_TILE // ECHUNK):
        pltpu.sync_copy(rows_a,
                        acc_sh.at[pl.ds(s * ROWS_PER_TILE + rr * ECHUNK, ECHUNK)])
    plsc.subcore_barrier()

    for ph in range(NCHUNK // _PHCH):
        cnt = jnp.clip(nch - ph * _PHCH, 0, _PHCH)

        def step(k, _):
            it0 = 2 * k
            it1 = 2 * k + 1
            pltpu.async_copy(g_hbm.at[srcall.at[it1]], rows_b, sem_b)
            pltpu.make_async_copy(g_hbm.at[srcall.at[it0]], rows_a, sem_a).wait()
            pltpu.sync_copy(rows_a, acc_sh.at[dstall.at[it0]], add=True)

            @pl.when(k < cnt // 2 - 1)
            def _():
                pltpu.async_copy(g_hbm.at[srcall.at[it1 + 1]], rows_a, sem_a)

            pltpu.make_async_copy(g_hbm.at[srcall.at[it1]], rows_b, sem_b).wait()
            pltpu.sync_copy(rows_b, acc_sh.at[dstall.at[it1]], add=True)
            return 0

        @pl.when(cnt > 0)
        def _():
            pltpu.sync_copy(src_hbm.at[pl.ds(w * NCHUNK + ph * _PHCH, _PHCH)],
                            srcall)
            pltpu.sync_copy(dst_hbm.at[pl.ds(w * NCHUNK + ph * _PHCH, _PHCH)],
                            dstall)
            pltpu.async_copy(g_hbm.at[srcall.at[0]], rows_a, sem_a)

        lax.fori_loop(0, cnt // 2, step, 0)

    plsc.subcore_barrier()
    pltpu.sync_copy(
        acc_sh.at[pl.ds(s * ROWS_PER_TILE, ROWS_PER_TILE)],
        out_hbm.at[pl.ds(c * ACC_PAD + s * ROWS_PER_TILE, ROWS_PER_TILE)],
    )


def _sc_aggregate(g, src2d, dst2d):
    kern = pl.kernel(
        _agg_body,
        out_type=jax.ShapeDtypeStruct((NC * ACC_PAD, D), jnp.float32),
        mesh=_mesh(),
        scratch_types=[
            pltpu.VMEM_SHARED((ACC_PAD, D), jnp.float32),
            pltpu.VMEM((_PHCH, ECHUNK), jnp.int32),
            pltpu.VMEM((_PHCH, ECHUNK), jnp.int32),
            pltpu.VMEM((ECHUNK, D), jnp.float32),
            pltpu.VMEM((ECHUNK, D), jnp.float32),
            pltpu.SemaphoreType.DMA,
            pltpu.SemaphoreType.DMA,
        ],
    )
    return kern(g, src2d, dst2d)


_RB = 2000
_GRID = N // _RB
_DEF = jax.lax.Precision.DEFAULT


def _dinv_col(degp_blk):
    return lax.rsqrt(degp_blk[:, 0:1] + degp_blk[:, 1:2] + 1.0)


_EB = 32768


def _split_body(ei_ref, src_ref, dst_ref):
    src_ref[...] = ei_ref[0, :].reshape(_EB // ECHUNK, ECHUNK)
    dst_ref[...] = ei_ref[1, :].reshape(_EB // ECHUNK, ECHUNK)


def _tc_split_edges(ei):
    return pl.pallas_call(
        _split_body,
        grid=(10,),
        in_specs=[pl.BlockSpec((2, _EB), lambda i: (0, i))],
        out_specs=[
            pl.BlockSpec((_EB // ECHUNK, ECHUNK), lambda i: (i, 0)),
            pl.BlockSpec((_EB // ECHUNK, ECHUNK), lambda i: (i, 0)),
        ],
        out_shape=[
            jax.ShapeDtypeStruct((E_PAD // ECHUNK, ECHUNK), jnp.int32),
            jax.ShapeDtypeStruct((E_PAD // ECHUNK, ECHUNK), jnp.int32),
        ],
    )(ei)


def _k2a_body(x_ref, we_ref, w0_ref, t_ref):
    t = lax.dot_general(x_ref[...], we_ref[...], (((1,), (0,)), ((), ())),
                        precision=_DEF, preferred_element_type=jnp.float32)
    t_ref[...] = lax.dot_general(t, w0_ref[...], (((1,), (0,)), ((), ())),
                                 precision=_DEF,
                                 preferred_element_type=jnp.float32)


def _tc_embed(x, W_embed, W0):
    return pl.pallas_call(
        _k2a_body,
        grid=(_GRID,),
        in_specs=[
            pl.BlockSpec((_RB, D), lambda i: (i, 0)),
            pl.BlockSpec((D, D), lambda i: (0, 0)),
            pl.BlockSpec((D, D), lambda i: (0, 0)),
        ],
        out_specs=pl.BlockSpec((_RB, D), lambda i: (i, 0)),
        out_shape=jax.ShapeDtypeStruct((N, D), jnp.float32),
    )(x, W_embed, W0)


def _k2b_body(t_ref, degp_ref, g1_ref):
    g1_ref[...] = _dinv_col(degp_ref[...]) * t_ref[...]


def _tc_scale(t, degp):
    return pl.pallas_call(
        _k2b_body,
        grid=(_GRID,),
        in_specs=[
            pl.BlockSpec((_RB, D), lambda i: (i, 0)),
            pl.BlockSpec((_RB, NC), lambda i: (i, 0)),
        ],
        out_specs=pl.BlockSpec((_RB, D), lambda i: (i, 0)),
        out_shape=jax.ShapeDtypeStruct((N, D), jnp.float32),
    )(t, degp)


def _k4_body(acc_ref, g1_ref, degp_ref, w1_ref, b0_ref, g2_ref):
    dv = _dinv_col(degp_ref[...])
    a = acc_ref[0] + acc_ref[1] + g1_ref[...]
    h1 = jnp.maximum(dv * a + b0_ref[...], 0.0)
    t = lax.dot_general(h1, w1_ref[...], (((1,), (0,)), ((), ())),
                        precision=_DEF, preferred_element_type=jnp.float32)
    g2_ref[...] = dv * t


def _tc_layer2_prep(acc1, g1, degp, W1, b0):
    return pl.pallas_call(
        _k4_body,
        grid=(_GRID,),
        in_specs=[
            pl.BlockSpec((NC, _RB, D), lambda i: (0, i, 0)),
            pl.BlockSpec((_RB, D), lambda i: (i, 0)),
            pl.BlockSpec((_RB, NC), lambda i: (i, 0)),
            pl.BlockSpec((D, D), lambda i: (0, 0)),
            pl.BlockSpec((1, D), lambda i: (0, 0)),
        ],
        out_specs=pl.BlockSpec((_RB, D), lambda i: (i, 0)),
        out_shape=jax.ShapeDtypeStruct((N, D), jnp.float32),
    )(acc1, g1, degp, W1, b0)


def _k6_body(acc_ref, g2_ref, degp_ref, batch_ref, cent_ref, b1_ref,
             wout_ref, bout_ref, out_ref, pacc):
    i = pl.program_id(0)

    @pl.when(i == 0)
    def _init():
        pacc[...] = jnp.zeros_like(pacc)

    dv = _dinv_col(degp_ref[...])
    a = acc_ref[0] + acc_ref[1] + g2_ref[...]
    h2 = jnp.maximum(dv * a + b1_ref[...], 0.0)

    cent = cent_ref[...]
    csq = jnp.sum(cent * cent, axis=1)
    hc = lax.dot_general(h2, cent, (((1,), (1,)), ((), ())),
                         precision=_DEF, preferred_element_type=jnp.float32)
    sq = jnp.sum(h2 * h2, axis=1, keepdims=True) + csq[None, :] - 2.0 * hc
    dist = jnp.sqrt(jnp.maximum(sq, 1e-8))
    dist1 = jnp.concatenate(
        [dist, jnp.ones((dist.shape[0], 1), jnp.float32)], axis=1)

    gids = lax.broadcasted_iota(jnp.int32, (NUM_GRAPHS, _RB), 0)
    bt = batch_ref[...].reshape(1, _RB)
    oht = (bt == gids).astype(jnp.float32)
    pacc[...] += lax.dot_general(oht, dist1, (((1,), (0,)), ((), ())),
                                 precision=_DEF,
                                 preferred_element_type=jnp.float32)

    @pl.when(i == _GRID - 1)
    def _final():
        p = pacc[...]
        pooled = p[:, :NUM_CENTROID] / jnp.maximum(p[:, NUM_CENTROID:], 1.0)
        out_ref[...] = lax.dot_general(
            pooled, wout_ref[...], (((1,), (0,)), ((), ())),
            precision=_HIGH, preferred_element_type=jnp.float32) + bout_ref[...]


def _tc_pool_out(acc2, g2, degp, batch, centroids, b1, W_out, b_out):
    return pl.pallas_call(
        _k6_body,
        grid=(_GRID,),
        in_specs=[
            pl.BlockSpec((NC, _RB, D), lambda i: (0, i, 0)),
            pl.BlockSpec((_RB, D), lambda i: (i, 0)),
            pl.BlockSpec((_RB, NC), lambda i: (i, 0)),
            pl.BlockSpec((1, 1, _RB), lambda i: (i, 0, 0)),
            pl.BlockSpec((NUM_CENTROID, D), lambda i: (0, 0)),
            pl.BlockSpec((1, D), lambda i: (0, 0)),
            pl.BlockSpec((NUM_CENTROID, NUM_CLASS), lambda i: (0, 0)),
            pl.BlockSpec((1, NUM_CLASS), lambda i: (0, 0)),
        ],
        out_specs=pl.BlockSpec((NUM_GRAPHS, NUM_CLASS), lambda i: (0, 0)),
        out_shape=jax.ShapeDtypeStruct((NUM_GRAPHS, NUM_CLASS), jnp.float32),
        scratch_shapes=[pltpu.VMEM((NUM_GRAPHS, NUM_CENTROID + 1), jnp.float32)],
    )(acc2, g2, degp, batch, centroids, b1, W_out, b_out)


def kernel(x, edge_index, batch, W_embed, W_gcn, b_gcn, centroids, W_out, b_out):
    src2d, dst2d = _tc_split_edges(edge_index)
    b0 = b_gcn[0].reshape(1, D)
    b1 = b_gcn[1].reshape(1, D)
    bout = b_out.reshape(1, NUM_CLASS)

    degp = _sc_degree(dst2d).reshape(NC, DEG_PAD).T
    t = _tc_embed(x, W_embed, W_gcn[0])
    g1 = _tc_scale(t, degp)
    acc1 = _sc_aggregate(g1, src2d, dst2d).reshape(NC, ACC_PAD, D)
    g2 = _tc_layer2_prep(acc1, g1, degp, W_gcn[1], b0)
    acc2 = _sc_aggregate(g2, src2d, dst2d).reshape(NC, ACC_PAD, D)
    batch3 = batch.reshape(_GRID, 1, _RB)
    return _tc_pool_out(acc2, g2, degp, batch3, centroids, b1, W_out, bout)

# --- scband reference (transcript-rebuilt; emitter-appended) ---
"""Pipeline reference for scband-graph-classification-88390426952163 (READ-ONLY COPY).

The authoritative reference and input builder live on the scoring server;
editing this copy changes nothing except your own understanding.
"""

import jax, jax.numpy as jnp
import numpy as np

N = 10000
E = 320000
D_IN = 128
D = 128
NUM_LAYERS = 2
NUM_CENTROID = 100
NUM_CLASS = 10
NUM_GRAPHS = 128


def _xavier(key, fan_in, fan_out, shape):
    s = np.sqrt(6.0 / (fan_in + fan_out))
    return jax.random.uniform(key, shape, minval=-s, maxval=s, dtype=jnp.float32)


def setup_inputs(seed: int = 0) -> dict:
    key = jax.random.key(seed)
    ks = jax.random.split(key, 10)
    x = jax.random.normal(ks[0], (N, D_IN), dtype=jnp.float32)
    edge_index = jax.random.randint(ks[1], (2, E), 0, N, dtype=jnp.int32)
    batch = jnp.sort(jax.random.randint(ks[2], (N,), 0, NUM_GRAPHS, dtype=jnp.int32))
    W_embed = _xavier(ks[3], D_IN, D, (D_IN, D))
    W_gcn = jnp.stack([_xavier(jax.random.fold_in(ks[4], l), D, D, (D, D)) for l in range(NUM_LAYERS)])
    b_gcn = jnp.zeros((NUM_LAYERS, D), dtype=jnp.float32)
    centroids = jax.random.normal(ks[5], (NUM_CENTROID, D), dtype=jnp.float32) * 0.05
    W_out = _xavier(ks[6], NUM_CENTROID, NUM_CLASS, (NUM_CENTROID, NUM_CLASS))
    b_out = jnp.zeros((NUM_CLASS,), dtype=jnp.float32)
    return {"x": x, "edge_index": edge_index, "batch": batch, "W_embed": W_embed,
            "W_gcn": W_gcn, "b_gcn": b_gcn, "centroids": centroids,
            "W_out": W_out, "b_out": b_out}


def reference(x, edge_index, batch, W_embed, W_gcn, b_gcn, centroids, W_out, b_out):
    # add self-loops (as in torch_geometric GCNConv)
    loop = jnp.arange(N, dtype=edge_index.dtype)
    src = jnp.concatenate([edge_index[0], loop])
    dst = jnp.concatenate([edge_index[1], loop])
    deg = jax.ops.segment_sum(jnp.ones_like(dst, dtype=jnp.float32), dst, num_segments=N)
    dinv = jnp.where(deg > 0, jax.lax.rsqrt(jnp.maximum(deg, 1e-12)), 0.0)
    norm = dinv[src] * dinv[dst]

    def gcn_conv(h, W, b):
        h = h @ W
        msg = h[src] * norm[:, None]
        agg = jax.ops.segment_sum(msg, dst, num_segments=N)
        return agg + b

    h = x @ W_embed  # nn.Linear(in_features, embed_dim, bias=False)
    for l in range(NUM_LAYERS):
        h = gcn_conv(h, W_gcn[l], b_gcn[l])
        h = jax.nn.relu(h)  # ManifoldConv nonlinearity (Euclidean manifold: exp/log are identity)

    # CentroidDistance: Euclidean distance from each node to each learned centroid
    sq = (jnp.sum(h * h, axis=1, keepdims=True)
          + jnp.sum(centroids * centroids, axis=1)[None, :]
          - 2.0 * (h @ centroids.T))
    dist = jnp.sqrt(jnp.maximum(sq, 1e-8))  # [N, NUM_CENTROID]

    # mean-pool distances per graph using batch segment ids
    counts = jax.ops.segment_sum(jnp.ones((N,), dtype=jnp.float32), batch, num_segments=NUM_GRAPHS)
    pooled = jax.ops.segment_sum(dist, batch, num_segments=NUM_GRAPHS)
    pooled = pooled / jnp.maximum(counts, 1.0)[:, None]

    return pooled @ W_out + b_out  # [NUM_GRAPHS, NUM_CLASS]

if __name__ == "__main__":
    import jax
    _d = setup_inputs()
    print(jax.jit(kernel)(*tuple(_d.values())))

</pallas_src>

<mosaic_0001>
#map = affine_map<(d0, d1) -> (0, 0)>
module attributes {stable_mosaic.version = 14 : i64} {
  func.func @_agg_body(%arg0: i32, %arg1: i32, %arg2: memref<10000x128xf32, #tpu.memory_space<hbm>>, %arg3: memref<2560x128xi32, #tpu.memory_space<hbm>>, %arg4: memref<2560x128xi32, #tpu.memory_space<hbm>>, %arg5: memref<20480x128xf32, #tpu.memory_space<hbm>>, %arg6: memref<10240x128xf32, #tpu.memory_space<vmem_shared>>, %arg7: memref<40x128xi32, #tpu.memory_space<vmem>>, %arg8: memref<40x128xi32, #tpu.memory_space<vmem>>, %arg9: memref<128x128xf32, #tpu.memory_space<vmem>>, %arg10: memref<128x128xf32, #tpu.memory_space<vmem>>, %arg11: memref<!tpu.dma_semaphore, #tpu.memory_space<semaphore_mem>>, %arg12: memref<!tpu.dma_semaphore, #tpu.memory_space<semaphore_mem>>) attributes {dimension_semantics = [#tpu.dimension_semantics<core_parallel>, #tpu.dimension_semantics<subcore_parallel>], iteration_bounds = array<i64: 2, 16>, scalar_prefetch = 0 : i64, scratch_operands = 7 : i64, tpu.core_type = #tpu.core_type<sc_vector_subcore>, window_params = [{transform_indices = #map}, {transform_indices = #map}, {transform_indices = #map}, {transform_indices = #map}]} {
    %mul3A = arith.constant 16 : i32
    %mul3A_0 = arith.muli %arg0, %mul3A : i32
    %add3A = arith.addi %mul3A_0, %arg1 : i32
    %mul3A_1 = arith.constant 80 : i32
    %mul3A_2 = arith.muli %add3A, %mul3A_1 : i32
    %sub3A = arith.constant 2500 : i32
    %sub3A_3 = arith.subi %sub3A, %mul3A_2 : i32
    %min3A = arith.constant 80 : i32
    %min3A_4 = arith.minsi %min3A, %sub3A_3 : i32
    %broadcast_in_dim3A = arith.constant 0.000000e+00 : f32
    %broadcast_in_dim3A_5 = vector.broadcast %broadcast_in_dim3A : f32 to vector<16xf32>
    %scan3A = arith.constant 0 : i32
    %scan3A_6 = arith.constant 0 : i32
    %scan3A_7 = arith.constant 128 : i32
    %scan3A_8 = arith.addi %scan3A_6, %scan3A_7 : i32
    %scan3A_9 = arith.constant 1 : i32
    %scan3A_10 = scf.for %scan3A_122 = %scan3A_6 to %scan3A_8 step %scan3A_9 iter_args(%scan3A_123 = %scan3A) -> (i32)  : i32 {
      %swap3A = arith.index_cast %scan3A_122 : i32 to index
      %swap3A_124 = arith.constant 0 : index
      %swap3A_125 = tpu.vector_load %arg9[%swap3A, %swap3A_124] {strides = array<i32>} : memref<128x128xf32, #tpu.memory_space<vmem>>, vector<1x16xf32>,
      %swap3A_126 = vector.shape_cast %swap3A_125 : vector<1x16xf32> to vector<16xf32>
      %swap3A_127 = vector.shape_cast %broadcast_in_dim3A_5 : vector<16xf32> to vector<1x16xf32>
      tpu.vector_store %arg9[%swap3A, %swap3A_124], %swap3A_127 {strides = array<i32>} : memref<128x128xf32, #tpu.memory_space<vmem>>, vector<1x16xf32>,
      %swap3A_128 = arith.index_cast %scan3A_122 : i32 to index
      %swap3A_129 = arith.constant 16 : index
      %swap3A_130 = tpu.vector_load %arg9[%swap3A_128, %swap3A_129] {strides = array<i32>} : memref<128x128xf32, #tpu.memory_space<vmem>>, vector<1x16xf32>,
      %swap3A_131 = vector.shape_cast %swap3A_130 : vector<1x16xf32> to vector<16xf32>
      %swap3A_132 = vector.shape_cast %broadcast_in_dim3A_5 : vector<16xf32> to vector<1x16xf32>
      tpu.vector_store %arg9[%swap3A_128, %swap3A_129], %swap3A_132 {strides = array<i32>} : memref<128x128xf32, #tpu.memory_space<vmem>>, vector<1x16xf32>,
      %swap3A_133 = arith.index_cast %scan3A_122 : i32 to index
      %swap3A_134 = arith.constant 32 : index
      %swap3A_135 = tpu.vector_load %arg9[%swap3A_133, %swap3A_134] {strides = array<i32>} : memref<128x128xf32, #tpu.memory_space<vmem>>, vector<1x16xf32>,
      %swap3A_136 = vector.shape_cast %swap3A_135 : vector<1x16xf32> to vector<16xf32>
      %swap3A_137 = vector.shape_cast %broadcast_in_dim3A_5 : vector<16xf32> to vector<1x16xf32>
      tpu.vector_store %arg9[%swap3A_133, %swap3A_134], %swap3A_137 {strides = array<i32>} : memref<128x128xf32, #tpu.memory_space<vmem>>, vector<1x16xf32>,
      %swap3A_138 = arith.index_cast %scan3A_122 : i32 to index
      %swap3A_139 = arith.constant 48 : index
      %swap3A_140 = tpu.vector_load %arg9[%swap3A_138, %swap3A_139] {strides = array<i32>} : memref<128x128xf32, #tpu.memory_space<vmem>>, vector<1x16xf32>,
      %swap3A_141 = vector.shape_cast %swap3A_140 : vector<1x16xf32> to vector<16xf32>
      %swap3A_142 = vector.shape_cast %broadcast_in_dim3A_5 : vector<16xf32> to vector<1x16xf32>
      tpu.vector_store %arg9[%swap3A_138, %swap3A_139], %swap3A_142 {strides = array<i32>} : memref<128x128xf32, #tpu.memory_space<vmem>>, vector<1x16xf32>,
      %swap3A_143 = arith.index_cast %scan3A_122 : i32 to index
      %swap3A_144 = arith.constant 64 : index
      %swap3A_145 = tpu.vector_load %arg9[%swap3A_143, %swap3A_144] {strides = array<i32>} : memref<128x128xf32, #tpu.memory_space<vmem>>, vector<1x16xf32>,
      %swap3A_146 = vector.shape_cast %swap3A_145 : vector<1x16xf32> to vector<16xf32>
      %swap3A_147 = vector.shape_cast %broadcast_in_dim3A_5 : vector<16xf32> to vector<1x16xf32>
      tpu.vector_store %arg9[%swap3A_143, %swap3A_144], %swap3A_147 {strides = array<i32>} : memref<128x128xf32, #tpu.memory_space<vmem>>, vector<1x16xf32>,
      %swap3A_148 = arith.index_cast %scan3A_122 : i32 to index
      %swap3A_149 = arith.constant 80 : index
      %swap3A_150 = tpu.vector_load %arg9[%swap3A_148, %swap3A_149] {strides = array<i32>} : memref<128x128xf32, #tpu.memory_space<vmem>>, vector<1x16xf32>,
      %swap3A_151 = vector.shape_cast %swap3A_150 : vector<1x16xf32> to vector<16xf32>
      %swap3A_152 = vector.shape_cast %broadcast_in_dim3A_5 : vector<16xf32> to vector<1x16xf32>
      tpu.vector_store %arg9[%swap3A_148, %swap3A_149], %swap3A_152 {strides = array<i32>} : memref<128x128xf32, #tpu.memory_space<vmem>>, vector<1x16xf32>,
      %swap3A_153 = arith.index_cast %scan3A_122 : i32 to index
      %swap3A_154 = arith.constant 96 : index
      %swap3A_155 = tpu.vector_load %arg9[%swap3A_153, %swap3A_154] {strides = array<i32>} : memref<128x128xf32, #tpu.memory_space<vmem>>, vector<1x16xf32>,
      %swap3A_156 = vector.shape_cast %swap3A_155 : vector<1x16xf32> to vector<16xf32>
      %swap3A_157 = vector.shape_cast %broadcast_in_dim3A_5 : vector<16xf32> to vector<1x16xf32>
      tpu.vector_store %arg9[%swap3A_153, %swap3A_154], %swap3A_157 {strides = array<i32>} : memref<128x128xf32, #tpu.memory_space<vmem>>, vector<1x16xf32>,
      %swap3A_158 = arith.index_cast %scan3A_122 : i32 to index
      %swap3A_159 = arith.constant 112 : index
      %swap3A_160 = tpu.vector_load %arg9[%swap3A_158, %swap3A_159] {strides = array<i32>} : memref<128x128xf32, #tpu.memory_space<vmem>>, vector<1x16xf32>,
      %swap3A_161 = vector.shape_cast %swap3A_160 : vector<1x16xf32> to vector<16xf32>
      %swap3A_162 = vector.shape_cast %broadcast_in_dim3A_5 : vector<16xf32> to vector<1x16xf32>
      tpu.vector_store %arg9[%swap3A_158, %swap3A_159], %swap3A_162 {strides = array<i32>} : memref<128x128xf32, #tpu.memory_space<vmem>>, vector<1x16xf32>,
      %scan3A_163 = arith.constant 0 : i32
      scf.yield %scan3A_163 : i32
    }
    %scan3A_11 = arith.constant 128 : i32
    %mul3A_12 = arith.constant 640 : i32
    %mul3A_13 = arith.muli %arg1, %mul3A_12 : i32
    %add3A_14 = arith.constant 0 : i32
    %add3A_15 = arith.addi %mul3A_13, %add3A_14 : i32
    "tpu.region"() ({
      %run_scoped3A = tpu.sem_alloc : memref<!tpu.dma_semaphore, #tpu.memory_space<semaphore_mem>>
      %dma_start3A = arith.constant 0 : i32
      %dma_start3A_122 = tpu.memref_slice %arg6[%add3A_15, %dma_start3A] : memref<10240x128xf32, #tpu.memory_space<vmem_shared>> -> memref<128x128xf32, #tpu.memory_space<vmem_shared>>
      %dma_start3A_123 = arith.constant 0 : i32
      %dma_start3A_124 = tpu.memref_slice %arg6[%add3A_15, %dma_start3A_123] : memref<10240x128xf32, #tpu.memory_space<vmem_shared>> -> memref<128x128xf32, #tpu.memory_space<vmem_shared>>
      tpu.enqueue_dma source(%arg9 : memref<128x128xf32, #tpu.memory_space<vmem>>) target(%dma_start3A_124 : memref<128x128xf32, #tpu.memory_space<vmem_shared>>) target_semaphore(%run_scoped3A : memref<!tpu.dma_semaphore, #tpu.memory_space<semaphore_mem>>)
      %dma_wait3A = arith.constant 0 : i32
      %dma_wait3A_125 = tpu.memref_slice %arg6[%add3A_15, %dma_wait3A] : memref<10240x128xf32, #tpu.memory_space<vmem_shared>> -> memref<128x128xf32, #tpu.memory_space<vmem_shared>>
      %dma_wait3A_126 = arith.constant 0 : i32
      %dma_wait3A_127 = tpu.memref_slice %arg6[%add3A_15, %dma_wait3A_126] : memref<10240x128xf32, #tpu.memory_space<vmem_shared>> -> memref<128x128xf32, #tpu.memory_space<vmem_shared>>
      tpu.wait_dma2 semaphore(%run_scoped3A : memref<!tpu.dma_semaphore, #tpu.memory_space<semaphore_mem>>) src(%arg9 : memref<128x128xf32, #tpu.memory_space<vmem>>) dst(%dma_wait3A_127 : memref<128x128xf32, #tpu.memory_space<vmem_shared>>)
      tpu.yield
    }) : () -> ()
    %mul3A_16 = arith.constant 640 : i32
    %mul3A_17 = arith.muli %arg1, %mul3A_16 : i32
    %add3A_18 = arith.constant 128 : i32
    %add3A_19 = arith.addi %mul3A_17, %add3A_18 : i32
    "tpu.region"() ({
      %run_scoped3A = tpu.sem_alloc : memref<!tpu.dma_semaphore, #tpu.memory_space<semaphore_mem>>
      %dma_start3A = arith.constant 0 : i32
      %dma_start3A_122 = tpu.memref_slice %arg6[%add3A_19, %dma_start3A] : memref<10240x128xf32, #tpu.memory_space<vmem_shared>> -> memref<128x128xf32, #tpu.memory_space<vmem_shared>>
      %dma_start3A_123 = arith.constant 0 : i32
      %dma_start3A_124 = tpu.memref_slice %arg6[%add3A_19, %dma_start3A_123] : memref<10240x128xf32, #tpu.memory_space<vmem_shared>> -> memref<128x128xf32, #tpu.memory_space<vmem_shared>>
      tpu.enqueue_dma source(%arg9 : memref<128x128xf32, #tpu.memory_space<vmem>>) target(%dma_start3A_124 : memref<128x128xf32, #tpu.memory_space<vmem_shared>>) target_semaphore(%run_scoped3A : memref<!tpu.dma_semaphore, #tpu.memory_space<semaphore_mem>>)
      %dma_wait3A = arith.constant 0 : i32
      %dma_wait3A_125 = tpu.memref_slice %arg6[%add3A_19, %dma_wait3A] : memref<10240x128xf32, #tpu.memory_space<vmem_shared>> -> memref<128x128xf32, #tpu.memory_space<vmem_shared>>
      %dma_wait3A_126 = arith.constant 0 : i32
      %dma_wait3A_127 = tpu.memref_slice %arg6[%add3A_19, %dma_wait3A_126] : memref<10240x128xf32, #tpu.memory_space<vmem_shared>> -> memref<128x128xf32, #tpu.memory_space<vmem_shared>>
      tpu.wait_dma2 semaphore(%run_scoped3A : memref<!tpu.dma_semaphore, #tpu.memory_space<semaphore_mem>>) src(%arg9 : memref<128x128xf32, #tpu.memory_space<vmem>>) dst(%dma_wait3A_127 : memref<128x128xf32, #tpu.memory_space<vmem_shared>>)
      tpu.yield
    }) : () -> ()
    %mul3A_20 = arith.constant 640 : i32
    %mul3A_21 = arith.muli %arg1, %mul3A_20 : i32
    %add3A_22 = arith.constant 256 : i32
    %add3A_23 = arith.addi %mul3A_21, %add3A_22 : i32
    "tpu.region"() ({
      %run_scoped3A = tpu.sem_alloc : memref<!tpu.dma_semaphore, #tpu.memory_space<semaphore_mem>>
      %dma_start3A = arith.constant 0 : i32
      %dma_start3A_122 = tpu.memref_slice %arg6[%add3A_23, %dma_start3A] : memref<10240x128xf32, #tpu.memory_space<vmem_shared>> -> memref<128x128xf32, #tpu.memory_space<vmem_shared>>
      %dma_start3A_123 = arith.constant 0 : i32
      %dma_start3A_124 = tpu.memref_slice %arg6[%add3A_23, %dma_start3A_123] : memref<10240x128xf32, #tpu.memory_space<vmem_shared>> -> memref<128x128xf32, #tpu.memory_space<vmem_shared>>
      tpu.enqueue_dma source(%arg9 : memref<128x128xf32, #tpu.memory_space<vmem>>) target(%dma_start3A_124 : memref<128x128xf32, #tpu.memory_space<vmem_shared>>) target_semaphore(%run_scoped3A : memref<!tpu.dma_semaphore, #tpu.memory_space<semaphore_mem>>)
      %dma_wait3A = arith.constant 0 : i32
      %dma_wait3A_125 = tpu.memref_slice %arg6[%add3A_23, %dma_wait3A] : memref<10240x128xf32, #tpu.memory_space<vmem_shared>> -> memref<128x128xf32, #tpu.memory_space<vmem_shared>>
      %dma_wait3A_126 = arith.constant 0 : i32
      %dma_wait3A_127 = tpu.memref_slice %arg6[%add3A_23, %dma_wait3A_126] : memref<10240x128xf32, #tpu.memory_space<vmem_shared>> -> memref<128x128xf32, #tpu.memory_space<vmem_shared>>
      tpu.wait_dma2 semaphore(%run_scoped3A : memref<!tpu.dma_semaphore, #tpu.memory_space<semaphore_mem>>) src(%arg9 : memref<128x128xf32, #tpu.memory_space<vmem>>) dst(%dma_wait3A_127 : memref<128x128xf32, #tpu.memory_space<vmem_shared>>)
      tpu.yield
    }) : () -> ()
    %mul3A_24 = arith.constant 640 : i32
    %mul3A_25 = arith.muli %arg1, %mul3A_24 : i32
    %add3A_26 = arith.constant 384 : i32
    %add3A_27 = arith.addi %mul3A_25, %add3A_26 : i32
    "tpu.region"() ({
      %run_scoped3A = tpu.sem_alloc : memref<!tpu.dma_semaphore, #tpu.memory_space<semaphore_mem>>
      %dma_start3A = arith.constant 0 : i32
      %dma_start3A_122 = tpu.memref_slice %arg6[%add3A_27, %dma_start3A] : memref<10240x128xf32, #tpu.memory_space<vmem_shared>> -> memref<128x128xf32, #tpu.memory_space<vmem_shared>>
      %dma_start3A_123 = arith.constant 0 : i32
      %dma_start3A_124 = tpu.memref_slice %arg6[%add3A_27, %dma_start3A_123] : memref<10240x128xf32, #tpu.memory_space<vmem_shared>> -> memref<128x128xf32, #tpu.memory_space<vmem_shared>>
      tpu.enqueue_dma source(%arg9 : memref<128x128xf32, #tpu.memory_space<vmem>>) target(%dma_start3A_124 : memref<128x128xf32, #tpu.memory_space<vmem_shared>>) target_semaphore(%run_scoped3A : memref<!tpu.dma_semaphore, #tpu.memory_space<semaphore_mem>>)
      %dma_wait3A = arith.constant 0 : i32
      %dma_wait3A_125 = tpu.memref_slice %arg6[%add3A_27, %dma_wait3A] : memref<10240x128xf32, #tpu.memory_space<vmem_shared>> -> memref<128x128xf32, #tpu.memory_space<vmem_shared>>
      %dma_wait3A_126 = arith.constant 0 : i32
      %dma_wait3A_127 = tpu.memref_slice %arg6[%add3A_27, %dma_wait3A_126] : memref<10240x128xf32, #tpu.memory_space<vmem_shared>> -> memref<128x128xf32, #tpu.memory_space<vmem_shared>>
      tpu.wait_dma2 semaphore(%run_scoped3A : memref<!tpu.dma_semaphore, #tpu.memory_space<semaphore_mem>>) src(%arg9 : memref<128x128xf32, #tpu.memory_space<vmem>>) dst(%dma_wait3A_127 : memref<128x128xf32, #tpu.memory_space<vmem_shared>>)
      tpu.yield
    }) : () -> ()
    %mul3A_28 = arith.constant 640 : i32
    %mul3A_29 = arith.muli %arg1, %mul3A_28 : i32
    %add3A_30 = arith.constant 512 : i32
    %add3A_31 = arith.addi %mul3A_29, %add3A_30 : i32
    "tpu.region"() ({
      %run_scoped3A = tpu.sem_alloc : memref<!tpu.dma_semaphore, #tpu.memory_space<semaphore_mem>>
      %dma_start3A = arith.constant 0 : i32
      %dma_start3A_122 = tpu.memref_slice %arg6[%add3A_31, %dma_start3A] : memref<10240x128xf32, #tpu.memory_space<vmem_shared>> -> memref<128x128xf32, #tpu.memory_space<vmem_shared>>
      %dma_start3A_123 = arith.constant 0 : i32
      %dma_start3A_124 = tpu.memref_slice %arg6[%add3A_31, %dma_start3A_123] : memref<10240x128xf32, #tpu.memory_space<vmem_shared>> -> memref<128x128xf32, #tpu.memory_space<vmem_shared>>
      tpu.enqueue_dma source(%arg9 : memref<128x128xf32, #tpu.memory_space<vmem>>) target(%dma_start3A_124 : memref<128x128xf32, #tpu.memory_space<vmem_shared>>) target_semaphore(%run_scoped3A : memref<!tpu.dma_semaphore, #tpu.memory_space<semaphore_mem>>)
      %dma_wait3A = arith.constant 0 : i32
      %dma_wait3A_125 = tpu.memref_slice %arg6[%add3A_31, %dma_wait3A] : memref<10240x128xf32, #tpu.memory_space<vmem_shared>> -> memref<128x128xf32, #tpu.memory_space<vmem_shared>>
      %dma_wait3A_126 = arith.constant 0 : i32
      %dma_wait3A_127 = tpu.memref_slice %arg6[%add3A_31, %dma_wait3A_126] : memref<10240x128xf32, #tpu.memory_space<vmem_shared>> -> memref<128x128xf32, #tpu.memory_space<vmem_shared>>
      tpu.wait_dma2 semaphore(%run_scoped3A : memref<!tpu.dma_semaphore, #tpu.memory_space<semaphore_mem>>) src(%arg9 : memref<128x128xf32, #tpu.memory_space<vmem>>) dst(%dma_wait3A_127 : memref<128x128xf32, #tpu.memory_space<vmem_shared>>)
      tpu.yield
    }) : () -> ()
    %barrier3A = arith.constant 0 : index
    tpu.barrier barrier_id(%barrier3A)
    %sub3A_32 = arith.constant 0 : i32
    %sub3A_33 = arith.subi %min3A_4, %sub3A_32 : i32
    %jit3A = arith.constant 0 : i32
    %jit3A_34 = arith.constant 40 : i32
    %max3A = arith.maxsi %jit3A, %sub3A_33 : i32
    %min3A_35 = arith.minsi %jit3A_34, %max3A : i32
    %gt3A = arith.constant 0 : i32
    %gt3A_36 = arith.cmpi sgt, %min3A_35, %gt3A : i32
    %convert_element_type3A = arith.extui %gt3A_36 : i1 to i32
    %cond3A = arith.constant 0 : i32
    %cond3A_37 = arith.cmpi ne, %convert_element_type3A, %cond3A : i32
    scf.if %cond3A_37 {
      %mul3A_122 = arith.constant 80 : i32
      %mul3A_123 = arith.muli %add3A, %mul3A_122 : i32
      %add3A_124 = arith.constant 0 : i32
      %add3A_125 = arith.addi %mul3A_123, %add3A_124 : i32
      "tpu.region"() ({
        %run_scoped3A = tpu.sem_alloc : memref<!tpu.dma_semaphore, #tpu.memory_space<semaphore_mem>>
        %dma_start3A_136 = arith.constant 0 : i32
        %dma_start3A_137 = tpu.memref_slice %arg3[%add3A_125, %dma_start3A_136] : memref<2560x128xi32, #tpu.memory_space<hbm>> -> memref<40x128xi32, #tpu.memory_space<hbm>>
        %dma_start3A_138 = arith.constant 0 : i32
        %dma_start3A_139 = tpu.memref_slice %arg3[%add3A_125, %dma_start3A_138] : memref<2560x128xi32, #tpu.memory_space<hbm>> -> memref<40x128xi32, #tpu.memory_space<hbm>>
        tpu.enqueue_dma source(%dma_start3A_139 : memref<40x128xi32, #tpu.memory_space<hbm>>) target(%arg7 : memref<40x128xi32, #tpu.memory_space<vmem>>) target_semaphore(%run_scoped3A : memref<!tpu.dma_semaphore, #tpu.memory_space<semaphore_mem>>)
        %dma_wait3A = arith.constant 0 : i32
        %dma_wait3A_140 = tpu.memref_slice %arg3[%add3A_125, %dma_wait3A] : memref<2560x128xi32, #tpu.memory_space<hbm>> -> memref<40x128xi32, #tpu.memory_space<hbm>>
        %dma_wait3A_141 = arith.constant 0 : i32
        %dma_wait3A_142 = tpu.memref_slice %arg3[%add3A_125, %dma_wait3A_141] : memref<2560x128xi32, #tpu.memory_space<hbm>> -> memref<40x128xi32, #tpu.memory_space<hbm>>
        tpu.wait_dma2 semaphore(%run_scoped3A : memref<!tpu.dma_semaphore, #tpu.memory_space<semaphore_mem>>) src(%dma_wait3A_142 : memref<40x128xi32, #tpu.memory_space<hbm>>) dst(%arg7 : memref<40x128xi32, #tpu.memory_space<vmem>>)
        tpu.yield
      }) : () -> ()
      %mul3A_126 = arith.constant 80 : i32
      %mul3A_127 = arith.muli %add3A, %mul3A_126 : i32
      %add3A_128 = arith.constant 0 : i32
      %add3A_129 = arith.addi %mul3A_127, %add3A_128 : i32
      "tpu.region"() ({
        %run_scoped3A = tpu.sem_alloc : memref<!tpu.dma_semaphore, #tpu.memory_space<semaphore_mem>>
        %dma_start3A_136 = arith.constant 0 : i32
        %dma_start3A_137 = tpu.memref_slice %arg4[%add3A_129, %dma_start3A_136] : memref<2560x128xi32, #tpu.memory_space<hbm>> -> memref<40x128xi32, #tpu.memory_space<hbm>>
        %dma_start3A_138 = arith.constant 0 : i32
        %dma_start3A_139 = tpu.memref_slice %arg4[%add3A_129, %dma_start3A_138] : memref<2560x128xi32, #tpu.memory_space<hbm>> -> memref<40x128xi32, #tpu.memory_space<hbm>>
        tpu.enqueue_dma source(%dma_start3A_139 : memref<40x128xi32, #tpu.memory_space<hbm>>) target(%arg8 : memref<40x128xi32, #tpu.memory_space<vmem>>) target_semaphore(%run_scoped3A : memref<!tpu.dma_semaphore, #tpu.memory_space<semaphore_mem>>)
        %dma_wait3A = arith.constant 0 : i32
        %dma_wait3A_140 = tpu.memref_slice %arg4[%add3A_129, %dma_wait3A] : memref<2560x128xi32, #tpu.memory_space<hbm>> -> memref<40x128xi32, #tpu.memory_space<hbm>>
        %dma_wait3A_141 = arith.constant 0 : i32
        %dma_wait3A_142 = tpu.memref_slice %arg4[%add3A_129, %dma_wait3A_141] : memref<2560x128xi32, #tpu.memory_space<hbm>> -> memref<40x128xi32, #tpu.memory_space<hbm>>
        tpu.wait_dma2 semaphore(%run_scoped3A : memref<!tpu.dma_semaphore, #tpu.memory_space<semaphore_mem>>) src(%dma_wait3A_142 : memref<40x128xi32, #tpu.memory_space<hbm>>) dst(%arg8 : memref<40x128xi32, #tpu.memory_space<vmem>>)
        tpu.yield
      }) : () -> ()
      %dma_start3A = arith.constant 0 : i32
      %dma_start3A_130 = arith.constant 0 : i32
      %dma_start3A_131 = tpu.memref_slice %arg7[%dma_start3A, %dma_start3A_130] : memref<40x128xi32, #tpu.memory_space<vmem>> -> memref<1x128xi32, #tpu.memory_space<vmem>>
      %dma_start3A_132 = tpu.memref_squeeze %dma_start3A_131 : memref<1x128xi32, #tpu.memory_space<vmem>> -> memref<128xi32, #tpu.memory_space<vmem>>
      %dma_start3A_133 = arith.constant 0 : i32
      %dma_start3A_134 = arith.constant 0 : i32
      %dma_start3A_135 = tpu.memref_slice %arg2[%dma_start3A_133, %dma_start3A_134] : memref<10000x128xf32, #tpu.memory_space<hbm>> -> memref<10000x128xf32, #tpu.memory_space<hbm>>
      tpu.enqueue_indirect_dma source(%dma_start3A_135 : memref<10000x128xf32, #tpu.memory_space<hbm>>) target(%arg9 : memref<128x128xf32, #tpu.memory_space<vmem>>) offsets(%dma_start3A_132 : memref<128xi32, #tpu.memory_space<vmem>>) semaphore(%arg11 : memref<!tpu.dma_semaphore, #tpu.memory_space<semaphore_mem>>)
    } else {
    }
    %jit3A_38 = arith.constant 2 : i32
    %div3A = arith.divsi %min3A_35, %jit3A_38 : i32
    %sign3A = arith.constant 0 : i32
    %sign3A_39 = arith.cmpi sgt, %min3A_35, %sign3A : i32
    %sign3A_40 = arith.extui %sign3A_39 : i1 to i32
    %sign3A_41 = arith.constant 0 : i32
    %sign3A_42 = arith.cmpi slt, %min3A_35, %sign3A_41 : i32
    %sign3A_43 = arith.extui %sign3A_42 : i1 to i32
    %sign3A_44 = arith.subi %sign3A_40, %sign3A_43 : i32
    %sign3A_45 = arith.constant 0 : i32
    %sign3A_46 = arith.cmpi sgt, %jit3A_38, %sign3A_45 : i32
    %sign3A_47 = arith.extui %sign3A_46 : i1 to i32
    %sign3A_48 = arith.constant 0 : i32
    %sign3A_49 = arith.cmpi slt, %jit3A_38, %sign3A_48 : i32
    %sign3A_50 = arith.extui %sign3A_49 : i1 to i32
    %sign3A_51 = arith.subi %sign3A_47, %sign3A_50 : i32
    %ne3A = arith.cmpi ne, %sign3A_44, %sign3A_51 : i32
    %rem3A = arith.remsi %min3A_35, %jit3A_38 : i32
    %ne3A_52 = arith.constant 0 : i32
    %ne3A_53 = arith.cmpi ne, %rem3A, %ne3A_52 : i32
    %and3A = arith.andi %ne3A, %ne3A_53 : i1
    %sub3A_54 = arith.constant 1 : i32
    %sub3A_55 = arith.subi %div3A, %sub3A_54 : i32
    %select_n3A = arith.select %and3A, %sub3A_55, %div3A : i32
    %while3A = arith.constant 0 : i32
    %while3A_56 = arith.constant 0 : i32
    %while3A_57 = arith.subi %select_n3A, %while3A : i32
    %while3A_58 = arith.addi %while3A, %while3A_57 : i32
    %while3A_59 = arith.constant 1 : i32
    %while3A_60 = arith.divsi %while3A_57, %while3A_59 : i32
    %while3A_61 = arith.muli %while3A_60, %while3A_59 : i32
    %while3A_62 = arith.addi %while3A, %while3A_61 : i32
    %while3A_63 = arith.constant 1 : i32
    %while3A_64 = scf.for %while3A_122 = %while3A to %while3A_62 step %while3A_63 iter_args(%while3A_123 = %while3A_56) -> (i32)  : i32 {
      %mul3A_124 = arith.constant 2 : i32
      %mul3A_125 = arith.muli %mul3A_124, %while3A_122 : i32
      %mul3A_126 = arith.constant 2 : i32
      %mul3A_127 = arith.muli %mul3A_126, %while3A_122 : i32
      %add3A_128 = arith.constant 1 : i32
      %add3A_129 = arith.addi %mul3A_127, %add3A_128 : i32
      %dma_start3A = arith.constant 0 : i32
      %dma_start3A_130 = tpu.memref_slice %arg7[%add3A_129, %dma_start3A] : memref<40x128xi32, #tpu.memory_space<vmem>> -> memref<1x128xi32, #tpu.memory_space<vmem>>
      %dma_start3A_131 = tpu.memref_squeeze %dma_start3A_130 : memref<1x128xi32, #tpu.memory_space<vmem>> -> memref<128xi32, #tpu.memory_space<vmem>>
      %dma_start3A_132 = arith.constant 0 : i32
      %dma_start3A_133 = arith.constant 0 : i32
      %dma_start3A_134 = tpu.memref_slice %arg2[%dma_start3A_132, %dma_start3A_133] : memref<10000x128xf32, #tpu.memory_space<hbm>> -> memref<10000x128xf32, #tpu.memory_space<hbm>>
      tpu.enqueue_indirect_dma source(%dma_start3A_134 : memref<10000x128xf32, #tpu.memory_space<hbm>>) target(%arg10 : memref<128x128xf32, #tpu.memory_space<vmem>>) offsets(%dma_start3A_131 : memref<128xi32, #tpu.memory_space<vmem>>) semaphore(%arg12 : memref<!tpu.dma_semaphore, #tpu.memory_space<semaphore_mem>>)
      %dma_wait3A = arith.constant 0 : i32
      %dma_wait3A_135 = tpu.memref_slice %arg7[%mul3A_125, %dma_wait3A] : memref<40x128xi32, #tpu.memory_space<vmem>> -> memref<1x128xi32, #tpu.memory_space<vmem>>
      %dma_wait3A_136 = tpu.memref_squeeze %dma_wait3A_135 : memref<1x128xi32, #tpu.memory_space<vmem>> -> memref<128xi32, #tpu.memory_space<vmem>>
      %dma_wait3A_137 = arith.constant 0 : i32
      %dma_wait3A_138 = arith.constant 0 : i32
      %dma_wait3A_139 = tpu.memref_slice %arg2[%dma_wait3A_137, %dma_wait3A_138] : memref<10000x128xf32, #tpu.memory_space<hbm>> -> memref<10000x128xf32, #tpu.memory_space<hbm>>
      tpu.wait_indirect_dma semaphore(%arg11 : memref<!tpu.dma_semaphore, #tpu.memory_space<semaphore_mem>>) src(%dma_wait3A_139 : memref<10000x128xf32, #tpu.memory_space<hbm>>) dst(%arg9 : memref<128x128xf32, #tpu.memory_space<vmem>>)
      "tpu.region"() ({
        %run_scoped3A = tpu.sem_alloc : memref<!tpu.dma_semaphore, #tpu.memory_space<semaphore_mem>>
        %dma_start3A_176 = arith.constant 0 : i32
        %dma_start3A_177 = tpu.memref_slice %arg8[%mul3A_125, %dma_start3A_176] : memref<40x128xi32, #tpu.memory_space<vmem>> -> memref<1x128xi32, #tpu.memory_space<vmem>>
        %dma_start3A_178 = tpu.memref_squeeze %dma_start3A_177 : memref<1x128xi32, #tpu.memory_space<vmem>> -> memref<128xi32, #tpu.memory_space<vmem>>
        %dma_start3A_179 = arith.constant 0 : i32
        %dma_start3A_180 = arith.constant 0 : i32
        %dma_start3A_181 = tpu.memref_slice %arg6[%dma_start3A_179, %dma_start3A_180] : memref<10240x128xf32, #tpu.memory_space<vmem_shared>> -> memref<10240x128xf32, #tpu.memory_space<vmem_shared>>
        tpu.enqueue_indirect_dma source(%arg9 : memref<128x128xf32, #tpu.memory_space<vmem>>) target(%dma_start3A_181 : memref<10240x128xf32, #tpu.memory_space<vmem_shared>>) offsets(%dma_start3A_178 : memref<128xi32, #tpu.memory_space<vmem>>) semaphore(%run_scoped3A : memref<!tpu.dma_semaphore, #tpu.memory_space<semaphore_mem>>) {add = true}
        %dma_wait3A_182 = arith.constant 0 : i32
        %dma_wait3A_183 = tpu.memref_slice %arg8[%mul3A_125, %dma_wait3A_182] : memref<40x128xi32, #tpu.memory_space<vmem>> -> memref<1x128xi32, #tpu.memory_space<vmem>>
        %dma_wait3A_184 = tpu.memref_squeeze %dma_wait3A_183 : memref<1x128xi32, #tpu.memory_space<vmem>> -> memref<128xi32, #tpu.memory_space<vmem>>
        %dma_wait3A_185 = arith.constant 0 : i32
        %dma_wait3A_186 = arith.constant 0 : i32
        %dma_wait3A_187 = tpu.memref_slice %arg6[%dma_wait3A_185, %dma_wait3A_186] : memref<10240x128xf32, #tpu.memory_space<vmem_shared>> -> memref<10240x128xf32, #tpu.memory_space<vmem_shared>>
        tpu.wait_indirect_dma semaphore(%run_scoped3A : memref<!tpu.dma_semaphore, #tpu.memory_space<semaphore_mem>>) src(%arg9 : memref<128x128xf32, #tpu.memory_space<vmem>>) dst(%dma_wait3A_187 : memref<10240x128xf32, #tpu.memory_space<vmem_shared>>)
        tpu.yield
      }) : () -> ()
      %jit3A_140 = arith.constant 2 : i32
      %div3A_141 = arith.divsi %min3A_35, %jit3A_140 : i32
      %sign3A_142 = arith.constant 0 : i32
      %sign3A_143 = arith.cmpi sgt, %min3A_35, %sign3A_142 : i32
      %sign3A_144 = arith.extui %sign3A_143 : i1 to i32
      %sign3A_145 = arith.constant 0 : i32
      %sign3A_146 = arith.cmpi slt, %min3A_35, %sign3A_145 : i32
      %sign3A_147 = arith.extui %sign3A_146 : i1 to i32
      %sign3A_148 = arith.subi %sign3A_144, %sign3A_147 : i32
      %sign3A_149 = arith.constant 0 : i32
      %sign3A_150 = arith.cmpi sgt, %jit3A_140, %sign3A_149 : i32
      %sign3A_151 = arith.extui %sign3A_150 : i1 to i32
      %sign3A_152 = arith.constant 0 : i32
      %sign3A_153 = arith.cmpi slt, %jit3A_140, %sign3A_152 : i32
      %sign3A_154 = arith.extui %sign3A_153 : i1 to i32
      %sign3A_155 = arith.subi %sign3A_151, %sign3A_154 : i32
      %ne3A_156 = arith.cmpi ne, %sign3A_148, %sign3A_155 : i32
      %rem3A_157 = arith.remsi %min3A_35, %jit3A_140 : i32
      %ne3A_158 = arith.constant 0 : i32
      %ne3A_159 = arith.cmpi ne, %rem3A_157, %ne3A_158 : i32
      %and3A_160 = arith.andi %ne3A_156, %ne3A_159 : i1
      %sub3A_161 = arith.constant 1 : i32
      %sub3A_162 = arith.subi %div3A_141, %sub3A_161 : i32
      %select_n3A_163 = arith.select %and3A_160, %sub3A_162, %div3A_141 : i32
      %sub3A_164 = arith.constant 1 : i32
      %sub3A_165 = arith.subi %select_n3A_163, %sub3A_164 : i32
      %lt3A = arith.cmpi slt, %while3A_122, %sub3A_165 : i32
      %convert_element_type3A_166 = arith.extui %lt3A : i1 to i32
      %cond3A_167 = arith.constant 0 : i32
      %cond3A_168 = arith.cmpi ne, %convert_element_type3A_166, %cond3A_167 : i32
      scf.if %cond3A_168 {
        %add3A_176 = arith.constant 1 : i32
        %add3A_177 = arith.addi %add3A_129, %add3A_176 : i32
        %dma_start3A_178 = arith.constant 0 : i32
        %dma_start3A_179 = tpu.memref_slice %arg7[%add3A_177, %dma_start3A_178] : memref<40x128xi32, #tpu.memory_space<vmem>> -> memref<1x128xi32, #tpu.memory_space<vmem>>
        %dma_start3A_180 = tpu.memref_squeeze %dma_start3A_179 : memref<1x128xi32, #tpu.memory_space<vmem>> -> memref<128xi32, #tpu.memory_space<vmem>>
        %dma_start3A_181 = arith.constant 0 : i32
        %dma_start3A_182 = arith.constant 0 : i32
        %dma_start3A_183 = tpu.memref_slice %arg2[%dma_start3A_181, %dma_start3A_182] : memref<10000x128xf32, #tpu.memory_space<hbm>> -> memref<10000x128xf32, #tpu.memory_space<hbm>>
        tpu.enqueue_indirect_dma source(%dma_start3A_183 : memref<10000x128xf32, #tpu.memory_space<hbm>>) target(%arg9 : memref<128x128xf32, #tpu.memory_space<vmem>>) offsets(%dma_start3A_180 : memref<128xi32, #tpu.memory_space<vmem>>) semaphore(%arg11 : memref<!tpu.dma_semaphore, #tpu.memory_space<semaphore_mem>>)
      } else {
      }
      %dma_wait3A_169 = arith.constant 0 : i32
      %dma_wait3A_170 = tpu.memref_slice %arg7[%add3A_129, %dma_wait3A_169] : memref<40x128xi32, #tpu.memory_space<vmem>> -> memref<1x128xi32, #tpu.memory_space<vmem>>
      %dma_wait3A_171 = tpu.memref_squeeze %dma_wait3A_170 : memref<1x128xi32, #tpu.memory_space<vmem>> -> memref<128xi32, #tpu.memory_space<vmem>>
      %dma_wait3A_172 = arith.constant 0 : i32
      %dma_wait3A_173 = arith.constant 0 : i32
      %dma_wait3A_174 = tpu.memref_slice %arg2[%dma_wait3A_172, %dma_wait3A_173] : memref<10000x128xf32, #tpu.memory_space<hbm>> -> memref<10000x128xf32, #tpu.memory_space<hbm>>
      tpu.wait_indirect_dma semaphore(%arg12 : memref<!tpu.dma_semaphore, #tpu.memory_space<semaphore_mem>>) src(%dma_wait3A_174 : memref<10000x128xf32, #tpu.memory_space<hbm>>) dst(%arg10 : memref<128x128xf32, #tpu.memory_space<vmem>>)
      "tpu.region"() ({
        %run_scoped3A = tpu.sem_alloc : memref<!tpu.dma_semaphore, #tpu.memory_space<semaphore_mem>>
        %dma_start3A_176 = arith.constant 0 : i32
        %dma_start3A_177 = tpu.memref_slice %arg8[%add3A_129, %dma_start3A_176] : memref<40x128xi32, #tpu.memory_space<vmem>> -> memref<1x128xi32, #tpu.memory_space<vmem>>
        %dma_start3A_178 = tpu.memref_squeeze %dma_start3A_177 : memref<1x128xi32, #tpu.memory_space<vmem>> -> memref<128xi32, #tpu.memory_space<vmem>>
        %dma_start3A_179 = arith.constant 0 : i32
        %dma_start3A_180 = arith.constant 0 : i32
        %dma_start3A_181 = tpu.memref_slice %arg6[%dma_start3A_179, %dma_start3A_180] : memref<10240x128xf32, #tpu.memory_space<vmem_shared>> -> memref<10240x128xf32, #tpu.memory_space<vmem_shared>>
        tpu.enqueue_indirect_dma source(%arg10 : memref<128x128xf32, #tpu.memory_space<vmem>>) target(%dma_start3A_181 : memref<10240x128xf32, #tpu.memory_space<vmem_shared>>) offsets(%dma_start3A_178 : memref<128xi32, #tpu.memory_space<vmem>>) semaphore(%run_scoped3A : memref<!tpu.dma_semaphore, #tpu.memory_space<semaphore_mem>>) {add = true}
        %dma_wait3A_182 = arith.constant 0 : i32
        %dma_wait3A_183 = tpu.memref_slice %arg8[%add3A_129, %dma_wait3A_182] : memref<40x128xi32, #tpu.memory_space<vmem>> -> memref<1x128xi32, #tpu.memory_space<vmem>>
        %dma_wait3A_184 = tpu.memref_squeeze %dma_wait3A_183 : memref<1x128xi32, #tpu.memory_space<vmem>> -> memref<128xi32, #tpu.memory_space<vmem>>
        %dma_wait3A_185 = arith.constant 0 : i32
        %dma_wait3A_186 = arith.constant 0 : i32
        %dma_wait3A_187 = tpu.memref_slice %arg6[%dma_wait3A_185, %dma_wait3A_186] : memref<10240x128xf32, #tpu.memory_space<vmem_shared>> -> memref<10240x128xf32, #tpu.memory_space<vmem_shared>>
        tpu.wait_indirect_dma semaphore(%run_scoped3A : memref<!tpu.dma_semaphore, #tpu.memory_space<semaphore_mem>>) src(%arg10 : memref<128x128xf32, #tpu.memory_space<vmem>>) dst(%dma_wait3A_187 : memref<10240x128xf32, #tpu.memory_space<vmem_shared>>)
        tpu.yield
      }) : () -> ()
      %while3A_175 = arith.constant 0 : i32
      scf.yield %while3A_175 : i32
    }
    %while3A_65 = arith.constant 1 : i32
    %while3A_66 = scf.for %while3A_122 = %while3A_62 to %while3A_58 step %while3A_65 iter_args(%while3A_123 = %while3A_64) -> (i32)  : i32 {
      %mul3A_124 = arith.constant 2 : i32
      %mul3A_125 = arith.muli %mul3A_124, %while3A_122 : i32
      %mul3A_126 = arith.constant 2 : i32
      %mul3A_127 = arith.muli %mul3A_126, %while3A_122 : i32
      %add3A_128 = arith.constant 1 : i32
      %add3A_129 = arith.addi %mul3A_127, %add3A_128 : i32
      %dma_start3A = arith.constant 0 : i32
      %dma_start3A_130 = tpu.memref_slice %arg7[%add3A_129, %dma_start3A] : memref<40x128xi32, #tpu.memory_space<vmem>> -> memref<1x128xi32, #tpu.memory_space<vmem>>
      %dma_start3A_131 = tpu.memref_squeeze %dma_start3A_130 : memref<1x128xi32, #tpu.memory_space<vmem>> -> memref<128xi32, #tpu.memory_space<vmem>>
      %dma_start3A_132 = arith.constant 0 : i32
      %dma_start3A_133 = arith.constant 0 : i32
      %dma_start3A_134 = tpu.memref_slice %arg2[%dma_start3A_132, %dma_start3A_133] : memref<10000x128xf32, #tpu.memory_space<hbm>> -> memref<10000x128xf32, #tpu.memory_space<hbm>>
      tpu.enqueue_indirect_dma source(%dma_start3A_134 : memref<10000x128xf32, #tpu.memory_space<hbm>>) target(%arg10 : memref<128x128xf32, #tpu.memory_space<vmem>>) offsets(%dma_start3A_131 : memref<128xi32, #tpu.memory_space<vmem>>) semaphore(%arg12 : memref<!tpu.dma_semaphore, #tpu.memory_space<semaphore_mem>>)
      %dma_wait3A = arith.constant 0 : i32
      %dma_wait3A_135 = tpu.memref_slice %arg7[%mul3A_125, %dma_wait3A] : memref<40x128xi32, #tpu.memory_space<vmem>> -> memref<1x128xi32, #tpu.memory_space<vmem>>
      %dma_wait3A_136 = tpu.memref_squeeze %dma_wait3A_135 : memref<1x128xi32, #tpu.memory_space<vmem>> -> memref<128xi32, #tpu.memory_space<vmem>>
      %dma_wait3A_137 = arith.constant 0 : i32
      %dma_wait3A_138 = arith.constant 0 : i32
      %dma_wait3A_139 = tpu.memref_slice %arg2[%dma_wait3A_137, %dma_wait3A_138] : memref<10000x128xf32, #tpu.memory_space<hbm>> -> memref<10000x128xf32, #tpu.memory_space<hbm>>
      tpu.wait_indirect_dma semaphore(%arg11 : memref<!tpu.dma_semaphore, #tpu.memory_space<semaphore_mem>>) src(%dma_wait3A_139 : memref<10000x128xf32, #tpu.memory_space<hbm>>) dst(%arg9 : memref<128x128xf32, #tpu.memory_space<vmem>>)
      "tpu.region"() ({
        %run_scoped3A = tpu.sem_alloc : memref<!tpu.dma_semaphore, #tpu.memory_space<semaphore_mem>>
        %dma_start3A_176 = arith.constant 0 : i32
        %dma_start3A_177 = tpu.memref_slice %arg8[%mul3A_125, %dma_start3A_176] : memref<40x128xi32, #tpu.memory_space<vmem>> -> memref<1x128xi32, #tpu.memory_space<vmem>>
        %dma_start3A_178 = tpu.memref_squeeze %dma_start3A_177 : memref<1x128xi32, #tpu.memory_space<vmem>> -> memref<128xi32, #tpu.memory_space<vmem>>
        %dma_start3A_179 = arith.constant 0 : i32
        %dma_start3A_180 = arith.constant 0 : i32
        %dma_start3A_181 = tpu.memref_slice %arg6[%dma_start3A_179, %dma_start3A_180] : memref<10240x128xf32, #tpu.memory_space<vmem_shared>> -> memref<10240x128xf32, #tpu.memory_space<vmem_shared>>
        tpu.enqueue_indirect_dma source(%arg9 : memref<128x128xf32, #tpu.memory_space<vmem>>) target(%dma_start3A_181 : memref<10240x128xf32, #tpu.memory_space<vmem_shared>>) offsets(%dma_start3A_178 : memref<128xi32, #tpu.memory_space<vmem>>) semaphore(%run_scoped3A : memref<!tpu.dma_semaphore, #tpu.memory_space<semaphore_mem>>) {add = true}
        %dma_wait3A_182 = arith.constant 0 : i32
        %dma_wait3A_183 = tpu.memref_slice %arg8[%mul3A_125, %dma_wait3A_182] : memref<40x128xi32, #tpu.memory_space<vmem>> -> memref<1x128xi32, #tpu.memory_space<vmem>>
        %dma_wait3A_184 = tpu.memref_squeeze %dma_wait3A_183 : memref<1x128xi32, #tpu.memory_space<vmem>> -> memref<128xi32, #tpu.memory_space<vmem>>
        %dma_wait3A_185 = arith.constant 0 : i32
        %dma_wait3A_186 = arith.constant 0 : i32
        %dma_wait3A_187 = tpu.memref_slice %arg6[%dma_wait3A_185, %dma_wait3A_186] : memref<10240x128xf32, #tpu.memory_space<vmem_shared>> -> memref<10240x128xf32, #tpu.memory_space<vmem_shared>>
        tpu.wait_indirect_dma semaphore(%run_scoped3A : memref<!tpu.dma_semaphore, #tpu.memory_space<semaphore_mem>>) src(%arg9 : memref<128x128xf32, #tpu.memory_space<vmem>>) dst(%dma_wait3A_187 : memref<10240x128xf32, #tpu.memory_space<vmem_shared>>)
        tpu.yield
      }) : () -> ()
      %jit3A_140 = arith.constant 2 : i32
      %div3A_141 = arith.divsi %min3A_35, %jit3A_140 : i32
      %sign3A_142 = arith.constant 0 : i32
      %sign3A_143 = arith.cmpi sgt, %min3A_35, %sign3A_142 : i32
      %sign3A_144 = arith.extui %sign3A_143 : i1 to i32
      %sign3A_145 = arith.constant 0 : i32
      %sign3A_146 = arith.cmpi slt, %min3A_35, %sign3A_145 : i32
      %sign3A_147 = arith.extui %sign3A_146 : i1 to i32
      %sign3A_148 = arith.subi %sign3A_144, %sign3A_147 : i32
      %sign3A_149 = arith.constant 0 : i32
      %sign3A_150 = arith.cmpi sgt, %jit3A_140, %sign3A_149 : i32
      %sign3A_151 = arith.extui %sign3A_150 : i1 to i32
      %sign3A_152 = arith.constant 0 : i32
      %sign3A_153 = arith.cmpi slt, %jit3A_140, %sign3A_152 : i32
      %sign3A_154 = arith.extui %sign3A_153 : i1 to i32
      %sign3A_155 = arith.subi %sign3A_151, %sign3A_154 : i32
      %ne3A_156 = arith.cmpi ne, %sign3A_148, %sign3A_155 : i32
      %rem3A_157 = arith.remsi %min3A_35, %jit3A_140 : i32
      %ne3A_158 = arith.constant 0 : i32
      %ne3A_159 = arith.cmpi ne, %rem3A_157, %ne3A_158 : i32
      %and3A_160 = arith.andi %ne3A_156, %ne3A_159 : i1
      %sub3A_161 = arith.constant 1 : i32
      %sub3A_162 = arith.subi %div3A_141, %sub3A_161 : i32
      %select_n3A_163 = arith.select %and3A_160, %sub3A_162, %div3A_141 : i32
      %sub3A_164 = arith.constant 1 : i32
      %sub3A_165 = arith.subi %select_n3A_163, %sub3A_164 : i32
      %lt3A = arith.cmpi slt, %while3A_122, %sub3A_165 : i32
      %convert_element_type3A_166 = arith.extui %lt3A : i1 to i32
      %cond3A_167 = arith.constant 0 : i32
      %cond3A_168 = arith.cmpi ne, %convert_element_type3A_166, %cond3A_167 : i32
      scf.if %cond3A_168 {
        %add3A_176 = arith.constant 1 : i32
        %add3A_177 = arith.addi %add3A_129, %add3A_176 : i32
        %dma_start3A_178 = arith.constant 0 : i32
        %dma_start3A_179 = tpu.memref_slice %arg7[%add3A_177, %dma_start3A_178] : memref<40x128xi32, #tpu.memory_space<vmem>> -> memref<1x128xi32, #tpu.memory_space<vmem>>
        %dma_start3A_180 = tpu.memref_squeeze %dma_start3A_179 : memref<1x128xi32, #tpu.memory_space<vmem>> -> memref<128xi32, #tpu.memory_space<vmem>>
        %dma_start3A_181 = arith.constant 0 : i32
        %dma_start3A_182 = arith.constant 0 : i32
        %dma_start3A_183 = tpu.memref_slice %arg2[%dma_start3A_181, %dma_start3A_182] : memref<10000x128xf32, #tpu.memory_space<hbm>> -> memref<10000x128xf32, #tpu.memory_space<hbm>>
        tpu.enqueue_indirect_dma source(%dma_start3A_183 : memref<10000x128xf32, #tpu.memory_space<hbm>>) target(%arg9 : memref<128x128xf32, #tpu.memory_space<vmem>>) offsets(%dma_start3A_180 : memref<128xi32, #tpu.memory_space<vmem>>) semaphore(%arg11 : memref<!tpu.dma_semaphore, #tpu.memory_space<semaphore_mem>>)
      } else {
      }
      %dma_wait3A_169 = arith.constant 0 : i32
      %dma_wait3A_170 = tpu.memref_slice %arg7[%add3A_129, %dma_wait3A_169] : memref<40x128xi32, #tpu.memory_space<vmem>> -> memref<1x128xi32, #tpu.memory_space<vmem>>
      %dma_wait3A_171 = tpu.memref_squeeze %dma_wait3A_170 : memref<1x128xi32, #tpu.memory_space<vmem>> -> memref<128xi32, #tpu.memory_space<vmem>>
      %dma_wait3A_172 = arith.constant 0 : i32
      %dma_wait3A_173 = arith.constant 0 : i32
      %dma_wait3A_174 = tpu.memref_slice %arg2[%dma_wait3A_172, %dma_wait3A_173] : memref<10000x128xf32, #tpu.memory_space<hbm>> -> memref<10000x128xf32, #tpu.memory_space<hbm>>
      tpu.wait_indirect_dma semaphore(%arg12 : memref<!tpu.dma_semaphore, #tpu.memory_space<semaphore_mem>>) src(%dma_wait3A_174 : memref<10000x128xf32, #tpu.memory_space<hbm>>) dst(%arg10 : memref<128x128xf32, #tpu.memory_space<vmem>>)
      "tpu.region"() ({
        %run_scoped3A = tpu.sem_alloc : memref<!tpu.dma_semaphore, #tpu.memory_space<semaphore_mem>>
        %dma_start3A_176 = arith.constant 0 : i32
        %dma_start3A_177 = tpu.memref_slice %arg8[%add3A_129, %dma_start3A_176] : memref<40x128xi32, #tpu.memory_space<vmem>> -> memref<1x128xi32, #tpu.memory_space<vmem>>
        %dma_start3A_178 = tpu.memref_squeeze %dma_start3A_177 : memref<1x128xi32, #tpu.memory_space<vmem>> -> memref<128xi32, #tpu.memory_space<vmem>>
        %dma_start3A_179 = arith.constant 0 : i32
        %dma_start3A_180 = arith.constant 0 : i32
        %dma_start3A_181 = tpu.memref_slice %arg6[%dma_start3A_179, %dma_start3A_180] : memref<10240x128xf32, #tpu.memory_space<vmem_shared>> -> memref<10240x128xf32, #tpu.memory_space<vmem_shared>>
        tpu.enqueue_indirect_dma source(%arg10 : memref<128x128xf32, #tpu.memory_space<vmem>>) target(%dma_start3A_181 : memref<10240x128xf32, #tpu.memory_space<vmem_shared>>) offsets(%dma_start3A_178 : memref<128xi32, #tpu.memory_space<vmem>>) semaphore(%run_scoped3A : memref<!tpu.dma_semaphore, #tpu.memory_space<semaphore_mem>>) {add = true}
        %dma_wait3A_182 = arith.constant 0 : i32
        %dma_wait3A_183 = tpu.memref_slice %arg8[%add3A_129, %dma_wait3A_182] : memref<40x128xi32, #tpu.memory_space<vmem>> -> memref<1x128xi32, #tpu.memory_space<vmem>>
        %dma_wait3A_184 = tpu.memref_squeeze %dma_wait3A_183 : memref<1x128xi32, #tpu.memory_space<vmem>> -> memref<128xi32, #tpu.memory_space<vmem>>
        %dma_wait3A_185 = arith.constant 0 : i32
        %dma_wait3A_186 = arith.constant 0 : i32
        %dma_wait3A_187 = tpu.memref_slice %arg6[%dma_wait3A_185, %dma_wait3A_186] : memref<10240x128xf32, #tpu.memory_space<vmem_shared>> -> memref<10240x128xf32, #tpu.memory_space<vmem_shared>>
        tpu.wait_indirect_dma semaphore(%run_scoped3A : memref<!tpu.dma_semaphore, #tpu.memory_space<semaphore_mem>>) src(%arg10 : memref<128x128xf32, #tpu.memory_space<vmem>>) dst(%dma_wait3A_187 : memref<10240x128xf32, #tpu.memory_space<vmem_shared>>)
        tpu.yield
      }) : () -> ()
      %while3A_175 = arith.constant 0 : i32
      scf.yield %while3A_175 : i32
    }
    %sub3A_67 = arith.constant 40 : i32
    %sub3A_68 = arith.subi %min3A_4, %sub3A_67 : i32
    %jit3A_69 = arith.constant 0 : i32
    %jit3A_70 = arith.constant 40 : i32
    %max3A_71 = arith.maxsi %jit3A_69, %sub3A_68 : i32
    %min3A_72 = arith.minsi %jit3A_70, %max3A_71 : i32
    %gt3A_73 = arith.constant 0 : i32
    %gt3A_74 = arith.cmpi sgt, %min3A_72, %gt3A_73 : i32
    %convert_element_type3A_75 = arith.extui %gt3A_74 : i1 to i32
    %cond3A_76 = arith.constant 0 : i32
    %cond3A_77 = arith.cmpi ne, %convert_element_type3A_75, %cond3A_76 : i32
    scf.if %cond3A_77 {
      %mul3A_122 = arith.constant 80 : i32
      %mul3A_123 = arith.muli %add3A, %mul3A_122 : i32
      %add3A_124 = arith.constant 40 : i32
      %add3A_125 = arith.addi %mul3A_123, %add3A_124 : i32
      "tpu.region"() ({
        %run_scoped3A = tpu.sem_alloc : memref<!tpu.dma_semaphore, #tpu.memory_space<semaphore_mem>>
        %dma_start3A_136 = arith.constant 0 : i32
        %dma_start3A_137 = tpu.memref_slice %arg3[%add3A_125, %dma_start3A_136] : memref<2560x128xi32, #tpu.memory_space<hbm>> -> memref<40x128xi32, #tpu.memory_space<hbm>>
        %dma_start3A_138 = arith.constant 0 : i32
        %dma_start3A_139 = tpu.memref_slice %arg3[%add3A_125, %dma_start3A_138] : memref<2560x128xi32, #tpu.memory_space<hbm>> -> memref<40x128xi32, #tpu.memory_space<hbm>>
        tpu.enqueue_dma source(%dma_start3A_139 : memref<40x128xi32, #tpu.memory_space<hbm>>) target(%arg7 : memref<40x128xi32, #tpu.memory_space<vmem>>) target_semaphore(%run_scoped3A : memref<!tpu.dma_semaphore, #tpu.memory_space<semaphore_mem>>)
        %dma_wait3A = arith.constant 0 : i32
        %dma_wait3A_140 = tpu.memref_slice %arg3[%add3A_125, %dma_wait3A] : memref<2560x128xi32, #tpu.memory_space<hbm>> -> memref<40x128xi32, #tpu.memory_space<hbm>>
        %dma_wait3A_141 = arith.constant 0 : i32
        %dma_wait3A_142 = tpu.memref_slice %arg3[%add3A_125, %dma_wait3A_141] : memref<2560x128xi32, #tpu.memory_space<hbm>> -> memref<40x128xi32, #tpu.memory_space<hbm>>
        tpu.wait_dma2 semaphore(%run_scoped3A : memref<!tpu.dma_semaphore, #tpu.memory_space<semaphore_mem>>) src(%dma_wait3A_142 : memref<40x128xi32, #tpu.memory_space<hbm>>) dst(%arg7 : memref<40x128xi32, #tpu.memory_space<vmem>>)
        tpu.yield
      }) : () -> ()
      %mul3A_126 = arith.constant 80 : i32
      %mul3A_127 = arith.muli %add3A, %mul3A_126 : i32
      %add3A_128 = arith.constant 40 : i32
      %add3A_129 = arith.addi %mul3A_127, %add3A_128 : i32
      "tpu.region"() ({
        %run_scoped3A = tpu.sem_alloc : memref<!tpu.dma_semaphore, #tpu.memory_space<semaphore_mem>>
        %dma_start3A_136 = arith.constant 0 : i32
        %dma_start3A_137 = tpu.memref_slice %arg4[%add3A_129, %dma_start3A_136] : memref<2560x128xi32, #tpu.memory_space<hbm>> -> memref<40x128xi32, #tpu.memory_space<hbm>>
        %dma_start3A_138 = arith.constant 0 : i32
        %dma_start3A_139 = tpu.memref_slice %arg4[%add3A_129, %dma_start3A_138] : memref<2560x128xi32, #tpu.memory_space<hbm>> -> memref<40x128xi32, #tpu.memory_space<hbm>>
        tpu.enqueue_dma source(%dma_start3A_139 : memref<40x128xi32, #tpu.memory_space<hbm>>) target(%arg8 : memref<40x128xi32, #tpu.memory_space<vmem>>) target_semaphore(%run_scoped3A : memref<!tpu.dma_semaphore, #tpu.memory_space<semaphore_mem>>)
        %dma_wait3A = arith.constant 0 : i32
        %dma_wait3A_140 = tpu.memref_slice %arg4[%add3A_129, %dma_wait3A] : memref<2560x128xi32, #tpu.memory_space<hbm>> -> memref<40x128xi32, #tpu.memory_space<hbm>>
        %dma_wait3A_141 = arith.constant 0 : i32
        %dma_wait3A_142 = tpu.memref_slice %arg4[%add3A_129, %dma_wait3A_141] : memref<2560x128xi32, #tpu.memory_space<hbm>> -> memref<40x128xi32, #tpu.memory_space<hbm>>
        tpu.wait_dma2 semaphore(%run_scoped3A : memref<!tpu.dma_semaphore, #tpu.memory_space<semaphore_mem>>) src(%dma_wait3A_142 : memref<40x128xi32, #tpu.memory_space<hbm>>) dst(%arg8 : memref<40x128xi32, #tpu.memory_space<vmem>>)
        tpu.yield
      }) : () -> ()
      %dma_start3A = arith.constant 0 : i32
      %dma_start3A_130 = arith.constant 0 : i32
      %dma_start3A_131 = tpu.memref_slice %arg7[%dma_start3A, %dma_start3A_130] : memref<40x128xi32, #tpu.memory_space<vmem>> -> memref<1x128xi32, #tpu.memory_space<vmem>>
      %dma_start3A_132 = tpu.memref_squeeze %dma_start3A_131 : memref<1x128xi32, #tpu.memory_space<vmem>> -> memref<128xi32, #tpu.memory_space<vmem>>
      %dma_start3A_133 = arith.constant 0 : i32
      %dma_start3A_134 = arith.constant 0 : i32
      %dma_start3A_135 = tpu.memref_slice %arg2[%dma_start3A_133, %dma_start3A_134] : memref<10000x128xf32, #tpu.memory_space<hbm>> -> memref<10000x128xf32, #tpu.memory_space<hbm>>
      tpu.enqueue_indirect_dma source(%dma_start3A_135 : memref<10000x128xf32, #tpu.memory_space<hbm>>) target(%arg9 : memref<128x128xf32, #tpu.memory_space<vmem>>) offsets(%dma_start3A_132 : memref<128xi32, #tpu.memory_space<vmem>>) semaphore(%arg11 : memref<!tpu.dma_semaphore, #tpu.memory_space<semaphore_mem>>)
    } else {
    }
    %jit3A_78 = arith.constant 2 : i32
    %div3A_79 = arith.divsi %min3A_72, %jit3A_78 : i32
    %sign3A_80 = arith.constant 0 : i32
    %sign3A_81 = arith.cmpi sgt, %min3A_72, %sign3A_80 : i32
    %sign3A_82 = arith.extui %sign3A_81 : i1 to i32
    %sign3A_83 = arith.constant 0 : i32
    %sign3A_84 = arith.cmpi slt, %min3A_72, %sign3A_83 : i32
    %sign3A_85 = arith.extui %sign3A_84 : i1 to i32
    %sign3A_86 = arith.subi %sign3A_82, %sign3A_85 : i32
    %sign3A_87 = arith.constant 0 : i32
    %sign3A_88 = arith.cmpi sgt, %jit3A_78, %sign3A_87 : i32
    %sign3A_89 = arith.extui %sign3A_88 : i1 to i32
    %sign3A_90 = arith.constant 0 : i32
    %sign3A_91 = arith.cmpi slt, %jit3A_78, %sign3A_90 : i32
    %sign3A_92 = arith.extui %sign3A_91 : i1 to i32
    %sign3A_93 = arith.subi %sign3A_89, %sign3A_92 : i32
    %ne3A_94 = arith.cmpi ne, %sign3A_86, %sign3A_93 : i32
    %rem3A_95 = arith.remsi %min3A_72, %jit3A_78 : i32
    %ne3A_96 = arith.constant 0 : i32
    %ne3A_97 = arith.cmpi ne, %rem3A_95, %ne3A_96 : i32
    %and3A_98 = arith.andi %ne3A_94, %ne3A_97 : i1
    %sub3A_99 = arith.constant 1 : i32
    %sub3A_100 = arith.subi %div3A_79, %sub3A_99 : i32
    %select_n3A_101 = arith.select %and3A_98, %sub3A_100, %div3A_79 : i32
    %while3A_102 = arith.constant 0 : i32
    %while3A_103 = arith.constant 0 : i32
    %while3A_104 = arith.subi %select_n3A_101, %while3A_102 : i32
    %while3A_105 = arith.addi %while3A_102, %while3A_104 : i32
    %while3A_106 = arith.constant 1 : i32
    %while3A_107 = arith.divsi %while3A_104, %while3A_106 : i32
    %while3A_108 = arith.muli %while3A_107, %while3A_106 : i32
    %while3A_109 = arith.addi %while3A_102, %while3A_108 : i32
    %while3A_110 = arith.constant 1 : i32
    %while3A_111 = scf.for %while3A_122 = %while3A_102 to %while3A_109 step %while3A_110 iter_args(%while3A_123 = %while3A_103) -> (i32)  : i32 {
      %mul3A_124 = arith.constant 2 : i32
      %mul3A_125 = arith.muli %mul3A_124, %while3A_122 : i32
      %mul3A_126 = arith.constant 2 : i32
      %mul3A_127 = arith.muli %mul3A_126, %while3A_122 : i32
      %add3A_128 = arith.constant 1 : i32
      %add3A_129 = arith.addi %mul3A_127, %add3A_128 : i32
      %dma_start3A = arith.constant 0 : i32
      %dma_start3A_130 = tpu.memref_slice %arg7[%add3A_129, %dma_start3A] : memref<40x128xi32, #tpu.memory_space<vmem>> -> memref<1x128xi32, #tpu.memory_space<vmem>>
      %dma_start3A_131 = tpu.memref_squeeze %dma_start3A_130 : memref<1x128xi32, #tpu.memory_space<vmem>> -> memref<128xi32, #tpu.memory_space<vmem>>
      %dma_start3A_132 = arith.constant 0 : i32
      %dma_start3A_133 = arith.constant 0 : i32
      %dma_start3A_134 = tpu.memref_slice %arg2[%dma_start3A_132, %dma_start3A_133] : memref<10000x128xf32, #tpu.memory_space<hbm>> -> memref<10000x128xf32, #tpu.memory_space<hbm>>
      tpu.enqueue_indirect_dma source(%dma_start3A_134 : memref<10000x128xf32, #tpu.memory_space<hbm>>) target(%arg10 : memref<128x128xf32, #tpu.memory_space<vmem>>) offsets(%dma_start3A_131 : memref<128xi32, #tpu.memory_space<vmem>>) semaphore(%arg12 : memref<!tpu.dma_semaphore, #tpu.memory_space<semaphore_mem>>)
      %dma_wait3A = arith.constant 0 : i32
      %dma_wait3A_135 = tpu.memref_slice %arg7[%mul3A_125, %dma_wait3A] : memref<40x128xi32, #tpu.memory_space<vmem>> -> memref<1x128xi32, #tpu.memory_space<vmem>>
      %dma_wait3A_136 = tpu.memref_squeeze %dma_wait3A_135 : memref<1x128xi32, #tpu.memory_space<vmem>> -> memref<128xi32, #tpu.memory_space<vmem>>
      %dma_wait3A_137 = arith.constant 0 : i32
      %dma_wait3A_138 = arith.constant 0 : i32
      %dma_wait3A_139 = tpu.memref_slice %arg2[%dma_wait3A_137, %dma_wait3A_138] : memref<10000x128xf32, #tpu.memory_space<hbm>> -> memref<10000x128xf32, #tpu.memory_space<hbm>>
      tpu.wait_indirect_dma semaphore(%arg11 : memref<!tpu.dma_semaphore, #tpu.memory_space<semaphore_mem>>) src(%dma_wait3A_139 : memref<10000x128xf32, #tpu.memory_space<hbm>>) dst(%arg9 : memref<128x128xf32, #tpu.memory_space<vmem>>)
      "tpu.region"() ({
        %run_scoped3A = tpu.sem_alloc : memref<!tpu.dma_semaphore, #tpu.memory_space<semaphore_mem>>
        %dma_start3A_176 = arith.constant 0 : i32
        %dma_start3A_177 = tpu.memref_slice %arg8[%mul3A_125, %dma_start3A_176] : memref<40x128xi32, #tpu.memory_space<vmem>> -> memref<1x128xi32, #tpu.memory_space<vmem>>
        %dma_start3A_178 = tpu.memref_squeeze %dma_start3A_177 : memref<1x128xi32, #tpu.memory_space<vmem>> -> memref<128xi32, #tpu.memory_space<vmem>>
        %dma_start3A_179 = arith.constant 0 : i32
        %dma_start3A_180 = arith.constant 0 : i32
        %dma_start3A_181 = tpu.memref_slice %arg6[%dma_start3A_179, %dma_start3A_180] : memref<10240x128xf32, #tpu.memory_space<vmem_shared>> -> memref<10240x128xf32, #tpu.memory_space<vmem_shared>>
        tpu.enqueue_indirect_dma source(%arg9 : memref<128x128xf32, #tpu.memory_space<vmem>>) target(%dma_start3A_181 : memref<10240x128xf32, #tpu.memory_space<vmem_shared>>) offsets(%dma_start3A_178 : memref<128xi32, #tpu.memory_space<vmem>>) semaphore(%run_scoped3A : memref<!tpu.dma_semaphore, #tpu.memory_space<semaphore_mem>>) {add = true}
        %dma_wait3A_182 = arith.constant 0 : i32
        %dma_wait3A_183 = tpu.memref_slice %arg8[%mul3A_125, %dma_wait3A_182] : memref<40x128xi32, #tpu.memory_space<vmem>> -> memref<1x128xi32, #tpu.memory_space<vmem>>
        %dma_wait3A_184 = tpu.memref_squeeze %dma_wait3A_183 : memref<1x128xi32, #tpu.memory_space<vmem>> -> memref<128xi32, #tpu.memory_space<vmem>>
        %dma_wait3A_185 = arith.constant 0 : i32
        %dma_wait3A_186 = arith.constant 0 : i32
        %dma_wait3A_187 = tpu.memref_slice %arg6[%dma_wait3A_185, %dma_wait3A_186] : memref<10240x128xf32, #tpu.memory_space<vmem_shared>> -> memref<10240x128xf32, #tpu.memory_space<vmem_shared>>
        tpu.wait_indirect_dma semaphore(%run_scoped3A : memref<!tpu.dma_semaphore, #tpu.memory_space<semaphore_mem>>) src(%arg9 : memref<128x128xf32, #tpu.memory_space<vmem>>) dst(%dma_wait3A_187 : memref<10240x128xf32, #tpu.memory_space<vmem_shared>>)
        tpu.yield
      }) : () -> ()
      %jit3A_140 = arith.constant 2 : i32
      %div3A_141 = arith.divsi %min3A_72, %jit3A_140 : i32
      %sign3A_142 = arith.constant 0 : i32
      %sign3A_143 = arith.cmpi sgt, %min3A_72, %sign3A_142 : i32
      %sign3A_144 = arith.extui %sign3A_143 : i1 to i32
      %sign3A_145 = arith.constant 0 : i32
      %sign3A_146 = arith.cmpi slt, %min3A_72, %sign3A_145 : i32
      %sign3A_147 = arith.extui %sign3A_146 : i1 to i32
      %sign3A_148 = arith.subi %sign3A_144, %sign3A_147 : i32
      %sign3A_149 = arith.constant 0 : i32
      %sign3A_150 = arith.cmpi sgt, %jit3A_140, %sign3A_149 : i32
      %sign3A_151 = arith.extui %sign3A_150 : i1 to i32
      %sign3A_152 = arith.constant 0 : i32
      %sign3A_153 = arith.cmpi slt, %jit3A_140, %sign3A_152 : i32
      %sign3A_154 = arith.extui %sign3A_153 : i1 to i32
      %sign3A_155 = arith.subi %sign3A_151, %sign3A_154 : i32
      %ne3A_156 = arith.cmpi ne, %sign3A_148, %sign3A_155 : i32
      %rem3A_157 = arith.remsi %min3A_72, %jit3A_140 : i32
      %ne3A_158 = arith.constant 0 : i32
      %ne3A_159 = arith.cmpi ne, %rem3A_157, %ne3A_158 : i32
      %and3A_160 = arith.andi %ne3A_156, %ne3A_159 : i1
      %sub3A_161 = arith.constant 1 : i32
      %sub3A_162 = arith.subi %div3A_141, %sub3A_161 : i32
      %select_n3A_163 = arith.select %and3A_160, %sub3A_162, %div3A_141 : i32
      %sub3A_164 = arith.constant 1 : i32
      %sub3A_165 = arith.subi %select_n3A_163, %sub3A_164 : i32
      %lt3A = arith.cmpi slt, %while3A_122, %sub3A_165 : i32
      %convert_element_type3A_166 = arith.extui %lt3A : i1 to i32
      %cond3A_167 = arith.constant 0 : i32
      %cond3A_168 = arith.cmpi ne, %convert_element_type3A_166, %cond3A_167 : i32
      scf.if %cond3A_168 {
        %add3A_176 = arith.constant 1 : i32
        %add3A_177 = arith.addi %add3A_129, %add3A_176 : i32
        %dma_start3A_178 = arith.constant 0 : i32
        %dma_start3A_179 = tpu.memref_slice %arg7[%add3A_177, %dma_start3A_178] : memref<40x128xi32, #tpu.memory_space<vmem>> -> memref<1x128xi32, #tpu.memory_space<vmem>>
        %dma_start3A_180 = tpu.memref_squeeze %dma_start3A_179 : memref<1x128xi32, #tpu.memory_space<vmem>> -> memref<128xi32, #tpu.memory_space<vmem>>
        %dma_start3A_181 = arith.constant 0 : i32
        %dma_start3A_182 = arith.constant 0 : i32
        %dma_start3A_183 = tpu.memref_slice %arg2[%dma_start3A_181, %dma_start3A_182] : memref<10000x128xf32, #tpu.memory_space<hbm>> -> memref<10000x128xf32, #tpu.memory_space<hbm>>
        tpu.enqueue_indirect_dma source(%dma_start3A_183 : memref<10000x128xf32, #tpu.memory_space<hbm>>) target(%arg9 : memref<128x128xf32, #tpu.memory_space<vmem>>) offsets(%dma_start3A_180 : memref<128xi32, #tpu.memory_space<vmem>>) semaphore(%arg11 : memref<!tpu.dma_semaphore, #tpu.memory_space<semaphore_mem>>)
      } else {
      }
      %dma_wait3A_169 = arith.constant 0 : i32
      %dma_wait3A_170 = tpu.memref_slice %arg7[%add3A_129, %dma_wait3A_169] : memref<40x128xi32, #tpu.memory_space<vmem>> -> memref<1x128xi32, #tpu.memory_space<vmem>>
      %dma_wait3A_171 = tpu.memref_squeeze %dma_wait3A_170 : memref<1x128xi32, #tpu.memory_space<vmem>> -> memref<128xi32, #tpu.memory_space<vmem>>
      %dma_wait3A_172 = arith.constant 0 : i32
      %dma_wait3A_173 = arith.constant 0 : i32
      %dma_wait3A_174 = tpu.memref_slice %arg2[%dma_wait3A_172, %dma_wait3A_173] : memref<10000x128xf32, #tpu.memory_space<hbm>> -> memref<10000x128xf32, #tpu.memory_space<hbm>>
      tpu.wait_indirect_dma semaphore(%arg12 : memref<!tpu.dma_semaphore, #tpu.memory_space<semaphore_mem>>) src(%dma_wait3A_174 : memref<10000x128xf32, #tpu.memory_space<hbm>>) dst(%arg10 : memref<128x128xf32, #tpu.memory_space<vmem>>)
      "tpu.region"() ({
        %run_scoped3A = tpu.sem_alloc : memref<!tpu.dma_semaphore, #tpu.memory_space<semaphore_mem>>
        %dma_start3A_176 = arith.constant 0 : i32
        %dma_start3A_177 = tpu.memref_slice %arg8[%add3A_129, %dma_start3A_176] : memref<40x128xi32, #tpu.memory_space<vmem>> -> memref<1x128xi32, #tpu.memory_space<vmem>>
        %dma_start3A_178 = tpu.memref_squeeze %dma_start3A_177 : memref<1x128xi32, #tpu.memory_space<vmem>> -> memref<128xi32, #tpu.memory_space<vmem>>
        %dma_start3A_179 = arith.constant 0 : i32
        %dma_start3A_180 = arith.constant 0 : i32
        %dma_start3A_181 = tpu.memref_slice %arg6[%dma_start3A_179, %dma_start3A_180] : memref<10240x128xf32, #tpu.memory_space<vmem_shared>> -> memref<10240x128xf32, #tpu.memory_space<vmem_shared>>
        tpu.enqueue_indirect_dma source(%arg10 : memref<128x128xf32, #tpu.memory_space<vmem>>) target(%dma_start3A_181 : memref<10240x128xf32, #tpu.memory_space<vmem_shared>>) offsets(%dma_start3A_178 : memref<128xi32, #tpu.memory_space<vmem>>) semaphore(%run_scoped3A : memref<!tpu.dma_semaphore, #tpu.memory_space<semaphore_mem>>) {add = true}
        %dma_wait3A_182 = arith.constant 0 : i32
        %dma_wait3A_183 = tpu.memref_slice %arg8[%add3A_129, %dma_wait3A_182] : memref<40x128xi32, #tpu.memory_space<vmem>> -> memref<1x128xi32, #tpu.memory_space<vmem>>
        %dma_wait3A_184 = tpu.memref_squeeze %dma_wait3A_183 : memref<1x128xi32, #tpu.memory_space<vmem>> -> memref<128xi32, #tpu.memory_space<vmem>>
        %dma_wait3A_185 = arith.constant 0 : i32
        %dma_wait3A_186 = arith.constant 0 : i32
        %dma_wait3A_187 = tpu.memref_slice %arg6[%dma_wait3A_185, %dma_wait3A_186] : memref<10240x128xf32, #tpu.memory_space<vmem_shared>> -> memref<10240x128xf32, #tpu.memory_space<vmem_shared>>
        tpu.wait_indirect_dma semaphore(%run_scoped3A : memref<!tpu.dma_semaphore, #tpu.memory_space<semaphore_mem>>) src(%arg10 : memref<128x128xf32, #tpu.memory_space<vmem>>) dst(%dma_wait3A_187 : memref<10240x128xf32, #tpu.memory_space<vmem_shared>>)
        tpu.yield
      }) : () -> ()
      %while3A_175 = arith.constant 0 : i32
      scf.yield %while3A_175 : i32
    }
    %while3A_112 = arith.constant 1 : i32
    %while3A_113 = scf.for %while3A_122 = %while3A_109 to %while3A_105 step %while3A_112 iter_args(%while3A_123 = %while3A_111) -> (i32)  : i32 {
      %mul3A_124 = arith.constant 2 : i32
      %mul3A_125 = arith.muli %mul3A_124, %while3A_122 : i32
      %mul3A_126 = arith.constant 2 : i32
      %mul3A_127 = arith.muli %mul3A_126, %while3A_122 : i32
      %add3A_128 = arith.constant 1 : i32
      %add3A_129 = arith.addi %mul3A_127, %add3A_128 : i32
      %dma_start3A = arith.constant 0 : i32
      %dma_start3A_130 = tpu.memref_slice %arg7[%add3A_129, %dma_start3A] : memref<40x128xi32, #tpu.memory_space<vmem>> -> memref<1x128xi32, #tpu.memory_space<vmem>>
      %dma_start3A_131 = tpu.memref_squeeze %dma_start3A_130 : memref<1x128xi32, #tpu.memory_space<vmem>> -> memref<128xi32, #tpu.memory_space<vmem>>
      %dma_start3A_132 = arith.constant 0 : i32
      %dma_start3A_133 = arith.constant 0 : i32
      %dma_start3A_134 = tpu.memref_slice %arg2[%dma_start3A_132, %dma_start3A_133] : memref<10000x128xf32, #tpu.memory_space<hbm>> -> memref<10000x128xf32, #tpu.memory_space<hbm>>
      tpu.enqueue_indirect_dma source(%dma_start3A_134 : memref<10000x128xf32, #tpu.memory_space<hbm>>) target(%arg10 : memref<128x128xf32, #tpu.memory_space<vmem>>) offsets(%dma_start3A_131 : memref<128xi32, #tpu.memory_space<vmem>>) semaphore(%arg12 : memref<!tpu.dma_semaphore, #tpu.memory_space<semaphore_mem>>)
      %dma_wait3A = arith.constant 0 : i32
      %dma_wait3A_135 = tpu.memref_slice %arg7[%mul3A_125, %dma_wait3A] : memref<40x128xi32, #tpu.memory_space<vmem>> -> memref<1x128xi32, #tpu.memory_space<vmem>>
      %dma_wait3A_136 = tpu.memref_squeeze %dma_wait3A_135 : memref<1x128xi32, #tpu.memory_space<vmem>> -> memref<128xi32, #tpu.memory_space<vmem>>
      %dma_wait3A_137 = arith.constant 0 : i32
      %dma_wait3A_138 = arith.constant 0 : i32
      %dma_wait3A_139 = tpu.memref_slice %arg2[%dma_wait3A_137, %dma_wait3A_138] : memref<10000x128xf32, #tpu.memory_space<hbm>> -> memref<10000x128xf32, #tpu.memory_space<hbm>>
      tpu.wait_indirect_dma semaphore(%arg11 : memref<!tpu.dma_semaphore, #tpu.memory_space<semaphore_mem>>) src(%dma_wait3A_139 : memref<10000x128xf32, #tpu.memory_space<hbm>>) dst(%arg9 : memref<128x128xf32, #tpu.memory_space<vmem>>)
      "tpu.region"() ({
        %run_scoped3A = tpu.sem_alloc : memref<!tpu.dma_semaphore, #tpu.memory_space<semaphore_mem>>
        %dma_start3A_176 = arith.constant 0 : i32
        %dma_start3A_177 = tpu.memref_slice %arg8[%mul3A_125, %dma_start3A_176] : memref<40x128xi32, #tpu.memory_space<vmem>> -> memref<1x128xi32, #tpu.memory_space<vmem>>
        %dma_start3A_178 = tpu.memref_squeeze %dma_start3A_177 : memref<1x128xi32, #tpu.memory_space<vmem>> -> memref<128xi32, #tpu.memory_space<vmem>>
        %dma_start3A_179 = arith.constant 0 : i32
        %dma_start3A_180 = arith.constant 0 : i32
        %dma_start3A_181 = tpu.memref_slice %arg6[%dma_start3A_179, %dma_start3A_180] : memref<10240x128xf32, #tpu.memory_space<vmem_shared>> -> memref<10240x128xf32, #tpu.memory_space<vmem_shared>>
        tpu.enqueue_indirect_dma source(%arg9 : memref<128x128xf32, #tpu.memory_space<vmem>>) target(%dma_start3A_181 : memref<10240x128xf32, #tpu.memory_space<vmem_shared>>) offsets(%dma_start3A_178 : memref<128xi32, #tpu.memory_space<vmem>>) semaphore(%run_scoped3A : memref<!tpu.dma_semaphore, #tpu.memory_space<semaphore_mem>>) {add = true}
        %dma_wait3A_182 = arith.constant 0 : i32
        %dma_wait3A_183 = tpu.memref_slice %arg8[%mul3A_125, %dma_wait3A_182] : memref<40x128xi32, #tpu.memory_space<vmem>> -> memref<1x128xi32, #tpu.memory_space<vmem>>
        %dma_wait3A_184 = tpu.memref_squeeze %dma_wait3A_183 : memref<1x128xi32, #tpu.memory_space<vmem>> -> memref<128xi32, #tpu.memory_space<vmem>>
        %dma_wait3A_185 = arith.constant 0 : i32
        %dma_wait3A_186 = arith.constant 0 : i32
        %dma_wait3A_187 = tpu.memref_slice %arg6[%dma_wait3A_185, %dma_wait3A_186] : memref<10240x128xf32, #tpu.memory_space<vmem_shared>> -> memref<10240x128xf32, #tpu.memory_space<vmem_shared>>
        tpu.wait_indirect_dma semaphore(%run_scoped3A : memref<!tpu.dma_semaphore, #tpu.memory_space<semaphore_mem>>) src(%arg9 : memref<128x128xf32, #tpu.memory_space<vmem>>) dst(%dma_wait3A_187 : memref<10240x128xf32, #tpu.memory_space<vmem_shared>>)
        tpu.yield
      }) : () -> ()
      %jit3A_140 = arith.constant 2 : i32
      %div3A_141 = arith.divsi %min3A_72, %jit3A_140 : i32
      %sign3A_142 = arith.constant 0 : i32
      %sign3A_143 = arith.cmpi sgt, %min3A_72, %sign3A_142 : i32
      %sign3A_144 = arith.extui %sign3A_143 : i1 to i32
      %sign3A_145 = arith.constant 0 : i32
      %sign3A_146 = arith.cmpi slt, %min3A_72, %sign3A_145 : i32
      %sign3A_147 = arith.extui %sign3A_146 : i1 to i32
      %sign3A_148 = arith.subi %sign3A_144, %sign3A_147 : i32
      %sign3A_149 = arith.constant 0 : i32
      %sign3A_150 = arith.cmpi sgt, %jit3A_140, %sign3A_149 : i32
      %sign3A_151 = arith.extui %sign3A_150 : i1 to i32
      %sign3A_152 = arith.constant 0 : i32
      %sign3A_153 = arith.cmpi slt, %jit3A_140, %sign3A_152 : i32
      %sign3A_154 = arith.extui %sign3A_153 : i1 to i32
      %sign3A_155 = arith.subi %sign3A_151, %sign3A_154 : i32
      %ne3A_156 = arith.cmpi ne, %sign3A_148, %sign3A_155 : i32
      %rem3A_157 = arith.remsi %min3A_72, %jit3A_140 : i32
      %ne3A_158 = arith.constant 0 : i32
      %ne3A_159 = arith.cmpi ne, %rem3A_157, %ne3A_158 : i32
      %and3A_160 = arith.andi %ne3A_156, %ne3A_159 : i1
      %sub3A_161 = arith.constant 1 : i32
      %sub3A_162 = arith.subi %div3A_141, %sub3A_161 : i32
      %select_n3A_163 = arith.select %and3A_160, %sub3A_162, %div3A_141 : i32
      %sub3A_164 = arith.constant 1 : i32
      %sub3A_165 = arith.subi %select_n3A_163, %sub3A_164 : i32
      %lt3A = arith.cmpi slt, %while3A_122, %sub3A_165 : i32
      %convert_element_type3A_166 = arith.extui %lt3A : i1 to i32
      %cond3A_167 = arith.constant 0 : i32
      %cond3A_168 = arith.cmpi ne, %convert_element_type3A_166, %cond3A_167 : i32
      scf.if %cond3A_168 {
        %add3A_176 = arith.constant 1 : i32
        %add3A_177 = arith.addi %add3A_129, %add3A_176 : i32
        %dma_start3A_178 = arith.constant 0 : i32
        %dma_start3A_179 = tpu.memref_slice %arg7[%add3A_177, %dma_start3A_178] : memref<40x128xi32, #tpu.memory_space<vmem>> -> memref<1x128xi32, #tpu.memory_space<vmem>>
        %dma_start3A_180 = tpu.memref_squeeze %dma_start3A_179 : memref<1x128xi32, #tpu.memory_space<vmem>> -> memref<128xi32, #tpu.memory_space<vmem>>
        %dma_start3A_181 = arith.constant 0 : i32
        %dma_start3A_182 = arith.constant 0 : i32
        %dma_start3A_183 = tpu.memref_slice %arg2[%dma_start3A_181, %dma_start3A_182] : memref<10000x128xf32, #tpu.memory_space<hbm>> -> memref<10000x128xf32, #tpu.memory_space<hbm>>
        tpu.enqueue_indirect_dma source(%dma_start3A_183 : memref<10000x128xf32, #tpu.memory_space<hbm>>) target(%arg9 : memref<128x128xf32, #tpu.memory_space<vmem>>) offsets(%dma_start3A_180 : memref<128xi32, #tpu.memory_space<vmem>>) semaphore(%arg11 : memref<!tpu.dma_semaphore, #tpu.memory_space<semaphore_mem>>)
      } else {
      }
      %dma_wait3A_169 = arith.constant 0 : i32
      %dma_wait3A_170 = tpu.memref_slice %arg7[%add3A_129, %dma_wait3A_169] : memref<40x128xi32, #tpu.memory_space<vmem>> -> memref<1x128xi32, #tpu.memory_space<vmem>>
      %dma_wait3A_171 = tpu.memref_squeeze %dma_wait3A_170 : memref<1x128xi32, #tpu.memory_space<vmem>> -> memref<128xi32, #tpu.memory_space<vmem>>
      %dma_wait3A_172 = arith.constant 0 : i32
      %dma_wait3A_173 = arith.constant 0 : i32
      %dma_wait3A_174 = tpu.memref_slice %arg2[%dma_wait3A_172, %dma_wait3A_173] : memref<10000x128xf32, #tpu.memory_space<hbm>> -> memref<10000x128xf32, #tpu.memory_space<hbm>>
      tpu.wait_indirect_dma semaphore(%arg12 : memref<!tpu.dma_semaphore, #tpu.memory_space<semaphore_mem>>) src(%dma_wait3A_174 : memref<10000x128xf32, #tpu.memory_space<hbm>>) dst(%arg10 : memref<128x128xf32, #tpu.memory_space<vmem>>)
      "tpu.region"() ({
        %run_scoped3A = tpu.sem_alloc : memref<!tpu.dma_semaphore, #tpu.memory_space<semaphore_mem>>
        %dma_start3A_176 = arith.constant 0 : i32
        %dma_start3A_177 = tpu.memref_slice %arg8[%add3A_129, %dma_start3A_176] : memref<40x128xi32, #tpu.memory_space<vmem>> -> memref<1x128xi32, #tpu.memory_space<vmem>>
        %dma_start3A_178 = tpu.memref_squeeze %dma_start3A_177 : memref<1x128xi32, #tpu.memory_space<vmem>> -> memref<128xi32, #tpu.memory_space<vmem>>
        %dma_start3A_179 = arith.constant 0 : i32
        %dma_start3A_180 = arith.constant 0 : i32
        %dma_start3A_181 = tpu.memref_slice %arg6[%dma_start3A_179, %dma_start3A_180] : memref<10240x128xf32, #tpu.memory_space<vmem_shared>> -> memref<10240x128xf32, #tpu.memory_space<vmem_shared>>
        tpu.enqueue_indirect_dma source(%arg10 : memref<128x128xf32, #tpu.memory_space<vmem>>) target(%dma_start3A_181 : memref<10240x128xf32, #tpu.memory_space<vmem_shared>>) offsets(%dma_start3A_178 : memref<128xi32, #tpu.memory_space<vmem>>) semaphore(%run_scoped3A : memref<!tpu.dma_semaphore, #tpu.memory_space<semaphore_mem>>) {add = true}
        %dma_wait3A_182 = arith.constant 0 : i32
        %dma_wait3A_183 = tpu.memref_slice %arg8[%add3A_129, %dma_wait3A_182] : memref<40x128xi32, #tpu.memory_space<vmem>> -> memref<1x128xi32, #tpu.memory_space<vmem>>
        %dma_wait3A_184 = tpu.memref_squeeze %dma_wait3A_183 : memref<1x128xi32, #tpu.memory_space<vmem>> -> memref<128xi32, #tpu.memory_space<vmem>>
        %dma_wait3A_185 = arith.constant 0 : i32
        %dma_wait3A_186 = arith.constant 0 : i32
        %dma_wait3A_187 = tpu.memref_slice %arg6[%dma_wait3A_185, %dma_wait3A_186] : memref<10240x128xf32, #tpu.memory_space<vmem_shared>> -> memref<10240x128xf32, #tpu.memory_space<vmem_shared>>
        tpu.wait_indirect_dma semaphore(%run_scoped3A : memref<!tpu.dma_semaphore, #tpu.memory_space<semaphore_mem>>) src(%arg10 : memref<128x128xf32, #tpu.memory_space<vmem>>) dst(%dma_wait3A_187 : memref<10240x128xf32, #tpu.memory_space<vmem_shared>>)
        tpu.yield
      }) : () -> ()
      %while3A_175 = arith.constant 0 : i32
      scf.yield %while3A_175 : i32
    }
    %barrier3A_114 = arith.constant 0 : index
    tpu.barrier barrier_id(%barrier3A_114)
    %mul3A_115 = arith.constant 640 : i32
    %mul3A_116 = arith.muli %arg1, %mul3A_115 : i32
    %mul3A_117 = arith.constant 10240 : i32
    %mul3A_118 = arith.muli %arg0, %mul3A_117 : i32
    %mul3A_119 = arith.constant 640 : i32
    %mul3A_120 = arith.muli %arg1, %mul3A_119 : i32
    %add3A_121 = arith.addi %mul3A_118, %mul3A_120 : i32
    "tpu.region"() ({
      %run_scoped3A = tpu.sem_alloc : memref<!tpu.dma_semaphore, #tpu.memory_space<semaphore_mem>>
      %dma_start3A = arith.constant 0 : i32
      %dma_start3A_122 = tpu.memref_slice %arg5[%add3A_121, %dma_start3A] : memref<20480x128xf32, #tpu.memory_space<hbm>> -> memref<640x128xf32, #tpu.memory_space<hbm>>
      %dma_start3A_123 = arith.constant 0 : i32
      %dma_start3A_124 = tpu.memref_slice %arg6[%mul3A_116, %dma_start3A_123] : memref<10240x128xf32, #tpu.memory_space<vmem_shared>> -> memref<640x128xf32, #tpu.memory_space<vmem_shared>>
      tpu.enqueue_dma source(%dma_start3A_124 : memref<640x128xf32, #tpu.memory_space<vmem_shared>>) target(%dma_start3A_122 : memref<640x128xf32, #tpu.memory_space<hbm>>) target_semaphore(%run_scoped3A : memref<!tpu.dma_semaphore, #tpu.memory_space<semaphore_mem>>)
      %dma_wait3A = arith.constant 0 : i32
      %dma_wait3A_125 = tpu.memref_slice %arg5[%add3A_121, %dma_wait3A] : memref<20480x128xf32, #tpu.memory_space<hbm>> -> memref<640x128xf32, #tpu.memory_space<hbm>>
      %dma_wait3A_126 = arith.constant 0 : i32
      %dma_wait3A_127 = tpu.memref_slice %arg6[%mul3A_116, %dma_wait3A_126] : memref<10240x128xf32, #tpu.memory_space<vmem_shared>> -> memref<640x128xf32, #tpu.memory_space<vmem_shared>>
      tpu.wait_dma2 semaphore(%run_scoped3A : memref<!tpu.dma_semaphore, #tpu.memory_space<semaphore_mem>>) src(%dma_wait3A_127 : memref<640x128xf32, #tpu.memory_space<vmem_shared>>) dst(%dma_wait3A_125 : memref<640x128xf32, #tpu.memory_space<hbm>>)
      tpu.yield
    }) : () -> ()
    return
  }
}

#map = affine_map<(d0, d1) -> (0, 0)>
#map1 = affine_map<(d0, d1) -> (0)>
module attributes {stable_mosaic.version = 14 : i64} {
  func.func @_deg_body(%arg0: i32, %arg1: i32, %arg2: memref<2560x128xi32, #tpu.memory_space<hbm>>, %arg3: memref<20480xf32, #tpu.memory_space<hbm>>, %arg4: memref<10240xf32, #tpu.memory_space<vmem_shared>>, %arg5: memref<80x128xi32, #tpu.memory_space<vmem>>, %arg6: memref<128xf32, #tpu.memory_space<vmem>>, %arg7: memref<640xf32, #tpu.memory_space<vmem>>) attributes {dimension_semantics = [#tpu.dimension_semantics<core_parallel>, #tpu.dimension_semantics<subcore_parallel>], iteration_bounds = array<i64: 2, 16>, scalar_prefetch = 0 : i64, scratch_operands = 4 : i64, tpu.core_type = #tpu.core_type<sc_vector_subcore>, window_params = [{transform_indices = #map}, {transform_indices = #map1}]} {
    %mul3A = arith.constant 16 : i32
    %mul3A_0 = arith.muli %arg0, %mul3A : i32
    %add3A = arith.addi %mul3A_0, %arg1 : i32
    %broadcast_in_dim3A = arith.constant 1.000000e+00 : f32
    %broadcast_in_dim3A_1 = vector.broadcast %broadcast_in_dim3A : f32 to vector<16xf32>
    %broadcast_in_dim3A_2 = arith.constant 0.000000e+00 : f32
    %broadcast_in_dim3A_3 = vector.broadcast %broadcast_in_dim3A_2 : f32 to vector<16xf32>
    %scan3A = arith.constant 0 : i32
    %scan3A_4 = arith.constant 0 : i32
    %scan3A_5 = arith.constant 8 : i32
    %scan3A_6 = arith.addi %scan3A_4, %scan3A_5 : i32
    %scan3A_7 = arith.constant 1 : i32
    %scan3A_8 = scf.for %scan3A_44 = %scan3A_4 to %scan3A_6 step %scan3A_7 iter_args(%scan3A_45 = %scan3A) -> (i32)  : i32 {
      %mul3A_46 = arith.constant 16 : i32
      %mul3A_47 = arith.muli %scan3A_44, %mul3A_46 : i32
      %swap3A = arith.index_cast %mul3A_47 : i32 to index
      %swap3A_48 = tpu.vector_load %arg6[%swap3A] {strides = array<i32>} : memref<128xf32, #tpu.memory_space<vmem>>, vector<16xf32>,
      %swap3A_49 = vector.shape_cast %swap3A_48 : vector<16xf32> to vector<16xf32>
      %swap3A_50 = vector.shape_cast %broadcast_in_dim3A_1 : vector<16xf32> to vector<16xf32>
      tpu.vector_store %arg6[%swap3A], %swap3A_50 {strides = array<i32>} : memref<128xf32, #tpu.memory_space<vmem>>, vector<16xf32>,
      %scan3A_51 = arith.constant 0 : i32
      scf.yield %scan3A_51 : i32
    }
    %scan3A_9 = arith.constant 8 : i32
    %scan3A_10 = arith.constant 0 : i32
    %scan3A_11 = arith.constant 0 : i32
    %scan3A_12 = arith.constant 40 : i32
    %scan3A_13 = arith.addi %scan3A_11, %scan3A_12 : i32
    %scan3A_14 = arith.constant 1 : i32
    %scan3A_15 = scf.for %scan3A_44 = %scan3A_11 to %scan3A_13 step %scan3A_14 iter_args(%scan3A_45 = %scan3A_10) -> (i32)  : i32 {
      %mul3A_46 = arith.constant 16 : i32
      %mul3A_47 = arith.muli %scan3A_44, %mul3A_46 : i32
      %swap3A = arith.index_cast %mul3A_47 : i32 to index
      %swap3A_48 = tpu.vector_load %arg7[%swap3A] {strides = array<i32>} : memref<640xf32, #tpu.memory_space<vmem>>, vector<16xf32>,
      %swap3A_49 = vector.shape_cast %swap3A_48 : vector<16xf32> to vector<16xf32>
      %swap3A_50 = vector.shape_cast %broadcast_in_dim3A_3 : vector<16xf32> to vector<16xf32>
      tpu.vector_store %arg7[%swap3A], %swap3A_50 {strides = array<i32>} : memref<640xf32, #tpu.memory_space<vmem>>, vector<16xf32>,
      %scan3A_51 = arith.constant 0 : i32
      scf.yield %scan3A_51 : i32
    }
    %scan3A_16 = arith.constant 40 : i32
    %mul3A_17 = arith.constant 640 : i32
    %mul3A_18 = arith.muli %arg1, %mul3A_17 : i32
    "tpu.region"() ({
      %run_scoped3A = tpu.sem_alloc : memref<!tpu.dma_semaphore, #tpu.memory_space<semaphore_mem>>
      %dma_start3A = tpu.memref_slice %arg4[%mul3A_18] : memref<10240xf32, #tpu.memory_space<vmem_shared>> -> memref<640xf32, #tpu.memory_space<vmem_shared>>
      %dma_start3A_44 = tpu.memref_slice %arg4[%mul3A_18] : memref<10240xf32, #tpu.memory_space<vmem_shared>> -> memref<640xf32, #tpu.memory_space<vmem_shared>>
      tpu.enqueue_dma source(%arg7 : memref<640xf32, #tpu.memory_space<vmem>>) target(%dma_start3A_44 : memref<640xf32, #tpu.memory_space<vmem_shared>>) target_semaphore(%run_scoped3A : memref<!tpu.dma_semaphore, #tpu.memory_space<semaphore_mem>>)
      %dma_wait3A = tpu.memref_slice %arg4[%mul3A_18] : memref<10240xf32, #tpu.memory_space<vmem_shared>> -> memref<640xf32, #tpu.memory_space<vmem_shared>>
      %dma_wait3A_45 = tpu.memref_slice %arg4[%mul3A_18] : memref<10240xf32, #tpu.memory_space<vmem_shared>> -> memref<640xf32, #tpu.memory_space<vmem_shared>>
      tpu.wait_dma2 semaphore(%run_scoped3A : memref<!tpu.dma_semaphore, #tpu.memory_space<semaphore_mem>>) src(%arg7 : memref<640xf32, #tpu.memory_space<vmem>>) dst(%dma_wait3A_45 : memref<640xf32, #tpu.memory_space<vmem_shared>>)
      tpu.yield
    }) : () -> ()
    %mul3A_19 = arith.constant 80 : i32
    %mul3A_20 = arith.muli %add3A, %mul3A_19 : i32
    "tpu.region"() ({
      %run_scoped3A = tpu.sem_alloc : memref<!tpu.dma_semaphore, #tpu.memory_space<semaphore_mem>>
      %dma_start3A = arith.constant 0 : i32
      %dma_start3A_44 = tpu.memref_slice %arg2[%mul3A_20, %dma_start3A] : memref<2560x128xi32, #tpu.memory_space<hbm>> -> memref<80x128xi32, #tpu.memory_space<hbm>>
      %dma_start3A_45 = arith.constant 0 : i32
      %dma_start3A_46 = tpu.memref_slice %arg2[%mul3A_20, %dma_start3A_45] : memref<2560x128xi32, #tpu.memory_space<hbm>> -> memref<80x128xi32, #tpu.memory_space<hbm>>
      tpu.enqueue_dma source(%dma_start3A_46 : memref<80x128xi32, #tpu.memory_space<hbm>>) target(%arg5 : memref<80x128xi32, #tpu.memory_space<vmem>>) target_semaphore(%run_scoped3A : memref<!tpu.dma_semaphore, #tpu.memory_space<semaphore_mem>>)
      %dma_wait3A = arith.constant 0 : i32
      %dma_wait3A_47 = tpu.memref_slice %arg2[%mul3A_20, %dma_wait3A] : memref<2560x128xi32, #tpu.memory_space<hbm>> -> memref<80x128xi32, #tpu.memory_space<hbm>>
      %dma_wait3A_48 = arith.constant 0 : i32
      %dma_wait3A_49 = tpu.memref_slice %arg2[%mul3A_20, %dma_wait3A_48] : memref<2560x128xi32, #tpu.memory_space<hbm>> -> memref<80x128xi32, #tpu.memory_space<hbm>>
      tpu.wait_dma2 semaphore(%run_scoped3A : memref<!tpu.dma_semaphore, #tpu.memory_space<semaphore_mem>>) src(%dma_wait3A_49 : memref<80x128xi32, #tpu.memory_space<hbm>>) dst(%arg5 : memref<80x128xi32, #tpu.memory_space<vmem>>)
      tpu.yield
    }) : () -> ()
    %barrier3A = arith.constant 0 : index
    tpu.barrier barrier_id(%barrier3A)
    %mul3A_21 = arith.constant 80 : i32
    %mul3A_22 = arith.muli %add3A, %mul3A_21 : i32
    %sub3A = arith.constant 2500 : i32
    %sub3A_23 = arith.subi %sub3A, %mul3A_22 : i32
    %min3A = arith.constant 80 : i32
    %min3A_24 = arith.minsi %min3A, %sub3A_23 : i32
    %while3A = arith.constant 0 : i32
    %while3A_25 = arith.constant 0 : i32
    %while3A_26 = arith.subi %min3A_24, %while3A : i32
    %while3A_27 = arith.addi %while3A, %while3A_26 : i32
    %while3A_28 = arith.constant 1 : i32
    %while3A_29 = arith.divsi %while3A_26, %while3A_28 : i32
    %while3A_30 = arith.muli %while3A_29, %while3A_28 : i32
    %while3A_31 = arith.addi %while3A, %while3A_30 : i32
    %while3A_32 = arith.constant 1 : i32
    %while3A_33 = scf.for %while3A_44 = %while3A to %while3A_31 step %while3A_32 iter_args(%while3A_45 = %while3A_25) -> (i32)  : i32 {
      "tpu.region"() ({
        %run_scoped3A = tpu.sem_alloc : memref<!tpu.dma_semaphore, #tpu.memory_space<semaphore_mem>>
        %dma_start3A = arith.constant 0 : i32
        %dma_start3A_47 = tpu.memref_slice %arg5[%while3A_44, %dma_start3A] : memref<80x128xi32, #tpu.memory_space<vmem>> -> memref<1x128xi32, #tpu.memory_space<vmem>>
        %dma_start3A_48 = tpu.memref_squeeze %dma_start3A_47 : memref<1x128xi32, #tpu.memory_space<vmem>> -> memref<128xi32, #tpu.memory_space<vmem>>
        %dma_start3A_49 = arith.constant 0 : i32
        %dma_start3A_50 = tpu.memref_slice %arg4[%dma_start3A_49] : memref<10240xf32, #tpu.memory_space<vmem_shared>> -> memref<10240xf32, #tpu.memory_space<vmem_shared>>
        tpu.enqueue_indirect_dma source(%arg6 : memref<128xf32, #tpu.memory_space<vmem>>) target(%dma_start3A_50 : memref<10240xf32, #tpu.memory_space<vmem_shared>>) offsets(%dma_start3A_48 : memref<128xi32, #tpu.memory_space<vmem>>) semaphore(%run_scoped3A : memref<!tpu.dma_semaphore, #tpu.memory_space<semaphore_mem>>) {add = true}
        %dma_wait3A = arith.constant 0 : i32
        %dma_wait3A_51 = tpu.memref_slice %arg5[%while3A_44, %dma_wait3A] : memref<80x128xi32, #tpu.memory_space<vmem>> -> memref<1x128xi32, #tpu.memory_space<vmem>>
        %dma_wait3A_52 = tpu.memref_squeeze %dma_wait3A_51 : memref<1x128xi32, #tpu.memory_space<vmem>> -> memref<128xi32, #tpu.memory_space<vmem>>
        %dma_wait3A_53 = arith.constant 0 : i32
        %dma_wait3A_54 = tpu.memref_slice %arg4[%dma_wait3A_53] : memref<10240xf32, #tpu.memory_space<vmem_shared>> -> memref<10240xf32, #tpu.memory_space<vmem_shared>>
        tpu.wait_indirect_dma semaphore(%run_scoped3A : memref<!tpu.dma_semaphore, #tpu.memory_space<semaphore_mem>>) src(%arg6 : memref<128xf32, #tpu.memory_space<vmem>>) dst(%dma_wait3A_54 : memref<10240xf32, #tpu.memory_space<vmem_shared>>)
        tpu.yield
      }) : () -> ()
      %while3A_46 = arith.constant 0 : i32
      scf.yield %while3A_46 : i32
    }
    %while3A_34 = arith.constant 1 : i32
    %while3A_35 = scf.for %while3A_44 = %while3A_31 to %while3A_27 step %while3A_34 iter_args(%while3A_45 = %while3A_33) -> (i32)  : i32 {
      "tpu.region"() ({
        %run_scoped3A = tpu.sem_alloc : memref<!tpu.dma_semaphore, #tpu.memory_space<semaphore_mem>>
        %dma_start3A = arith.constant 0 : i32
        %dma_start3A_47 = tpu.memref_slice %arg5[%while3A_44, %dma_start3A] : memref<80x128xi32, #tpu.memory_space<vmem>> -> memref<1x128xi32, #tpu.memory_space<vmem>>
        %dma_start3A_48 = tpu.memref_squeeze %dma_start3A_47 : memref<1x128xi32, #tpu.memory_space<vmem>> -> memref<128xi32, #tpu.memory_space<vmem>>
        %dma_start3A_49 = arith.constant 0 : i32
        %dma_start3A_50 = tpu.memref_slice %arg4[%dma_start3A_49] : memref<10240xf32, #tpu.memory_space<vmem_shared>> -> memref<10240xf32, #tpu.memory_space<vmem_shared>>
        tpu.enqueue_indirect_dma source(%arg6 : memref<128xf32, #tpu.memory_space<vmem>>) target(%dma_start3A_50 : memref<10240xf32, #tpu.memory_space<vmem_shared>>) offsets(%dma_start3A_48 : memref<128xi32, #tpu.memory_space<vmem>>) semaphore(%run_scoped3A : memref<!tpu.dma_semaphore, #tpu.memory_space<semaphore_mem>>) {add = true}
        %dma_wait3A = arith.constant 0 : i32
        %dma_wait3A_51 = tpu.memref_slice %arg5[%while3A_44, %dma_wait3A] : memref<80x128xi32, #tpu.memory_space<vmem>> -> memref<1x128xi32, #tpu.memory_space<vmem>>
        %dma_wait3A_52 = tpu.memref_squeeze %dma_wait3A_51 : memref<1x128xi32, #tpu.memory_space<vmem>> -> memref<128xi32, #tpu.memory_space<vmem>>
        %dma_wait3A_53 = arith.constant 0 : i32
        %dma_wait3A_54 = tpu.memref_slice %arg4[%dma_wait3A_53] : memref<10240xf32, #tpu.memory_space<vmem_shared>> -> memref<10240xf32, #tpu.memory_space<vmem_shared>>
        tpu.wait_indirect_dma semaphore(%run_scoped3A : memref<!tpu.dma_semaphore, #tpu.memory_space<semaphore_mem>>) src(%arg6 : memref<128xf32, #tpu.memory_space<vmem>>) dst(%dma_wait3A_54 : memref<10240xf32, #tpu.memory_space<vmem_shared>>)
        tpu.yield
      }) : () -> ()
      %while3A_46 = arith.constant 0 : i32
      scf.yield %while3A_46 : i32
    }
    %barrier3A_36 = arith.constant 0 : index
    tpu.barrier barrier_id(%barrier3A_36)
    %mul3A_37 = arith.constant 640 : i32
    %mul3A_38 = arith.muli %arg1, %mul3A_37 : i32
    %mul3A_39 = arith.constant 10240 : i32
    %mul3A_40 = arith.muli %arg0, %mul3A_39 : i32
    %mul3A_41 = arith.constant 640 : i32
    %mul3A_42 = arith.muli %arg1, %mul3A_41 : i32
    %add3A_43 = arith.addi %mul3A_40, %mul3A_42 : i32
    "tpu.region"() ({
      %run_scoped3A = tpu.sem_alloc : memref<!tpu.dma_semaphore, #tpu.memory_space<semaphore_mem>>
      %dma_start3A = tpu.memref_slice %arg3[%add3A_43] : memref<20480xf32, #tpu.memory_space<hbm>> -> memref<640xf32, #tpu.memory_space<hbm>>
      %dma_start3A_44 = tpu.memref_slice %arg4[%mul3A_38] : memref<10240xf32, #tpu.memory_space<vmem_shared>> -> memref<640xf32, #tpu.memory_space<vmem_shared>>
      tpu.enqueue_dma source(%dma_start3A_44 : memref<640xf32, #tpu.memory_space<vmem_shared>>) target(%dma_start3A : memref<640xf32, #tpu.memory_space<hbm>>) target_semaphore(%run_scoped3A : memref<!tpu.dma_semaphore, #tpu.memory_space<semaphore_mem>>)
      %dma_wait3A = tpu.memref_slice %arg3[%add3A_43] : memref<20480xf32, #tpu.memory_space<hbm>> -> memref<640xf32, #tpu.memory_space<hbm>>
      %dma_wait3A_45 = tpu.memref_slice %arg4[%mul3A_38] : memref<10240xf32, #tpu.memory_space<vmem_shared>> -> memref<640xf32, #tpu.memory_space<vmem_shared>>
      tpu.wait_dma2 semaphore(%run_scoped3A : memref<!tpu.dma_semaphore, #tpu.memory_space<semaphore_mem>>) src(%dma_wait3A_45 : memref<640xf32, #tpu.memory_space<vmem_shared>>) dst(%dma_wait3A : memref<640xf32, #tpu.memory_space<hbm>>)
      tpu.yield
    }) : () -> ()
    return
  }
}

#map = affine_map<(d0, d1) -> (0, 0)>
module attributes {stable_mosaic.version = 14 : i64} {
  func.func @_agg_body(%arg0: i32, %arg1: i32, %arg2: memref<10000x128xf32, #tpu.memory_space<hbm>>, %arg3: memref<2560x128xi32, #tpu.memory_space<hbm>>, %arg4: memref<2560x128xi32, #tpu.memory_space<hbm>>, %arg5: memref<20480x128xf32, #tpu.memory_space<hbm>>, %arg6: memref<10240x128xf32, #tpu.memory_space<vmem_shared>>, %arg7: memref<40x128xi32, #tpu.memory_space<vmem>>, %arg8: memref<40x128xi32, #tpu.memory_space<vmem>>, %arg9: memref<128x128xf32, #tpu.memory_space<vmem>>, %arg10: memref<128x128xf32, #tpu.memory_space<vmem>>, %arg11: memref<!tpu.dma_semaphore, #tpu.memory_space<semaphore_mem>>, %arg12: memref<!tpu.dma_semaphore, #tpu.memory_space<semaphore_mem>>) attributes {dimension_semantics = [#tpu.dimension_semantics<core_parallel>, #tpu.dimension_semantics<subcore_parallel>], iteration_bounds = array<i64: 2, 16>, scalar_prefetch = 0 : i64, scratch_operands = 7 : i64, tpu.core_type = #tpu.core_type<sc_vector_subcore>, window_params = [{transform_indices = #map}, {transform_indices = #map}, {transform_indices = #map}, {transform_indices = #map}]} {
    %mul3A = arith.constant 16 : i32
    %mul3A_0 = arith.muli %arg0, %mul3A : i32
    %add3A = arith.addi %mul3A_0, %arg1 : i32
    %mul3A_1 = arith.constant 80 : i32
    %mul3A_2 = arith.muli %add3A, %mul3A_1 : i32
    %sub3A = arith.constant 2500 : i32
    %sub3A_3 = arith.subi %sub3A, %mul3A_2 : i32
    %min3A = arith.constant 80 : i32
    %min3A_4 = arith.minsi %min3A, %sub3A_3 : i32
    %broadcast_in_dim3A = arith.constant 0.000000e+00 : f32
    %broadcast_in_dim3A_5 = vector.broadcast %broadcast_in_dim3A : f32 to vector<16xf32>
    %scan3A = arith.constant 0 : i32
    %scan3A_6 = arith.constant 0 : i32
    %scan3A_7 = arith.constant 128 : i32
    %scan3A_8 = arith.addi %scan3A_6, %scan3A_7 : i32
    %scan3A_9 = arith.constant 1 : i32
    %scan3A_10 = scf.for %scan3A_122 = %scan3A_6 to %scan3A_8 step %scan3A_9 iter_args(%scan3A_123 = %scan3A) -> (i32)  : i32 {
      %swap3A = arith.index_cast %scan3A_122 : i32 to index
      %swap3A_124 = arith.constant 0 : index
      %swap3A_125 = tpu.vector_load %arg9[%swap3A, %swap3A_124] {strides = array<i32>} : memref<128x128xf32, #tpu.memory_space<vmem>>, vector<1x16xf32>,
      %swap3A_126 = vector.shape_cast %swap3A_125 : vector<1x16xf32> to vector<16xf32>
      %swap3A_127 = vector.shape_cast %broadcast_in_dim3A_5 : vector<16xf32> to vector<1x16xf32>
      tpu.vector_store %arg9[%swap3A, %swap3A_124], %swap3A_127 {strides = array<i32>} : memref<128x128xf32, #tpu.memory_space<vmem>>, vector<1x16xf32>,
      %swap3A_128 = arith.index_cast %scan3A_122 : i32 to index
      %swap3A_129 = arith.constant 16 : index
      %swap3A_130 = tpu.vector_load %arg9[%swap3A_128, %swap3A_129] {strides = array<i32>} : memref<128x128xf32, #tpu.memory_space<vmem>>, vector<1x16xf32>,
      %swap3A_131 = vector.shape_cast %swap3A_130 : vector<1x16xf32> to vector<16xf32>
      %swap3A_132 = vector.shape_cast %broadcast_in_dim3A_5 : vector<16xf32> to vector<1x16xf32>
      tpu.vector_store %arg9[%swap3A_128, %swap3A_129], %swap3A_132 {strides = array<i32>} : memref<128x128xf32, #tpu.memory_space<vmem>>, vector<1x16xf32>,
      %swap3A_133 = arith.index_cast %scan3A_122 : i32 to index
      %swap3A_134 = arith.constant 32 : index
      %swap3A_135 = tpu.vector_load %arg9[%swap3A_133, %swap3A_134] {strides = array<i32>} : memref<128x128xf32, #tpu.memory_space<vmem>>, vector<1x16xf32>,
      %swap3A_136 = vector.shape_cast %swap3A_135 : vector<1x16xf32> to vector<16xf32>
      %swap3A_137 = vector.shape_cast %broadcast_in_dim3A_5 : vector<16xf32> to vector<1x16xf32>
      tpu.vector_store %arg9[%swap3A_133, %swap3A_134], %swap3A_137 {strides = array<i32>} : memref<128x128xf32, #tpu.memory_space<vmem>>, vector<1x16xf32>,
      %swap3A_138 = arith.index_cast %scan3A_122 : i32 to index
      %swap3A_139 = arith.constant 48 : index
      %swap3A_140 = tpu.vector_load %arg9[%swap3A_138, %swap3A_139] {strides = array<i32>} : memref<128x128xf32, #tpu.memory_space<vmem>>, vector<1x16xf32>,
      %swap3A_141 = vector.shape_cast %swap3A_140 : vector<1x16xf32> to vector<16xf32>
      %swap3A_142 = vector.shape_cast %broadcast_in_dim3A_5 : vector<16xf32> to vector<1x16xf32>
      tpu.vector_store %arg9[%swap3A_138, %swap3A_139], %swap3A_142 {strides = array<i32>} : memref<128x128xf32, #tpu.memory_space<vmem>>, vector<1x16xf32>,
      %swap3A_143 = arith.index_cast %scan3A_122 : i32 to index
      %swap3A_144 = arith.constant 64 : index
      %swap3A_145 = tpu.vector_load %arg9[%swap3A_143, %swap3A_144] {strides = array<i32>} : memref<128x128xf32, #tpu.memory_space<vmem>>, vector<1x16xf32>,
      %swap3A_146 = vector.shape_cast %swap3A_145 : vector<1x16xf32> to vector<16xf32>
      %swap3A_147 = vector.shape_cast %broadcast_in_dim3A_5 : vector<16xf32> to vector<1x16xf32>
      tpu.vector_store %arg9[%swap3A_143, %swap3A_144], %swap3A_147 {strides = array<i32>} : memref<128x128xf32, #tpu.memory_space<vmem>>, vector<1x16xf32>,
      %swap3A_148 = arith.index_cast %scan3A_122 : i32 to index
      %swap3A_149 = arith.constant 80 : index
      %swap3A_150 = tpu.vector_load %arg9[%swap3A_148, %swap3A_149] {strides = array<i32>} : memref<128x128xf32, #tpu.memory_space<vmem>>, vector<1x16xf32>,
      %swap3A_151 = vector.shape_cast %swap3A_150 : vector<1x16xf32> to vector<16xf32>
      %swap3A_152 = vector.shape_cast %broadcast_in_dim3A_5 : vector<16xf32> to vector<1x16xf32>
      tpu.vector_store %arg9[%swap3A_148, %swap3A_149], %swap3A_152 {strides = array<i32>} : memref<128x128xf32, #tpu.memory_space<vmem>>, vector<1x16xf32>,
      %swap3A_153 = arith.index_cast %scan3A_122 : i32 to index
      %swap3A_154 = arith.constant 96 : index
      %swap3A_155 = tpu.vector_load %arg9[%swap3A_153, %swap3A_154] {strides = array<i32>} : memref<128x128xf32, #tpu.memory_space<vmem>>, vector<1x16xf32>,
      %swap3A_156 = vector.shape_cast %swap3A_155 : vector<1x16xf32> to vector<16xf32>
      %swap3A_157 = vector.shape_cast %broadcast_in_dim3A_5 : vector<16xf32> to vector<1x16xf32>
      tpu.vector_store %arg9[%swap3A_153, %swap3A_154], %swap3A_157 {strides = array<i32>} : memref<128x128xf32, #tpu.memory_space<vmem>>, vector<1x16xf32>,
      %swap3A_158 = arith.index_cast %scan3A_122 : i32 to index
      %swap3A_159 = arith.constant 112 : index
      %swap3A_160 = tpu.vector_load %arg9[%swap3A_158, %swap3A_159] {strides = array<i32>} : memref<128x128xf32, #tpu.memory_space<vmem>>, vector<1x16xf32>,
      %swap3A_161 = vector.shape_cast %swap3A_160 : vector<1x16xf32> to vector<16xf32>
      %swap3A_162 = vector.shape_cast %broadcast_in_dim3A_5 : vector<16xf32> to vector<1x16xf32>
      tpu.vector_store %arg9[%swap3A_158, %swap3A_159], %swap3A_162 {strides = array<i32>} : memref<128x128xf32, #tpu.memory_space<vmem>>, vector<1x16xf32>,
      %scan3A_163 = arith.constant 0 : i32
      scf.yield %scan3A_163 : i32
    }
    %scan3A_11 = arith.constant 128 : i32
    %mul3A_12 = arith.constant 640 : i32
    %mul3A_13 = arith.muli %arg1, %mul3A_12 : i32
    %add3A_14 = arith.constant 0 : i32
    %add3A_15 = arith.addi %mul3A_13, %add3A_14 : i32
    "tpu.region"() ({
      %run_scoped3A = tpu.sem_alloc : memref<!tpu.dma_semaphore, #tpu.memory_space<semaphore_mem>>
      %dma_start3A = arith.constant 0 : i32
      %dma_start3A_122 = tpu.memref_slice %arg6[%add3A_15, %dma_start3A] : memref<10240x128xf32, #tpu.memory_space<vmem_shared>> -> memref<128x128xf32, #tpu.memory_space<vmem_shared>>
      %dma_start3A_123 = arith.constant 0 : i32
      %dma_start3A_124 = tpu.memref_slice %arg6[%add3A_15, %dma_start3A_123] : memref<10240x128xf32, #tpu.memory_space<vmem_shared>> -> memref<128x128xf32, #tpu.memory_space<vmem_shared>>
      tpu.enqueue_dma source(%arg9 : memref<128x128xf32, #tpu.memory_space<vmem>>) target(%dma_start3A_124 : memref<128x128xf32, #tpu.memory_space<vmem_shared>>) target_semaphore(%run_scoped3A : memref<!tpu.dma_semaphore, #tpu.memory_space<semaphore_mem>>)
      %dma_wait3A = arith.constant 0 : i32
      %dma_wait3A_125 = tpu.memref_slice %arg6[%add3A_15, %dma_wait3A] : memref<10240x128xf32, #tpu.memory_space<vmem_shared>> -> memref<128x128xf32, #tpu.memory_space<vmem_shared>>
      %dma_wait3A_126 = arith.constant 0 : i32
      %dma_wait3A_127 = tpu.memref_slice %arg6[%add3A_15, %dma_wait3A_126] : memref<10240x128xf32, #tpu.memory_space<vmem_shared>> -> memref<128x128xf32, #tpu.memory_space<vmem_shared>>
      tpu.wait_dma2 semaphore(%run_scoped3A : memref<!tpu.dma_semaphore, #tpu.memory_space<semaphore_mem>>) src(%arg9 : memref<128x128xf32, #tpu.memory_space<vmem>>) dst(%dma_wait3A_127 : memref<128x128xf32, #tpu.memory_space<vmem_shared>>)
      tpu.yield
    }) : () -> ()
    %mul3A_16 = arith.constant 640 : i32
    %mul3A_17 = arith.muli %arg1, %mul3A_16 : i32
    %add3A_18 = arith.constant 128 : i32
    %add3A_19 = arith.addi %mul3A_17, %add3A_18 : i32
    "tpu.region"() ({
      %run_scoped3A = tpu.sem_alloc : memref<!tpu.dma_semaphore, #tpu.memory_space<semaphore_mem>>
      %dma_start3A = arith.constant 0 : i32
      %dma_start3A_122 = tpu.memref_slice %arg6[%add3A_19, %dma_start3A] : memref<10240x128xf32, #tpu.memory_space<vmem_shared>> -> memref<128x128xf32, #tpu.memory_space<vmem_shared>>
      %dma_start3A_123 = arith.constant 0 : i32
      %dma_start3A_124 = tpu.memref_slice %arg6[%add3A_19, %dma_start3A_123] : memref<10240x128xf32, #tpu.memory_space<vmem_shared>> -> memref<128x128xf32, #tpu.memory_space<vmem_shared>>
      tpu.enqueue_dma source(%arg9 : memref<128x128xf32, #tpu.memory_space<vmem>>) target(%dma_start3A_124 : memref<128x128xf32, #tpu.memory_space<vmem_shared>>) target_semaphore(%run_scoped3A : memref<!tpu.dma_semaphore, #tpu.memory_space<semaphore_mem>>)
      %dma_wait3A = arith.constant 0 : i32
      %dma_wait3A_125 = tpu.memref_slice %arg6[%add3A_19, %dma_wait3A] : memref<10240x128xf32, #tpu.memory_space<vmem_shared>> -> memref<128x128xf32, #tpu.memory_space<vmem_shared>>
      %dma_wait3A_126 = arith.constant 0 : i32
      %dma_wait3A_127 = tpu.memref_slice %arg6[%add3A_19, %dma_wait3A_126] : memref<10240x128xf32, #tpu.memory_space<vmem_shared>> -> memref<128x128xf32, #tpu.memory_space<vmem_shared>>
      tpu.wait_dma2 semaphore(%run_scoped3A : memref<!tpu.dma_semaphore, #tpu.memory_space<semaphore_mem>>) src(%arg9 : memref<128x128xf32, #tpu.memory_space<vmem>>) dst(%dma_wait3A_127 : memref<128x128xf32, #tpu.memory_space<vmem_shared>>)
      tpu.yield
    }) : () -> ()
    %mul3A_20 = arith.constant 640 : i32
    %mul3A_21 = arith.muli %arg1, %mul3A_20 : i32
    %add3A_22 = arith.constant 256 : i32
    %add3A_23 = arith.addi %mul3A_21, %add3A_22 : i32
    "tpu.region"() ({
      %run_scoped3A = tpu.sem_alloc : memref<!tpu.dma_semaphore, #tpu.memory_space<semaphore_mem>>
      %dma_start3A = arith.constant 0 : i32
      %dma_start3A_122 = tpu.memref_slice %arg6[%add3A_23, %dma_start3A] : memref<10240x128xf32, #tpu.memory_space<vmem_shared>> -> memref<128x128xf32, #tpu.memory_space<vmem_shared>>
      %dma_start3A_123 = arith.constant 0 : i32
      %dma_start3A_124 = tpu.memref_slice %arg6[%add3A_23, %dma_start3A_123] : memref<10240x128xf32, #tpu.memory_space<vmem_shared>> -> memref<128x128xf32, #tpu.memory_space<vmem_shared>>
      tpu.enqueue_dma source(%arg9 : memref<128x128xf32, #tpu.memory_space<vmem>>) target(%dma_start3A_124 : memref<128x128xf32, #tpu.memory_space<vmem_shared>>) target_semaphore(%run_scoped3A : memref<!tpu.dma_semaphore, #tpu.memory_space<semaphore_mem>>)
      %dma_wait3A = arith.constant 0 : i32
      %dma_wait3A_125 = tpu.memref_slice %arg6[%add3A_23, %dma_wait3A] : memref<10240x128xf32, #tpu.memory_space<vmem_shared>> -> memref<128x128xf32, #tpu.memory_space<vmem_shared>>
      %dma_wait3A_126 = arith.constant 0 : i32
      %dma_wait3A_127 = tpu.memref_slice %arg6[%add3A_23, %dma_wait3A_126] : memref<10240x128xf32, #tpu.memory_space<vmem_shared>> -> memref<128x128xf32, #tpu.memory_space<vmem_shared>>
      tpu.wait_dma2 semaphore(%run_scoped3A : memref<!tpu.dma_semaphore, #tpu.memory_space<semaphore_mem>>) src(%arg9 : memref<128x128xf32, #tpu.memory_space<vmem>>) dst(%dma_wait3A_127 : memref<128x128xf32, #tpu.memory_space<vmem_shared>>)
      tpu.yield
    }) : () -> ()
    %mul3A_24 = arith.constant 640 : i32
    %mul3A_25 = arith.muli %arg1, %mul3A_24 : i32
    %add3A_26 = arith.constant 384 : i32
    %add3A_27 = arith.addi %mul3A_25, %add3A_26 : i32
    "tpu.region"() ({
      %run_scoped3A = tpu.sem_alloc : memref<!tpu.dma_semaphore, #tpu.memory_space<semaphore_mem>>
      %dma_start3A = arith.constant 0 : i32
      %dma_start3A_122 = tpu.memref_slice %arg6[%add3A_27, %dma_start3A] : memref<10240x128xf32, #tpu.memory_space<vmem_shared>> -> memref<128x128xf32, #tpu.memory_space<vmem_shared>>
      %dma_start3A_123 = arith.constant 0 : i32
      %dma_start3A_124 = tpu.memref_slice %arg6[%add3A_27, %dma_start3A_123] : memref<10240x128xf32, #tpu.memory_space<vmem_shared>> -> memref<128x128xf32, #tpu.memory_space<vmem_shared>>
      tpu.enqueue_dma source(%arg9 : memref<128x128xf32, #tpu.memory_space<vmem>>) target(%dma_start3A_124 : memref<128x128xf32, #tpu.memory_space<vmem_shared>>) target_semaphore(%run_scoped3A : memref<!tpu.dma_semaphore, #tpu.memory_space<semaphore_mem>>)
      %dma_wait3A = arith.constant 0 : i32
      %dma_wait3A_125 = tpu.memref_slice %arg6[%add3A_27, %dma_wait3A] : memref<10240x128xf32, #tpu.memory_space<vmem_shared>> -> memref<128x128xf32, #tpu.memory_space<vmem_shared>>
      %dma_wait3A_126 = arith.constant 0 : i32
      %dma_wait3A_127 = tpu.memref_slice %arg6[%add3A_27, %dma_wait3A_126] : memref<10240x128xf32, #tpu.memory_space<vmem_shared>> -> memref<128x128xf32, #tpu.memory_space<vmem_shared>>
      tpu.wait_dma2 semaphore(%run_scoped3A : memref<!tpu.dma_semaphore, #tpu.memory_space<semaphore_mem>>) src(%arg9 : memref<128x128xf32, #tpu.memory_space<vmem>>) dst(%dma_wait3A_127 : memref<128x128xf32, #tpu.memory_space<vmem_shared>>)
      tpu.yield
    }) : () -> ()
    %mul3A_28 = arith.constant 640 : i32
    %mul3A_29 = arith.muli %arg1, %mul3A_28 : i32
    %add3A_30 = arith.constant 512 : i32
    %add3A_31 = arith.addi %mul3A_29, %add3A_30 : i32
    "tpu.region"() ({
      %run_scoped3A = tpu.sem_alloc : memref<!tpu.dma_semaphore, #tpu.memory_space<semaphore_mem>>
      %dma_start3A = arith.constant 0 : i32
      %dma_start3A_122 = tpu.memref_slice %arg6[%add3A_31, %dma_start3A] : memref<10240x128xf32, #tpu.memory_space<vmem_shared>> -> memref<128x128xf32, #tpu.memory_space<vmem_shared>>
      %dma_start3A_123 = arith.constant 0 : i32
      %dma_start3A_124 = tpu.memref_slice %arg6[%add3A_31, %dma_start3A_123] : memref<10240x128xf32, #tpu.memory_space<vmem_shared>> -> memref<128x128xf32, #tpu.memory_space<vmem_shared>>
      tpu.enqueue_dma source(%arg9 : memref<128x128xf32, #tpu.memory_space<vmem>>) target(%dma_start3A_124 : memref<128x128xf32, #tpu.memory_space<vmem_shared>>) target_semaphore(%run_scoped3A : memref<!tpu.dma_semaphore, #tpu.memory_space<semaphore_mem>>)
      %dma_wait3A = arith.constant 0 : i32
      %dma_wait3A_125 = tpu.memref_slice %arg6[%add3A_31, %dma_wait3A] : memref<10240x128xf32, #tpu.memory_space<vmem_shared>> -> memref<128x128xf32, #tpu.memory_space<vmem_shared>>
      %dma_wait3A_126 = arith.constant 0 : i32
      %dma_wait3A_127 = tpu.memref_slice %arg6[%add3A_31, %dma_wait3A_126] : memref<10240x128xf32, #tpu.memory_space<vmem_shared>> -> memref<128x128xf32, #tpu.memory_space<vmem_shared>>
      tpu.wait_dma2 semaphore(%run_scoped3A : memref<!tpu.dma_semaphore, #tpu.memory_space<semaphore_mem>>) src(%arg9 : memref<128x128xf32, #tpu.memory_space<vmem>>) dst(%dma_wait3A_127 : memref<128x128xf32, #tpu.memory_space<vmem_shared>>)
      tpu.yield
    }) : () -> ()
    %barrier3A = arith.constant 0 : index
    tpu.barrier barrier_id(%barrier3A)
    %sub3A_32 = arith.constant 0 : i32
    %sub3A_33 = arith.subi %min3A_4, %sub3A_32 : i32
    %jit3A = arith.constant 0 : i32
    %jit3A_34 = arith.constant 40 : i32
    %max3A = arith.maxsi %jit3A, %sub3A_33 : i32
    %min3A_35 = arith.minsi %jit3A_34, %max3A : i32
    %gt3A = arith.constant 0 : i32
    %gt3A_36 = arith.cmpi sgt, %min3A_35, %gt3A : i32
    %convert_element_type3A = arith.extui %gt3A_36 : i1 to i32
    %cond3A = arith.constant 0 : i32
    %cond3A_37 = arith.cmpi ne, %convert_element_type3A, %cond3A : i32
    scf.if %cond3A_37 {
      %mul3A_122 = arith.constant 80 : i32
      %mul3A_123 = arith.muli %add3A, %mul3A_122 : i32
      %add3A_124 = arith.constant 0 : i32
      %add3A_125 = arith.addi %mul3A_123, %add3A_124 : i32
      "tpu.region"() ({
        %run_scoped3A = tpu.sem_alloc : memref<!tpu.dma_semaphore, #tpu.memory_space<semaphore_mem>>
        %dma_start3A_136 = arith.constant 0 : i32
        %dma_start3A_137 = tpu.memref_slice %arg3[%add3A_125, %dma_start3A_136] : memref<2560x128xi32, #tpu.memory_space<hbm>> -> memref<40x128xi32, #tpu.memory_space<hbm>>
        %dma_start3A_138 = arith.constant 0 : i32
        %dma_start3A_139 = tpu.memref_slice %arg3[%add3A_125, %dma_start3A_138] : memref<2560x128xi32, #tpu.memory_space<hbm>> -> memref<40x128xi32, #tpu.memory_space<hbm>>
        tpu.enqueue_dma source(%dma_start3A_139 : memref<40x128xi32, #tpu.memory_space<hbm>>) target(%arg7 : memref<40x128xi32, #tpu.memory_space<vmem>>) target_semaphore(%run_scoped3A : memref<!tpu.dma_semaphore, #tpu.memory_space<semaphore_mem>>)
        %dma_wait3A = arith.constant 0 : i32
        %dma_wait3A_140 = tpu.memref_slice %arg3[%add3A_125, %dma_wait3A] : memref<2560x128xi32, #tpu.memory_space<hbm>> -> memref<40x128xi32, #tpu.memory_space<hbm>>
        %dma_wait3A_141 = arith.constant 0 : i32
        %dma_wait3A_142 = tpu.memref_slice %arg3[%add3A_125, %dma_wait3A_141] : memref<2560x128xi32, #tpu.memory_space<hbm>> -> memref<40x128xi32, #tpu.memory_space<hbm>>
        tpu.wait_dma2 semaphore(%run_scoped3A : memref<!tpu.dma_semaphore, #tpu.memory_space<semaphore_mem>>) src(%dma_wait3A_142 : memref<40x128xi32, #tpu.memory_space<hbm>>) dst(%arg7 : memref<40x128xi32, #tpu.memory_space<vmem>>)
        tpu.yield
      }) : () -> ()
      %mul3A_126 = arith.constant 80 : i32
      %mul3A_127 = arith.muli %add3A, %mul3A_126 : i32
      %add3A_128 = arith.constant 0 : i32
      %add3A_129 = arith.addi %mul3A_127, %add3A_128 : i32
      "tpu.region"() ({
        %run_scoped3A = tpu.sem_alloc : memref<!tpu.dma_semaphore, #tpu.memory_space<semaphore_mem>>
        %dma_start3A_136 = arith.constant 0 : i32
        %dma_start3A_137 = tpu.memref_slice %arg4[%add3A_129, %dma_start3A_136] : memref<2560x128xi32, #tpu.memory_space<hbm>> -> memref<40x128xi32, #tpu.memory_space<hbm>>
        %dma_start3A_138 = arith.constant 0 : i32
        %dma_start3A_139 = tpu.memref_slice %arg4[%add3A_129, %dma_start3A_138] : memref<2560x128xi32, #tpu.memory_space<hbm>> -> memref<40x128xi32, #tpu.memory_space<hbm>>
        tpu.enqueue_dma source(%dma_start3A_139 : memref<40x128xi32, #tpu.memory_space<hbm>>) target(%arg8 : memref<40x128xi32, #tpu.memory_space<vmem>>) target_semaphore(%run_scoped3A : memref<!tpu.dma_semaphore, #tpu.memory_space<semaphore_mem>>)
        %dma_wait3A = arith.constant 0 : i32
        %dma_wait3A_140 = tpu.memref_slice %arg4[%add3A_129, %dma_wait3A] : memref<2560x128xi32, #tpu.memory_space<hbm>> -> memref<40x128xi32, #tpu.memory_space<hbm>>
        %dma_wait3A_141 = arith.constant 0 : i32
        %dma_wait3A_142 = tpu.memref_slice %arg4[%add3A_129, %dma_wait3A_141] : memref<2560x128xi32, #tpu.memory_space<hbm>> -> memref<40x128xi32, #tpu.memory_space<hbm>>
        tpu.wait_dma2 semaphore(%run_scoped3A : memref<!tpu.dma_semaphore, #tpu.memory_space<semaphore_mem>>) src(%dma_wait3A_142 : memref<40x128xi32, #tpu.memory_space<hbm>>) dst(%arg8 : memref<40x128xi32, #tpu.memory_space<vmem>>)
        tpu.yield
      }) : () -> ()
      %dma_start3A = arith.constant 0 : i32
      %dma_start3A_130 = arith.constant 0 : i32
      %dma_start3A_131 = tpu.memref_slice %arg7[%dma_start3A, %dma_start3A_130] : memref<40x128xi32, #tpu.memory_space<vmem>> -> memref<1x128xi32, #tpu.memory_space<vmem>>
      %dma_start3A_132 = tpu.memref_squeeze %dma_start3A_131 : memref<1x128xi32, #tpu.memory_space<vmem>> -> memref<128xi32, #tpu.memory_space<vmem>>
      %dma_start3A_133 = arith.constant 0 : i32
      %dma_start3A_134 = arith.constant 0 : i32
      %dma_start3A_135 = tpu.memref_slice %arg2[%dma_start3A_133, %dma_start3A_134] : memref<10000x128xf32, #tpu.memory_space<hbm>> -> memref<10000x128xf32, #tpu.memory_space<hbm>>
      tpu.enqueue_indirect_dma source(%dma_start3A_135 : memref<10000x128xf32, #tpu.memory_space<hbm>>) target(%arg9 : memref<128x128xf32, #tpu.memory_space<vmem>>) offsets(%dma_start3A_132 : memref<128xi32, #tpu.memory_space<vmem>>) semaphore(%arg11 : memref<!tpu.dma_semaphore, #tpu.memory_space<semaphore_mem>>)
    } else {
    }
    %jit3A_38 = arith.constant 2 : i32
    %div3A = arith.divsi %min3A_35, %jit3A_38 : i32
    %sign3A = arith.constant 0 : i32
    %sign3A_39 = arith.cmpi sgt, %min3A_35, %sign3A : i32
    %sign3A_40 = arith.extui %sign3A_39 : i1 to i32
    %sign3A_41 = arith.constant 0 : i32
    %sign3A_42 = arith.cmpi slt, %min3A_35, %sign3A_41 : i32
    %sign3A_43 = arith.extui %sign3A_42 : i1 to i32
    %sign3A_44 = arith.subi %sign3A_40, %sign3A_43 : i32
    %sign3A_45 = arith.constant 0 : i32
    %sign3A_46 = arith.cmpi sgt, %jit3A_38, %sign3A_45 : i32
    %sign3A_47 = arith.extui %sign3A_46 : i1 to i32
    %sign3A_48 = arith.constant 0 : i32
    %sign3A_49 = arith.cmpi slt, %jit3A_38, %sign3A_48 : i32
    %sign3A_50 = arith.extui %sign3A_49 : i1 to i32
    %sign3A_51 = arith.subi %sign3A_47, %sign3A_50 : i32
    %ne3A = arith.cmpi ne, %sign3A_44, %sign3A_51 : i32
    %rem3A = arith.remsi %min3A_35, %jit3A_38 : i32
    %ne3A_52 = arith.constant 0 : i32
    %ne3A_53 = arith.cmpi ne, %rem3A, %ne3A_52 : i32
    %and3A = arith.andi %ne3A, %ne3A_53 : i1
    %sub3A_54 = arith.constant 1 : i32
    %sub3A_55 = arith.subi %div3A, %sub3A_54 : i32
    %select_n3A = arith.select %and3A, %sub3A_55, %div3A : i32
    %while3A = arith.constant 0 : i32
    %while3A_56 = arith.constant 0 : i32
    %while3A_57 = arith.subi %select_n3A, %while3A : i32
    %while3A_58 = arith.addi %while3A, %while3A_57 : i32
    %while3A_59 = arith.constant 1 : i32
    %while3A_60 = arith.divsi %while3A_57, %while3A_59 : i32
    %while3A_61 = arith.muli %while3A_60, %while3A_59 : i32
    %while3A_62 = arith.addi %while3A, %while3A_61 : i32
    %while3A_63 = arith.constant 1 : i32
    %while3A_64 = scf.for %while3A_122 = %while3A to %while3A_62 step %while3A_63 iter_args(%while3A_123 = %while3A_56) -> (i32)  : i32 {
      %mul3A_124 = arith.constant 2 : i32
      %mul3A_125 = arith.muli %mul3A_124, %while3A_122 : i32
      %mul3A_126 = arith.constant 2 : i32
      %mul3A_127 = arith.muli %mul3A_126, %while3A_122 : i32
      %add3A_128 = arith.constant 1 : i32
      %add3A_129 = arith.addi %mul3A_127, %add3A_128 : i32
      %dma_start3A = arith.constant 0 : i32
      %dma_start3A_130 = tpu.memref_slice %arg7[%add3A_129, %dma_start3A] : memref<40x128xi32, #tpu.memory_space<vmem>> -> memref<1x128xi32, #tpu.memory_space<vmem>>
      %dma_start3A_131 = tpu.memref_squeeze %dma_start3A_130 : memref<1x128xi32, #tpu.memory_space<vmem>> -> memref<128xi32, #tpu.memory_space<vmem>>
      %dma_start3A_132 = arith.constant 0 : i32
      %dma_start3A_133 = arith.constant 0 : i32
      %dma_start3A_134 = tpu.memref_slice %arg2[%dma_start3A_132, %dma_start3A_133] : memref<10000x128xf32, #tpu.memory_space<hbm>> -> memref<10000x128xf32, #tpu.memory_space<hbm>>
      tpu.enqueue_indirect_dma source(%dma_start3A_134 : memref<10000x128xf32, #tpu.memory_space<hbm>>) target(%arg10 : memref<128x128xf32, #tpu.memory_space<vmem>>) offsets(%dma_start3A_131 : memref<128xi32, #tpu.memory_space<vmem>>) semaphore(%arg12 : memref<!tpu.dma_semaphore, #tpu.memory_space<semaphore_mem>>)
      %dma_wait3A = arith.constant 0 : i32
      %dma_wait3A_135 = tpu.memref_slice %arg7[%mul3A_125, %dma_wait3A] : memref<40x128xi32, #tpu.memory_space<vmem>> -> memref<1x128xi32, #tpu.memory_space<vmem>>
      %dma_wait3A_136 = tpu.memref_squeeze %dma_wait3A_135 : memref<1x128xi32, #tpu.memory_space<vmem>> -> memref<128xi32, #tpu.memory_space<vmem>>
      %dma_wait3A_137 = arith.constant 0 : i32
      %dma_wait3A_138 = arith.constant 0 : i32
      %dma_wait3A_139 = tpu.memref_slice %arg2[%dma_wait3A_137, %dma_wait3A_138] : memref<10000x128xf32, #tpu.memory_space<hbm>> -> memref<10000x128xf32, #tpu.memory_space<hbm>>
      tpu.wait_indirect_dma semaphore(%arg11 : memref<!tpu.dma_semaphore, #tpu.memory_space<semaphore_mem>>) src(%dma_wait3A_139 : memref<10000x128xf32, #tpu.memory_space<hbm>>) dst(%arg9 : memref<128x128xf32, #tpu.memory_space<vmem>>)
      "tpu.region"() ({
        %run_scoped3A = tpu.sem_alloc : memref<!tpu.dma_semaphore, #tpu.memory_space<semaphore_mem>>
        %dma_start3A_176 = arith.constant 0 : i32
        %dma_start3A_177 = tpu.memref_slice %arg8[%mul3A_125, %dma_start3A_176] : memref<40x128xi32, #tpu.memory_space<vmem>> -> memref<1x128xi32, #tpu.memory_space<vmem>>
        %dma_start3A_178 = tpu.memref_squeeze %dma_start3A_177 : memref<1x128xi32, #tpu.memory_space<vmem>> -> memref<128xi32, #tpu.memory_space<vmem>>
        %dma_start3A_179 = arith.constant 0 : i32
        %dma_start3A_180 = arith.constant 0 : i32
        %dma_start3A_181 = tpu.memref_slice %arg6[%dma_start3A_179, %dma_start3A_180] : memref<10240x128xf32, #tpu.memory_space<vmem_shared>> -> memref<10240x128xf32, #tpu.memory_space<vmem_shared>>
        tpu.enqueue_indirect_dma source(%arg9 : memref<128x128xf32, #tpu.memory_space<vmem>>) target(%dma_start3A_181 : memref<10240x128xf32, #tpu.memory_space<vmem_shared>>) offsets(%dma_start3A_178 : memref<128xi32, #tpu.memory_space<vmem>>) semaphore(%run_scoped3A : memref<!tpu.dma_semaphore, #tpu.memory_space<semaphore_mem>>) {add = true}
        %dma_wait3A_182 = arith.constant 0 : i32
        %dma_wait3A_183 = tpu.memref_slice %arg8[%mul3A_125, %dma_wait3A_182] : memref<40x128xi32, #tpu.memory_space<vmem>> -> memref<1x128xi32, #tpu.memory_space<vmem>>
        %dma_wait3A_184 = tpu.memref_squeeze %dma_wait3A_183 : memref<1x128xi32, #tpu.memory_space<vmem>> -> memref<128xi32, #tpu.memory_space<vmem>>
        %dma_wait3A_185 = arith.constant 0 : i32
        %dma_wait3A_186 = arith.constant 0 : i32
        %dma_wait3A_187 = tpu.memref_slice %arg6[%dma_wait3A_185, %dma_wait3A_186] : memref<10240x128xf32, #tpu.memory_space<vmem_shared>> -> memref<10240x128xf32, #tpu.memory_space<vmem_shared>>
        tpu.wait_indirect_dma semaphore(%run_scoped3A : memref<!tpu.dma_semaphore, #tpu.memory_space<semaphore_mem>>) src(%arg9 : memref<128x128xf32, #tpu.memory_space<vmem>>) dst(%dma_wait3A_187 : memref<10240x128xf32, #tpu.memory_space<vmem_shared>>)
        tpu.yield
      }) : () -> ()
      %jit3A_140 = arith.constant 2 : i32
      %div3A_141 = arith.divsi %min3A_35, %jit3A_140 : i32
      %sign3A_142 = arith.constant 0 : i32
      %sign3A_143 = arith.cmpi sgt, %min3A_35, %sign3A_142 : i32
      %sign3A_144 = arith.extui %sign3A_143 : i1 to i32
      %sign3A_145 = arith.constant 0 : i32
      %sign3A_146 = arith.cmpi slt, %min3A_35, %sign3A_145 : i32
      %sign3A_147 = arith.extui %sign3A_146 : i1 to i32
      %sign3A_148 = arith.subi %sign3A_144, %sign3A_147 : i32
      %sign3A_149 = arith.constant 0 : i32
      %sign3A_150 = arith.cmpi sgt, %jit3A_140, %sign3A_149 : i32
      %sign3A_151 = arith.extui %sign3A_150 : i1 to i32
      %sign3A_152 = arith.constant 0 : i32
      %sign3A_153 = arith.cmpi slt, %jit3A_140, %sign3A_152 : i32
      %sign3A_154 = arith.extui %sign3A_153 : i1 to i32
      %sign3A_155 = arith.subi %sign3A_151, %sign3A_154 : i32
      %ne3A_156 = arith.cmpi ne, %sign3A_148, %sign3A_155 : i32
      %rem3A_157 = arith.remsi %min3A_35, %jit3A_140 : i32
      %ne3A_158 = arith.constant 0 : i32
      %ne3A_159 = arith.cmpi ne, %rem3A_157, %ne3A_158 : i32
      %and3A_160 = arith.andi %ne3A_156, %ne3A_159 : i1
      %sub3A_161 = arith.constant 1 : i32
      %sub3A_162 = arith.subi %div3A_141, %sub3A_161 : i32
      %select_n3A_163 = arith.select %and3A_160, %sub3A_162, %div3A_141 : i32
      %sub3A_164 = arith.constant 1 : i32
      %sub3A_165 = arith.subi %select_n3A_163, %sub3A_164 : i32
      %lt3A = arith.cmpi slt, %while3A_122, %sub3A_165 : i32
      %convert_element_type3A_166 = arith.extui %lt3A : i1 to i32
      %cond3A_167 = arith.constant 0 : i32
      %cond3A_168 = arith.cmpi ne, %convert_element_type3A_166, %cond3A_167 : i32
      scf.if %cond3A_168 {
        %add3A_176 = arith.constant 1 : i32
        %add3A_177 = arith.addi %add3A_129, %add3A_176 : i32
        %dma_start3A_178 = arith.constant 0 : i32
        %dma_start3A_179 = tpu.memref_slice %arg7[%add3A_177, %dma_start3A_178] : memref<40x128xi32, #tpu.memory_space<vmem>> -> memref<1x128xi32, #tpu.memory_space<vmem>>
        %dma_start3A_180 = tpu.memref_squeeze %dma_start3A_179 : memref<1x128xi32, #tpu.memory_space<vmem>> -> memref<128xi32, #tpu.memory_space<vmem>>
        %dma_start3A_181 = arith.constant 0 : i32
        %dma_start3A_182 = arith.constant 0 : i32
        %dma_start3A_183 = tpu.memref_slice %arg2[%dma_start3A_181, %dma_start3A_182] : memref<10000x128xf32, #tpu.memory_space<hbm>> -> memref<10000x128xf32, #tpu.memory_space<hbm>>
        tpu.enqueue_indirect_dma source(%dma_start3A_183 : memref<10000x128xf32, #tpu.memory_space<hbm>>) target(%arg9 : memref<128x128xf32, #tpu.memory_space<vmem>>) offsets(%dma_start3A_180 : memref<128xi32, #tpu.memory_space<vmem>>) semaphore(%arg11 : memref<!tpu.dma_semaphore, #tpu.memory_space<semaphore_mem>>)
      } else {
      }
      %dma_wait3A_169 = arith.constant 0 : i32
      %dma_wait3A_170 = tpu.memref_slice %arg7[%add3A_129, %dma_wait3A_169] : memref<40x128xi32, #tpu.memory_space<vmem>> -> memref<1x128xi32, #tpu.memory_space<vmem>>
      %dma_wait3A_171 = tpu.memref_squeeze %dma_wait3A_170 : memref<1x128xi32, #tpu.memory_space<vmem>> -> memref<128xi32, #tpu.memory_space<vmem>>
      %dma_wait3A_172 = arith.constant 0 : i32
      %dma_wait3A_173 = arith.constant 0 : i32
      %dma_wait3A_174 = tpu.memref_slice %arg2[%dma_wait3A_172, %dma_wait3A_173] : memref<10000x128xf32, #tpu.memory_space<hbm>> -> memref<10000x128xf32, #tpu.memory_space<hbm>>
      tpu.wait_indirect_dma semaphore(%arg12 : memref<!tpu.dma_semaphore, #tpu.memory_space<semaphore_mem>>) src(%dma_wait3A_174 : memref<10000x128xf32, #tpu.memory_space<hbm>>) dst(%arg10 : memref<128x128xf32, #tpu.memory_space<vmem>>)
      "tpu.region"() ({
        %run_scoped3A = tpu.sem_alloc : memref<!tpu.dma_semaphore, #tpu.memory_space<semaphore_mem>>
        %dma_start3A_176 = arith.constant 0 : i32
        %dma_start3A_177 = tpu.memref_slice %arg8[%add3A_129, %dma_start3A_176] : memref<40x128xi32, #tpu.memory_space<vmem>> -> memref<1x128xi32, #tpu.memory_space<vmem>>
        %dma_start3A_178 = tpu.memref_squeeze %dma_start3A_177 : memref<1x128xi32, #tpu.memory_space<vmem>> -> memref<128xi32, #tpu.memory_space<vmem>>
        %dma_start3A_179 = arith.constant 0 : i32
        %dma_start3A_180 = arith.constant 0 : i32
        %dma_start3A_181 = tpu.memref_slice %arg6[%dma_start3A_179, %dma_start3A_180] : memref<10240x128xf32, #tpu.memory_space<vmem_shared>> -> memref<10240x128xf32, #tpu.memory_space<vmem_shared>>
        tpu.enqueue_indirect_dma source(%arg10 : memref<128x128xf32, #tpu.memory_space<vmem>>) target(%dma_start3A_181 : memref<10240x128xf32, #tpu.memory_space<vmem_shared>>) offsets(%dma_start3A_178 : memref<128xi32, #tpu.memory_space<vmem>>) semaphore(%run_scoped3A : memref<!tpu.dma_semaphore, #tpu.memory_space<semaphore_mem>>) {add = true}
        %dma_wait3A_182 = arith.constant 0 : i32
        %dma_wait3A_183 = tpu.memref_slice %arg8[%add3A_129, %dma_wait3A_182] : memref<40x128xi32, #tpu.memory_space<vmem>> -> memref<1x128xi32, #tpu.memory_space<vmem>>
        %dma_wait3A_184 = tpu.memref_squeeze %dma_wait3A_183 : memref<1x128xi32, #tpu.memory_space<vmem>> -> memref<128xi32, #tpu.memory_space<vmem>>
        %dma_wait3A_185 = arith.constant 0 : i32
        %dma_wait3A_186 = arith.constant 0 : i32
        %dma_wait3A_187 = tpu.memref_slice %arg6[%dma_wait3A_185, %dma_wait3A_186] : memref<10240x128xf32, #tpu.memory_space<vmem_shared>> -> memref<10240x128xf32, #tpu.memory_space<vmem_shared>>
        tpu.wait_indirect_dma semaphore(%run_scoped3A : memref<!tpu.dma_semaphore, #tpu.memory_space<semaphore_mem>>) src(%arg10 : memref<128x128xf32, #tpu.memory_space<vmem>>) dst(%dma_wait3A_187 : memref<10240x128xf32, #tpu.memory_space<vmem_shared>>)
        tpu.yield
      }) : () -> ()
      %while3A_175 = arith.constant 0 : i32
      scf.yield %while3A_175 : i32
    }
    %while3A_65 = arith.constant 1 : i32
    %while3A_66 = scf.for %while3A_122 = %while3A_62 to %while3A_58 step %while3A_65 iter_args(%while3A_123 = %while3A_64) -> (i32)  : i32 {
      %mul3A_124 = arith.constant 2 : i32
      %mul3A_125 = arith.muli %mul3A_124, %while3A_122 : i32
      %mul3A_126 = arith.constant 2 : i32
      %mul3A_127 = arith.muli %mul3A_126, %while3A_122 : i32
      %add3A_128 = arith.constant 1 : i32
      %add3A_129 = arith.addi %mul3A_127, %add3A_128 : i32
      %dma_start3A = arith.constant 0 : i32
      %dma_start3A_130 = tpu.memref_slice %arg7[%add3A_129, %dma_start3A] : memref<40x128xi32, #tpu.memory_space<vmem>> -> memref<1x128xi32, #tpu.memory_space<vmem>>
      %dma_start3A_131 = tpu.memref_squeeze %dma_start3A_130 : memref<1x128xi32, #tpu.memory_space<vmem>> -> memref<128xi32, #tpu.memory_space<vmem>>
      %dma_start3A_132 = arith.constant 0 : i32
      %dma_start3A_133 = arith.constant 0 : i32
      %dma_start3A_134 = tpu.memref_slice %arg2[%dma_start3A_132, %dma_start3A_133] : memref<10000x128xf32, #tpu.memory_space<hbm>> -> memref<10000x128xf32, #tpu.memory_space<hbm>>
      tpu.enqueue_indirect_dma source(%dma_start3A_134 : memref<10000x128xf32, #tpu.memory_space<hbm>>) target(%arg10 : memref<128x128xf32, #tpu.memory_space<vmem>>) offsets(%dma_start3A_131 : memref<128xi32, #tpu.memory_space<vmem>>) semaphore(%arg12 : memref<!tpu.dma_semaphore, #tpu.memory_space<semaphore_mem>>)
      %dma_wait3A = arith.constant 0 : i32
      %dma_wait3A_135 = tpu.memref_slice %arg7[%mul3A_125, %dma_wait3A] : memref<40x128xi32, #tpu.memory_space<vmem>> -> memref<1x128xi32, #tpu.memory_space<vmem>>
      %dma_wait3A_136 = tpu.memref_squeeze %dma_wait3A_135 : memref<1x128xi32, #tpu.memory_space<vmem>> -> memref<128xi32, #tpu.memory_space<vmem>>
      %dma_wait3A_137 = arith.constant 0 : i32
      %dma_wait3A_138 = arith.constant 0 : i32
      %dma_wait3A_139 = tpu.memref_slice %arg2[%dma_wait3A_137, %dma_wait3A_138] : memref<10000x128xf32, #tpu.memory_space<hbm>> -> memref<10000x128xf32, #tpu.memory_space<hbm>>
      tpu.wait_indirect_dma semaphore(%arg11 : memref<!tpu.dma_semaphore, #tpu.memory_space<semaphore_mem>>) src(%dma_wait3A_139 : memref<10000x128xf32, #tpu.memory_space<hbm>>) dst(%arg9 : memref<128x128xf32, #tpu.memory_space<vmem>>)
      "tpu.region"() ({
        %run_scoped3A = tpu.sem_alloc : memref<!tpu.dma_semaphore, #tpu.memory_space<semaphore_mem>>
        %dma_start3A_176 = arith.constant 0 : i32
        %dma_start3A_177 = tpu.memref_slice %arg8[%mul3A_125, %dma_start3A_176] : memref<40x128xi32, #tpu.memory_space<vmem>> -> memref<1x128xi32, #tpu.memory_space<vmem>>
        %dma_start3A_178 = tpu.memref_squeeze %dma_start3A_177 : memref<1x128xi32, #tpu.memory_space<vmem>> -> memref<128xi32, #tpu.memory_space<vmem>>
        %dma_start3A_179 = arith.constant 0 : i32
        %dma_start3A_180 = arith.constant 0 : i32
        %dma_start3A_181 = tpu.memref_slice %arg6[%dma_start3A_179, %dma_start3A_180] : memref<10240x128xf32, #tpu.memory_space<vmem_shared>> -> memref<10240x128xf32, #tpu.memory_space<vmem_shared>>
        tpu.enqueue_indirect_dma source(%arg9 : memref<128x128xf32, #tpu.memory_space<vmem>>) target(%dma_start3A_181 : memref<10240x128xf32, #tpu.memory_space<vmem_shared>>) offsets(%dma_start3A_178 : memref<128xi32, #tpu.memory_space<vmem>>) semaphore(%run_scoped3A : memref<!tpu.dma_semaphore, #tpu.memory_space<semaphore_mem>>) {add = true}
        %dma_wait3A_182 = arith.constant 0 : i32
        %dma_wait3A_183 = tpu.memref_slice %arg8[%mul3A_125, %dma_wait3A_182] : memref<40x128xi32, #tpu.memory_space<vmem>> -> memref<1x128xi32, #tpu.memory_space<vmem>>
        %dma_wait3A_184 = tpu.memref_squeeze %dma_wait3A_183 : memref<1x128xi32, #tpu.memory_space<vmem>> -> memref<128xi32, #tpu.memory_space<vmem>>
        %dma_wait3A_185 = arith.constant 0 : i32
        %dma_wait3A_186 = arith.constant 0 : i32
        %dma_wait3A_187 = tpu.memref_slice %arg6[%dma_wait3A_185, %dma_wait3A_186] : memref<10240x128xf32, #tpu.memory_space<vmem_shared>> -> memref<10240x128xf32, #tpu.memory_space<vmem_shared>>
        tpu.wait_indirect_dma semaphore(%run_scoped3A : memref<!tpu.dma_semaphore, #tpu.memory_space<semaphore_mem>>) src(%arg9 : memref<128x128xf32, #tpu.memory_space<vmem>>) dst(%dma_wait3A_187 : memref<10240x128xf32, #tpu.memory_space<vmem_shared>>)
        tpu.yield
      }) : () -> ()
      %jit3A_140 = arith.constant 2 : i32
      %div3A_141 = arith.divsi %min3A_35, %jit3A_140 : i32
      %sign3A_142 = arith.constant 0 : i32
      %sign3A_143 = arith.cmpi sgt, %min3A_35, %sign3A_142 : i32
      %sign3A_144 = arith.extui %sign3A_143 : i1 to i32
      %sign3A_145 = arith.constant 0 : i32
      %sign3A_146 = arith.cmpi slt, %min3A_35, %sign3A_145 : i32
      %sign3A_147 = arith.extui %sign3A_146 : i1 to i32
      %sign3A_148 = arith.subi %sign3A_144, %sign3A_147 : i32
      %sign3A_149 = arith.constant 0 : i32
      %sign3A_150 = arith.cmpi sgt, %jit3A_140, %sign3A_149 : i32
      %sign3A_151 = arith.extui %sign3A_150 : i1 to i32
      %sign3A_152 = arith.constant 0 : i32
      %sign3A_153 = arith.cmpi slt, %jit3A_140, %sign3A_152 : i32
      %sign3A_154 = arith.extui %sign3A_153 : i1 to i32
      %sign3A_155 = arith.subi %sign3A_151, %sign3A_154 : i32
      %ne3A_156 = arith.cmpi ne, %sign3A_148, %sign3A_155 : i32
      %rem3A_157 = arith.remsi %min3A_35, %jit3A_140 : i32
      %ne3A_158 = arith.constant 0 : i32
      %ne3A_159 = arith.cmpi ne, %rem3A_157, %ne3A_158 : i32
      %and3A_160 = arith.andi %ne3A_156, %ne3A_159 : i1
      %sub3A_161 = arith.constant 1 : i32
      %sub3A_162 = arith.subi %div3A_141, %sub3A_161 : i32
      %select_n3A_163 = arith.select %and3A_160, %sub3A_162, %div3A_141 : i32
      %sub3A_164 = arith.constant 1 : i32
      %sub3A_165 = arith.subi %select_n3A_163, %sub3A_164 : i32
      %lt3A = arith.cmpi slt, %while3A_122, %sub3A_165 : i32
      %convert_element_type3A_166 = arith.extui %lt3A : i1 to i32
      %cond3A_167 = arith.constant 0 : i32
      %cond3A_168 = arith.cmpi ne, %convert_element_type3A_166, %cond3A_167 : i32
      scf.if %cond3A_168 {
        %add3A_176 = arith.constant 1 : i32
        %add3A_177 = arith.addi %add3A_129, %add3A_176 : i32
        %dma_start3A_178 = arith.constant 0 : i32
        %dma_start3A_179 = tpu.memref_slice %arg7[%add3A_177, %dma_start3A_178] : memref<40x128xi32, #tpu.memory_space<vmem>> -> memref<1x128xi32, #tpu.memory_space<vmem>>
        %dma_start3A_180 = tpu.memref_squeeze %dma_start3A_179 : memref<1x128xi32, #tpu.memory_space<vmem>> -> memref<128xi32, #tpu.memory_space<vmem>>
        %dma_start3A_181 = arith.constant 0 : i32
        %dma_start3A_182 = arith.constant 0 : i32
        %dma_start3A_183 = tpu.memref_slice %arg2[%dma_start3A_181, %dma_start3A_182] : memref<10000x128xf32, #tpu.memory_space<hbm>> -> memref<10000x128xf32, #tpu.memory_space<hbm>>
        tpu.enqueue_indirect_dma source(%dma_start3A_183 : memref<10000x128xf32, #tpu.memory_space<hbm>>) target(%arg9 : memref<128x128xf32, #tpu.memory_space<vmem>>) offsets(%dma_start3A_180 : memref<128xi32, #tpu.memory_space<vmem>>) semaphore(%arg11 : memref<!tpu.dma_semaphore, #tpu.memory_space<semaphore_mem>>)
      } else {
      }
      %dma_wait3A_169 = arith.constant 0 : i32
      %dma_wait3A_170 = tpu.memref_slice %arg7[%add3A_129, %dma_wait3A_169] : memref<40x128xi32, #tpu.memory_space<vmem>> -> memref<1x128xi32, #tpu.memory_space<vmem>>
      %dma_wait3A_171 = tpu.memref_squeeze %dma_wait3A_170 : memref<1x128xi32, #tpu.memory_space<vmem>> -> memref<128xi32, #tpu.memory_space<vmem>>
      %dma_wait3A_172 = arith.constant 0 : i32
      %dma_wait3A_173 = arith.constant 0 : i32
      %dma_wait3A_174 = tpu.memref_slice %arg2[%dma_wait3A_172, %dma_wait3A_173] : memref<10000x128xf32, #tpu.memory_space<hbm>> -> memref<10000x128xf32, #tpu.memory_space<hbm>>
      tpu.wait_indirect_dma semaphore(%arg12 : memref<!tpu.dma_semaphore, #tpu.memory_space<semaphore_mem>>) src(%dma_wait3A_174 : memref<10000x128xf32, #tpu.memory_space<hbm>>) dst(%arg10 : memref<128x128xf32, #tpu.memory_space<vmem>>)
      "tpu.region"() ({
        %run_scoped3A = tpu.sem_alloc : memref<!tpu.dma_semaphore, #tpu.memory_space<semaphore_mem>>
        %dma_start3A_176 = arith.constant 0 : i32
        %dma_start3A_177 = tpu.memref_slice %arg8[%add3A_129, %dma_start3A_176] : memref<40x128xi32, #tpu.memory_space<vmem>> -> memref<1x128xi32, #tpu.memory_space<vmem>>
        %dma_start3A_178 = tpu.memref_squeeze %dma_start3A_177 : memref<1x128xi32, #tpu.memory_space<vmem>> -> memref<128xi32, #tpu.memory_space<vmem>>
        %dma_start3A_179 = arith.constant 0 : i32
        %dma_start3A_180 = arith.constant 0 : i32
        %dma_start3A_181 = tpu.memref_slice %arg6[%dma_start3A_179, %dma_start3A_180] : memref<10240x128xf32, #tpu.memory_space<vmem_shared>> -> memref<10240x128xf32, #tpu.memory_space<vmem_shared>>
        tpu.enqueue_indirect_dma source(%arg10 : memref<128x128xf32, #tpu.memory_space<vmem>>) target(%dma_start3A_181 : memref<10240x128xf32, #tpu.memory_space<vmem_shared>>) offsets(%dma_start3A_178 : memref<128xi32, #tpu.memory_space<vmem>>) semaphore(%run_scoped3A : memref<!tpu.dma_semaphore, #tpu.memory_space<semaphore_mem>>) {add = true}
        %dma_wait3A_182 = arith.constant 0 : i32
        %dma_wait3A_183 = tpu.memref_slice %arg8[%add3A_129, %dma_wait3A_182] : memref<40x128xi32, #tpu.memory_space<vmem>> -> memref<1x128xi32, #tpu.memory_space<vmem>>
        %dma_wait3A_184 = tpu.memref_squeeze %dma_wait3A_183 : memref<1x128xi32, #tpu.memory_space<vmem>> -> memref<128xi32, #tpu.memory_space<vmem>>
        %dma_wait3A_185 = arith.constant 0 : i32
        %dma_wait3A_186 = arith.constant 0 : i32
        %dma_wait3A_187 = tpu.memref_slice %arg6[%dma_wait3A_185, %dma_wait3A_186] : memref<10240x128xf32, #tpu.memory_space<vmem_shared>> -> memref<10240x128xf32, #tpu.memory_space<vmem_shared>>
        tpu.wait_indirect_dma semaphore(%run_scoped3A : memref<!tpu.dma_semaphore, #tpu.memory_space<semaphore_mem>>) src(%arg10 : memref<128x128xf32, #tpu.memory_space<vmem>>) dst(%dma_wait3A_187 : memref<10240x128xf32, #tpu.memory_space<vmem_shared>>)
        tpu.yield
      }) : () -> ()
      %while3A_175 = arith.constant 0 : i32
      scf.yield %while3A_175 : i32
    }
    %sub3A_67 = arith.constant 40 : i32
    %sub3A_68 = arith.subi %min3A_4, %sub3A_67 : i32
    %jit3A_69 = arith.constant 0 : i32
    %jit3A_70 = arith.constant 40 : i32
    %max3A_71 = arith.maxsi %jit3A_69, %sub3A_68 : i32
    %min3A_72 = arith.minsi %jit3A_70, %max3A_71 : i32
    %gt3A_73 = arith.constant 0 : i32
    %gt3A_74 = arith.cmpi sgt, %min3A_72, %gt3A_73 : i32
    %convert_element_type3A_75 = arith.extui %gt3A_74 : i1 to i32
    %cond3A_76 = arith.constant 0 : i32
    %cond3A_77 = arith.cmpi ne, %convert_element_type3A_75, %cond3A_76 : i32
    scf.if %cond3A_77 {
      %mul3A_122 = arith.constant 80 : i32
      %mul3A_123 = arith.muli %add3A, %mul3A_122 : i32
      %add3A_124 = arith.constant 40 : i32
      %add3A_125 = arith.addi %mul3A_123, %add3A_124 : i32
      "tpu.region"() ({
        %run_scoped3A = tpu.sem_alloc : memref<!tpu.dma_semaphore, #tpu.memory_space<semaphore_mem>>
        %dma_start3A_136 = arith.constant 0 : i32
        %dma_start3A_137 = tpu.memref_slice %arg3[%add3A_125, %dma_start3A_136] : memref<2560x128xi32, #tpu.memory_space<hbm>> -> memref<40x128xi32, #tpu.memory_space<hbm>>
        %dma_start3A_138 = arith.constant 0 : i32
        %dma_start3A_139 = tpu.memref_slice %arg3[%add3A_125, %dma_start3A_138] : memref<2560x128xi32, #tpu.memory_space<hbm>> -> memref<40x128xi32, #tpu.memory_space<hbm>>
        tpu.enqueue_dma source(%dma_start3A_139 : memref<40x128xi32, #tpu.memory_space<hbm>>) target(%arg7 : memref<40x128xi32, #tpu.memory_space<vmem>>) target_semaphore(%run_scoped3A : memref<!tpu.dma_semaphore, #tpu.memory_space<semaphore_mem>>)
        %dma_wait3A = arith.constant 0 : i32
        %dma_wait3A_140 = tpu.memref_slice %arg3[%add3A_125, %dma_wait3A] : memref<2560x128xi32, #tpu.memory_space<hbm>> -> memref<40x128xi32, #tpu.memory_space<hbm>>
        %dma_wait3A_141 = arith.constant 0 : i32
        %dma_wait3A_142 = tpu.memref_slice %arg3[%add3A_125, %dma_wait3A_141] : memref<2560x128xi32, #tpu.memory_space<hbm>> -> memref<40x128xi32, #tpu.memory_space<hbm>>
        tpu.wait_dma2 semaphore(%run_scoped3A : memref<!tpu.dma_semaphore, #tpu.memory_space<semaphore_mem>>) src(%dma_wait3A_142 : memref<40x128xi32, #tpu.memory_space<hbm>>) dst(%arg7 : memref<40x128xi32, #tpu.memory_space<vmem>>)
        tpu.yield
      }) : () -> ()
      %mul3A_126 = arith.constant 80 : i32
      %mul3A_127 = arith.muli %add3A, %mul3A_126 : i32
      %add3A_128 = arith.constant 40 : i32
      %add3A_129 = arith.addi %mul3A_127, %add3A_128 : i32
      "tpu.region"() ({
        %run_scoped3A = tpu.sem_alloc : memref<!tpu.dma_semaphore, #tpu.memory_space<semaphore_mem>>
        %dma_start3A_136 = arith.constant 0 : i32
        %dma_start3A_137 = tpu.memref_slice %arg4[%add3A_129, %dma_start3A_136] : memref<2560x128xi32, #tpu.memory_space<hbm>> -> memref<40x128xi32, #tpu.memory_space<hbm>>
        %dma_start3A_138 = arith.constant 0 : i32
        %dma_start3A_139 = tpu.memref_slice %arg4[%add3A_129, %dma_start3A_138] : memref<2560x128xi32, #tpu.memory_space<hbm>> -> memref<40x128xi32, #tpu.memory_space<hbm>>
        tpu.enqueue_dma source(%dma_start3A_139 : memref<40x128xi32, #tpu.memory_space<hbm>>) target(%arg8 : memref<40x128xi32, #tpu.memory_space<vmem>>) target_semaphore(%run_scoped3A : memref<!tpu.dma_semaphore, #tpu.memory_space<semaphore_mem>>)
        %dma_wait3A = arith.constant 0 : i32
        %dma_wait3A_140 = tpu.memref_slice %arg4[%add3A_129, %dma_wait3A] : memref<2560x128xi32, #tpu.memory_space<hbm>> -> memref<40x128xi32, #tpu.memory_space<hbm>>
        %dma_wait3A_141 = arith.constant 0 : i32
        %dma_wait3A_142 = tpu.memref_slice %arg4[%add3A_129, %dma_wait3A_141] : memref<2560x128xi32, #tpu.memory_space<hbm>> -> memref<40x128xi32, #tpu.memory_space<hbm>>
        tpu.wait_dma2 semaphore(%run_scoped3A : memref<!tpu.dma_semaphore, #tpu.memory_space<semaphore_mem>>) src(%dma_wait3A_142 : memref<40x128xi32, #tpu.memory_space<hbm>>) dst(%arg8 : memref<40x128xi32, #tpu.memory_space<vmem>>)
        tpu.yield
      }) : () -> ()
      %dma_start3A = arith.constant 0 : i32
      %dma_start3A_130 = arith.constant 0 : i32
      %dma_start3A_131 = tpu.memref_slice %arg7[%dma_start3A, %dma_start3A_130] : memref<40x128xi32, #tpu.memory_space<vmem>> -> memref<1x128xi32, #tpu.memory_space<vmem>>
      %dma_start3A_132 = tpu.memref_squeeze %dma_start3A_131 : memref<1x128xi32, #tpu.memory_space<vmem>> -> memref<128xi32, #tpu.memory_space<vmem>>
      %dma_start3A_133 = arith.constant 0 : i32
      %dma_start3A_134 = arith.constant 0 : i32
      %dma_start3A_135 = tpu.memref_slice %arg2[%dma_start3A_133, %dma_start3A_134] : memref<10000x128xf32, #tpu.memory_space<hbm>> -> memref<10000x128xf32, #tpu.memory_space<hbm>>
      tpu.enqueue_indirect_dma source(%dma_start3A_135 : memref<10000x128xf32, #tpu.memory_space<hbm>>) target(%arg9 : memref<128x128xf32, #tpu.memory_space<vmem>>) offsets(%dma_start3A_132 : memref<128xi32, #tpu.memory_space<vmem>>) semaphore(%arg11 : memref<!tpu.dma_semaphore, #tpu.memory_space<semaphore_mem>>)
    } else {
    }
    %jit3A_78 = arith.constant 2 : i32
    %div3A_79 = arith.divsi %min3A_72, %jit3A_78 : i32
    %sign3A_80 = arith.constant 0 : i32
    %sign3A_81 = arith.cmpi sgt, %min3A_72, %sign3A_80 : i32
    %sign3A_82 = arith.extui %sign3A_81 : i1 to i32
    %sign3A_83 = arith.constant 0 : i32
    %sign3A_84 = arith.cmpi slt, %min3A_72, %sign3A_83 : i32
    %sign3A_85 = arith.extui %sign3A_84 : i1 to i32
    %sign3A_86 = arith.subi %sign3A_82, %sign3A_85 : i32
    %sign3A_87 = arith.constant 0 : i32
    %sign3A_88 = arith.cmpi sgt, %jit3A_78, %sign3A_87 : i32
    %sign3A_89 = arith.extui %sign3A_88 : i1 to i32
    %sign3A_90 = arith.constant 0 : i32
    %sign3A_91 = arith.cmpi slt, %jit3A_78, %sign3A_90 : i32
    %sign3A_92 = arith.extui %sign3A_91 : i1 to i32
    %sign3A_93 = arith.subi %sign3A_89, %sign3A_92 : i32
    %ne3A_94 = arith.cmpi ne, %sign3A_86, %sign3A_93 : i32
    %rem3A_95 = arith.remsi %min3A_72, %jit3A_78 : i32
    %ne3A_96 = arith.constant 0 : i32
    %ne3A_97 = arith.cmpi ne, %rem3A_95, %ne3A_96 : i32
    %and3A_98 = arith.andi %ne3A_94, %ne3A_97 : i1
    %sub3A_99 = arith.constant 1 : i32
    %sub3A_100 = arith.subi %div3A_79, %sub3A_99 : i32
    %select_n3A_101 = arith.select %and3A_98, %sub3A_100, %div3A_79 : i32
    %while3A_102 = arith.constant 0 : i32
    %while3A_103 = arith.constant 0 : i32
    %while3A_104 = arith.subi %select_n3A_101, %while3A_102 : i32
    %while3A_105 = arith.addi %while3A_102, %while3A_104 : i32
    %while3A_106 = arith.constant 1 : i32
    %while3A_107 = arith.divsi %while3A_104, %while3A_106 : i32
    %while3A_108 = arith.muli %while3A_107, %while3A_106 : i32
    %while3A_109 = arith.addi %while3A_102, %while3A_108 : i32
    %while3A_110 = arith.constant 1 : i32
    %while3A_111 = scf.for %while3A_122 = %while3A_102 to %while3A_109 step %while3A_110 iter_args(%while3A_123 = %while3A_103) -> (i32)  : i32 {
      %mul3A_124 = arith.constant 2 : i32
      %mul3A_125 = arith.muli %mul3A_124, %while3A_122 : i32
      %mul3A_126 = arith.constant 2 : i32
      %mul3A_127 = arith.muli %mul3A_126, %while3A_122 : i32
      %add3A_128 = arith.constant 1 : i32
      %add3A_129 = arith.addi %mul3A_127, %add3A_128 : i32
      %dma_start3A = arith.constant 0 : i32
      %dma_start3A_130 = tpu.memref_slice %arg7[%add3A_129, %dma_start3A] : memref<40x128xi32, #tpu.memory_space<vmem>> -> memref<1x128xi32, #tpu.memory_space<vmem>>
      %dma_start3A_131 = tpu.memref_squeeze %dma_start3A_130 : memref<1x128xi32, #tpu.memory_space<vmem>> -> memref<128xi32, #tpu.memory_space<vmem>>
      %dma_start3A_132 = arith.constant 0 : i32
      %dma_start3A_133 = arith.constant 0 : i32
      %dma_start3A_134 = tpu.memref_slice %arg2[%dma_start3A_132, %dma_start3A_133] : memref<10000x128xf32, #tpu.memory_space<hbm>> -> memref<10000x128xf32, #tpu.memory_space<hbm>>
      tpu.enqueue_indirect_dma source(%dma_start3A_134 : memref<10000x128xf32, #tpu.memory_space<hbm>>) target(%arg10 : memref<128x128xf32, #tpu.memory_space<vmem>>) offsets(%dma_start3A_131 : memref<128xi32, #tpu.memory_space<vmem>>) semaphore(%arg12 : memref<!tpu.dma_semaphore, #tpu.memory_space<semaphore_mem>>)
      %dma_wait3A = arith.constant 0 : i32
      %dma_wait3A_135 = tpu.memref_slice %arg7[%mul3A_125, %dma_wait3A] : memref<40x128xi32, #tpu.memory_space<vmem>> -> memref<1x128xi32, #tpu.memory_space<vmem>>
      %dma_wait3A_136 = tpu.memref_squeeze %dma_wait3A_135 : memref<1x128xi32, #tpu.memory_space<vmem>> -> memref<128xi32, #tpu.memory_space<vmem>>
      %dma_wait3A_137 = arith.constant 0 : i32
      %dma_wait3A_138 = arith.constant 0 : i32
      %dma_wait3A_139 = tpu.memref_slice %arg2[%dma_wait3A_137, %dma_wait3A_138] : memref<10000x128xf32, #tpu.memory_space<hbm>> -> memref<10000x128xf32, #tpu.memory_space<hbm>>
      tpu.wait_indirect_dma semaphore(%arg11 : memref<!tpu.dma_semaphore, #tpu.memory_space<semaphore_mem>>) src(%dma_wait3A_139 : memref<10000x128xf32, #tpu.memory_space<hbm>>) dst(%arg9 : memref<128x128xf32, #tpu.memory_space<vmem>>)
      "tpu.region"() ({
        %run_scoped3A = tpu.sem_alloc : memref<!tpu.dma_semaphore, #tpu.memory_space<semaphore_mem>>
        %dma_start3A_176 = arith.constant 0 : i32
        %dma_start3A_177 = tpu.memref_slice %arg8[%mul3A_125, %dma_start3A_176] : memref<40x128xi32, #tpu.memory_space<vmem>> -> memref<1x128xi32, #tpu.memory_space<vmem>>
        %dma_start3A_178 = tpu.memref_squeeze %dma_start3A_177 : memref<1x128xi32, #tpu.memory_space<vmem>> -> memref<128xi32, #tpu.memory_space<vmem>>
        %dma_start3A_179 = arith.constant 0 : i32
        %dma_start3A_180 = arith.constant 0 : i32
        %dma_start3A_181 = tpu.memref_slice %arg6[%dma_start3A_179, %dma_start3A_180] : memref<10240x128xf32, #tpu.memory_space<vmem_shared>> -> memref<10240x128xf32, #tpu.memory_space<vmem_shared>>
        tpu.enqueue_indirect_dma source(%arg9 : memref<128x128xf32, #tpu.memory_space<vmem>>) target(%dma_start3A_181 : memref<10240x128xf32, #tpu.memory_space<vmem_shared>>) offsets(%dma_start3A_178 : memref<128xi32, #tpu.memory_space<vmem>>) semaphore(%run_scoped3A : memref<!tpu.dma_semaphore, #tpu.memory_space<semaphore_mem>>) {add = true}
        %dma_wait3A_182 = arith.constant 0 : i32
        %dma_wait3A_183 = tpu.memref_slice %arg8[%mul3A_125, %dma_wait3A_182] : memref<40x128xi32, #tpu.memory_space<vmem>> -> memref<1x128xi32, #tpu.memory_space<vmem>>
        %dma_wait3A_184 = tpu.memref_squeeze %dma_wait3A_183 : memref<1x128xi32, #tpu.memory_space<vmem>> -> memref<128xi32, #tpu.memory_space<vmem>>
        %dma_wait3A_185 = arith.constant 0 : i32
        %dma_wait3A_186 = arith.constant 0 : i32
        %dma_wait3A_187 = tpu.memref_slice %arg6[%dma_wait3A_185, %dma_wait3A_186] : memref<10240x128xf32, #tpu.memory_space<vmem_shared>> -> memref<10240x128xf32, #tpu.memory_space<vmem_shared>>
        tpu.wait_indirect_dma semaphore(%run_scoped3A : memref<!tpu.dma_semaphore, #tpu.memory_space<semaphore_mem>>) src(%arg9 : memref<128x128xf32, #tpu.memory_space<vmem>>) dst(%dma_wait3A_187 : memref<10240x128xf32, #tpu.memory_space<vmem_shared>>)
        tpu.yield
      }) : () -> ()
      %jit3A_140 = arith.constant 2 : i32
      %div3A_141 = arith.divsi %min3A_72, %jit3A_140 : i32
      %sign3A_142 = arith.constant 0 : i32
      %sign3A_143 = arith.cmpi sgt, %min3A_72, %sign3A_142 : i32
      %sign3A_144 = arith.extui %sign3A_143 : i1 to i32
      %sign3A_145 = arith.constant 0 : i32
      %sign3A_146 = arith.cmpi slt, %min3A_72, %sign3A_145 : i32
      %sign3A_147 = arith.extui %sign3A_146 : i1 to i32
      %sign3A_148 = arith.subi %sign3A_144, %sign3A_147 : i32
      %sign3A_149 = arith.constant 0 : i32
      %sign3A_150 = arith.cmpi sgt, %jit3A_140, %sign3A_149 : i32
      %sign3A_151 = arith.extui %sign3A_150 : i1 to i32
      %sign3A_152 = arith.constant 0 : i32
      %sign3A_153 = arith.cmpi slt, %jit3A_140, %sign3A_152 : i32
      %sign3A_154 = arith.extui %sign3A_153 : i1 to i32
      %sign3A_155 = arith.subi %sign3A_151, %sign3A_154 : i32
      %ne3A_156 = arith.cmpi ne, %sign3A_148, %sign3A_155 : i32
      %rem3A_157 = arith.remsi %min3A_72, %jit3A_140 : i32
      %ne3A_158 = arith.constant 0 : i32
      %ne3A_159 = arith.cmpi ne, %rem3A_157, %ne3A_158 : i32
      %and3A_160 = arith.andi %ne3A_156, %ne3A_159 : i1
      %sub3A_161 = arith.constant 1 : i32
      %sub3A_162 = arith.subi %div3A_141, %sub3A_161 : i32
      %select_n3A_163 = arith.select %and3A_160, %sub3A_162, %div3A_141 : i32
      %sub3A_164 = arith.constant 1 : i32
      %sub3A_165 = arith.subi %select_n3A_163, %sub3A_164 : i32
      %lt3A = arith.cmpi slt, %while3A_122, %sub3A_165 : i32
      %convert_element_type3A_166 = arith.extui %lt3A : i1 to i32
      %cond3A_167 = arith.constant 0 : i32
      %cond3A_168 = arith.cmpi ne, %convert_element_type3A_166, %cond3A_167 : i32
      scf.if %cond3A_168 {
        %add3A_176 = arith.constant 1 : i32
        %add3A_177 = arith.addi %add3A_129, %add3A_176 : i32
        %dma_start3A_178 = arith.constant 0 : i32
        %dma_start3A_179 = tpu.memref_slice %arg7[%add3A_177, %dma_start3A_178] : memref<40x128xi32, #tpu.memory_space<vmem>> -> memref<1x128xi32, #tpu.memory_space<vmem>>
        %dma_start3A_180 = tpu.memref_squeeze %dma_start3A_179 : memref<1x128xi32, #tpu.memory_space<vmem>> -> memref<128xi32, #tpu.memory_space<vmem>>
        %dma_start3A_181 = arith.constant 0 : i32
        %dma_start3A_182 = arith.constant 0 : i32
        %dma_start3A_183 = tpu.memref_slice %arg2[%dma_start3A_181, %dma_start3A_182] : memref<10000x128xf32, #tpu.memory_space<hbm>> -> memref<10000x128xf32, #tpu.memory_space<hbm>>
        tpu.enqueue_indirect_dma source(%dma_start3A_183 : memref<10000x128xf32, #tpu.memory_space<hbm>>) target(%arg9 : memref<128x128xf32, #tpu.memory_space<vmem>>) offsets(%dma_start3A_180 : memref<128xi32, #tpu.memory_space<vmem>>) semaphore(%arg11 : memref<!tpu.dma_semaphore, #tpu.memory_space<semaphore_mem>>)
      } else {
      }
      %dma_wait3A_169 = arith.constant 0 : i32
      %dma_wait3A_170 = tpu.memref_slice %arg7[%add3A_129, %dma_wait3A_169] : memref<40x128xi32, #tpu.memory_space<vmem>> -> memref<1x128xi32, #tpu.memory_space<vmem>>
      %dma_wait3A_171 = tpu.memref_squeeze %dma_wait3A_170 : memref<1x128xi32, #tpu.memory_space<vmem>> -> memref<128xi32, #tpu.memory_space<vmem>>
      %dma_wait3A_172 = arith.constant 0 : i32
      %dma_wait3A_173 = arith.constant 0 : i32
      %dma_wait3A_174 = tpu.memref_slice %arg2[%dma_wait3A_172, %dma_wait3A_173] : memref<10000x128xf32, #tpu.memory_space<hbm>> -> memref<10000x128xf32, #tpu.memory_space<hbm>>
      tpu.wait_indirect_dma semaphore(%arg12 : memref<!tpu.dma_semaphore, #tpu.memory_space<semaphore_mem>>) src(%dma_wait3A_174 : memref<10000x128xf32, #tpu.memory_space<hbm>>) dst(%arg10 : memref<128x128xf32, #tpu.memory_space<vmem>>)
      "tpu.region"() ({
        %run_scoped3A = tpu.sem_alloc : memref<!tpu.dma_semaphore, #tpu.memory_space<semaphore_mem>>
        %dma_start3A_176 = arith.constant 0 : i32
        %dma_start3A_177 = tpu.memref_slice %arg8[%add3A_129, %dma_start3A_176] : memref<40x128xi32, #tpu.memory_space<vmem>> -> memref<1x128xi32, #tpu.memory_space<vmem>>
        %dma_start3A_178 = tpu.memref_squeeze %dma_start3A_177 : memref<1x128xi32, #tpu.memory_space<vmem>> -> memref<128xi32, #tpu.memory_space<vmem>>
        %dma_start3A_179 = arith.constant 0 : i32
        %dma_start3A_180 = arith.constant 0 : i32
        %dma_start3A_181 = tpu.memref_slice %arg6[%dma_start3A_179, %dma_start3A_180] : memref<10240x128xf32, #tpu.memory_space<vmem_shared>> -> memref<10240x128xf32, #tpu.memory_space<vmem_shared>>
        tpu.enqueue_indirect_dma source(%arg10 : memref<128x128xf32, #tpu.memory_space<vmem>>) target(%dma_start3A_181 : memref<10240x128xf32, #tpu.memory_space<vmem_shared>>) offsets(%dma_start3A_178 : memref<128xi32, #tpu.memory_space<vmem>>) semaphore(%run_scoped3A : memref<!tpu.dma_semaphore, #tpu.memory_space<semaphore_mem>>) {add = true}
        %dma_wait3A_182 = arith.constant 0 : i32
        %dma_wait3A_183 = tpu.memref_slice %arg8[%add3A_129, %dma_wait3A_182] : memref<40x128xi32, #tpu.memory_space<vmem>> -> memref<1x128xi32, #tpu.memory_space<vmem>>
        %dma_wait3A_184 = tpu.memref_squeeze %dma_wait3A_183 : memref<1x128xi32, #tpu.memory_space<vmem>> -> memref<128xi32, #tpu.memory_space<vmem>>
        %dma_wait3A_185 = arith.constant 0 : i32
        %dma_wait3A_186 = arith.constant 0 : i32
        %dma_wait3A_187 = tpu.memref_slice %arg6[%dma_wait3A_185, %dma_wait3A_186] : memref<10240x128xf32, #tpu.memory_space<vmem_shared>> -> memref<10240x128xf32, #tpu.memory_space<vmem_shared>>
        tpu.wait_indirect_dma semaphore(%run_scoped3A : memref<!tpu.dma_semaphore, #tpu.memory_space<semaphore_mem>>) src(%arg10 : memref<128x128xf32, #tpu.memory_space<vmem>>) dst(%dma_wait3A_187 : memref<10240x128xf32, #tpu.memory_space<vmem_shared>>)
        tpu.yield
      }) : () -> ()
      %while3A_175 = arith.constant 0 : i32
      scf.yield %while3A_175 : i32
    }
    %while3A_112 = arith.constant 1 : i32
    %while3A_113 = scf.for %while3A_122 = %while3A_109 to %while3A_105 step %while3A_112 iter_args(%while3A_123 = %while3A_111) -> (i32)  : i32 {
      %mul3A_124 = arith.constant 2 : i32
      %mul3A_125 = arith.muli %mul3A_124, %while3A_122 : i32
      %mul3A_126 = arith.constant 2 : i32
      %mul3A_127 = arith.muli %mul3A_126, %while3A_122 : i32
      %add3A_128 = arith.constant 1 : i32
      %add3A_129 = arith.addi %mul3A_127, %add3A_128 : i32
      %dma_start3A = arith.constant 0 : i32
      %dma_start3A_130 = tpu.memref_slice %arg7[%add3A_129, %dma_start3A] : memref<40x128xi32, #tpu.memory_space<vmem>> -> memref<1x128xi32, #tpu.memory_space<vmem>>
      %dma_start3A_131 = tpu.memref_squeeze %dma_start3A_130 : memref<1x128xi32, #tpu.memory_space<vmem>> -> memref<128xi32, #tpu.memory_space<vmem>>
      %dma_start3A_132 = arith.constant 0 : i32
      %dma_start3A_133 = arith.constant 0 : i32
      %dma_start3A_134 = tpu.memref_slice %arg2[%dma_start3A_132, %dma_start3A_133] : memref<10000x128xf32, #tpu.memory_space<hbm>> -> memref<10000x128xf32, #tpu.memory_space<hbm>>
      tpu.enqueue_indirect_dma source(%dma_start3A_134 : memref<10000x128xf32, #tpu.memory_space<hbm>>) target(%arg10 : memref<128x128xf32, #tpu.memory_space<vmem>>) offsets(%dma_start3A_131 : memref<128xi32, #tpu.memory_space<vmem>>) semaphore(%arg12 : memref<!tpu.dma_semaphore, #tpu.memory_space<semaphore_mem>>)
      %dma_wait3A = arith.constant 0 : i32
      %dma_wait3A_135 = tpu.memref_slice %arg7[%mul3A_125, %dma_wait3A] : memref<40x128xi32, #tpu.memory_space<vmem>> -> memref<1x128xi32, #tpu.memory_space<vmem>>
      %dma_wait3A_136 = tpu.memref_squeeze %dma_wait3A_135 : memref<1x128xi32, #tpu.memory_space<vmem>> -> memref<128xi32, #tpu.memory_space<vmem>>
      %dma_wait3A_137 = arith.constant 0 : i32
      %dma_wait3A_138 = arith.constant 0 : i32
      %dma_wait3A_139 = tpu.memref_slice %arg2[%dma_wait3A_137, %dma_wait3A_138] : memref<10000x128xf32, #tpu.memory_space<hbm>> -> memref<10000x128xf32, #tpu.memory_space<hbm>>
      tpu.wait_indirect_dma semaphore(%arg11 : memref<!tpu.dma_semaphore, #tpu.memory_space<semaphore_mem>>) src(%dma_wait3A_139 : memref<10000x128xf32, #tpu.memory_space<hbm>>) dst(%arg9 : memref<128x128xf32, #tpu.memory_space<vmem>>)
      "tpu.region"() ({
        %run_scoped3A = tpu.sem_alloc : memref<!tpu.dma_semaphore, #tpu.memory_space<semaphore_mem>>
        %dma_start3A_176 = arith.constant 0 : i32
        %dma_start3A_177 = tpu.memref_slice %arg8[%mul3A_125, %dma_start3A_176] : memref<40x128xi32, #tpu.memory_space<vmem>> -> memref<1x128xi32, #tpu.memory_space<vmem>>
        %dma_start3A_178 = tpu.memref_squeeze %dma_start3A_177 : memref<1x128xi32, #tpu.memory_space<vmem>> -> memref<128xi32, #tpu.memory_space<vmem>>
        %dma_start3A_179 = arith.constant 0 : i32
        %dma_start3A_180 = arith.constant 0 : i32
        %dma_start3A_181 = tpu.memref_slice %arg6[%dma_start3A_179, %dma_start3A_180] : memref<10240x128xf32, #tpu.memory_space<vmem_shared>> -> memref<10240x128xf32, #tpu.memory_space<vmem_shared>>
        tpu.enqueue_indirect_dma source(%arg9 : memref<128x128xf32, #tpu.memory_space<vmem>>) target(%dma_start3A_181 : memref<10240x128xf32, #tpu.memory_space<vmem_shared>>) offsets(%dma_start3A_178 : memref<128xi32, #tpu.memory_space<vmem>>) semaphore(%run_scoped3A : memref<!tpu.dma_semaphore, #tpu.memory_space<semaphore_mem>>) {add = true}
        %dma_wait3A_182 = arith.constant 0 : i32
        %dma_wait3A_183 = tpu.memref_slice %arg8[%mul3A_125, %dma_wait3A_182] : memref<40x128xi32, #tpu.memory_space<vmem>> -> memref<1x128xi32, #tpu.memory_space<vmem>>
        %dma_wait3A_184 = tpu.memref_squeeze %dma_wait3A_183 : memref<1x128xi32, #tpu.memory_space<vmem>> -> memref<128xi32, #tpu.memory_space<vmem>>
        %dma_wait3A_185 = arith.constant 0 : i32
        %dma_wait3A_186 = arith.constant 0 : i32
        %dma_wait3A_187 = tpu.memref_slice %arg6[%dma_wait3A_185, %dma_wait3A_186] : memref<10240x128xf32, #tpu.memory_space<vmem_shared>> -> memref<10240x128xf32, #tpu.memory_space<vmem_shared>>
        tpu.wait_indirect_dma semaphore(%run_scoped3A : memref<!tpu.dma_semaphore, #tpu.memory_space<semaphore_mem>>) src(%arg9 : memref<128x128xf32, #tpu.memory_space<vmem>>) dst(%dma_wait3A_187 : memref<10240x128xf32, #tpu.memory_space<vmem_shared>>)
        tpu.yield
      }) : () -> ()
      %jit3A_140 = arith.constant 2 : i32
      %div3A_141 = arith.divsi %min3A_72, %jit3A_140 : i32
      %sign3A_142 = arith.constant 0 : i32
      %sign3A_143 = arith.cmpi sgt, %min3A_72, %sign3A_142 : i32
      %sign3A_144 = arith.extui %sign3A_143 : i1 to i32
      %sign3A_145 = arith.constant 0 : i32
      %sign3A_146 = arith.cmpi slt, %min3A_72, %sign3A_145 : i32
      %sign3A_147 = arith.extui %sign3A_146 : i1 to i32
      %sign3A_148 = arith.subi %sign3A_144, %sign3A_147 : i32
      %sign3A_149 = arith.constant 0 : i32
      %sign3A_150 = arith.cmpi sgt, %jit3A_140, %sign3A_149 : i32
      %sign3A_151 = arith.extui %sign3A_150 : i1 to i32
      %sign3A_152 = arith.constant 0 : i32
      %sign3A_153 = arith.cmpi slt, %jit3A_140, %sign3A_152 : i32
      %sign3A_154 = arith.extui %sign3A_153 : i1 to i32
      %sign3A_155 = arith.subi %sign3A_151, %sign3A_154 : i32
      %ne3A_156 = arith.cmpi ne, %sign3A_148, %sign3A_155 : i32
      %rem3A_157 = arith.remsi %min3A_72, %jit3A_140 : i32
      %ne3A_158 = arith.constant 0 : i32
      %ne3A_159 = arith.cmpi ne, %rem3A_157, %ne3A_158 : i32
      %and3A_160 = arith.andi %ne3A_156, %ne3A_159 : i1
      %sub3A_161 = arith.constant 1 : i32
      %sub3A_162 = arith.subi %div3A_141, %sub3A_161 : i32
      %select_n3A_163 = arith.select %and3A_160, %sub3A_162, %div3A_141 : i32
      %sub3A_164 = arith.constant 1 : i32
      %sub3A_165 = arith.subi %select_n3A_163, %sub3A_164 : i32
      %lt3A = arith.cmpi slt, %while3A_122, %sub3A_165 : i32
      %convert_element_type3A_166 = arith.extui %lt3A : i1 to i32
      %cond3A_167 = arith.constant 0 : i32
      %cond3A_168 = arith.cmpi ne, %convert_element_type3A_166, %cond3A_167 : i32
      scf.if %cond3A_168 {
        %add3A_176 = arith.constant 1 : i32
        %add3A_177 = arith.addi %add3A_129, %add3A_176 : i32
        %dma_start3A_178 = arith.constant 0 : i32
        %dma_start3A_179 = tpu.memref_slice %arg7[%add3A_177, %dma_start3A_178] : memref<40x128xi32, #tpu.memory_space<vmem>> -> memref<1x128xi32, #tpu.memory_space<vmem>>
        %dma_start3A_180 = tpu.memref_squeeze %dma_start3A_179 : memref<1x128xi32, #tpu.memory_space<vmem>> -> memref<128xi32, #tpu.memory_space<vmem>>
        %dma_start3A_181 = arith.constant 0 : i32
        %dma_start3A_182 = arith.constant 0 : i32
        %dma_start3A_183 = tpu.memref_slice %arg2[%dma_start3A_181, %dma_start3A_182] : memref<10000x128xf32, #tpu.memory_space<hbm>> -> memref<10000x128xf32, #tpu.memory_space<hbm>>
        tpu.enqueue_indirect_dma source(%dma_start3A_183 : memref<10000x128xf32, #tpu.memory_space<hbm>>) target(%arg9 : memref<128x128xf32, #tpu.memory_space<vmem>>) offsets(%dma_start3A_180 : memref<128xi32, #tpu.memory_space<vmem>>) semaphore(%arg11 : memref<!tpu.dma_semaphore, #tpu.memory_space<semaphore_mem>>)
      } else {
      }
      %dma_wait3A_169 = arith.constant 0 : i32
      %dma_wait3A_170 = tpu.memref_slice %arg7[%add3A_129, %dma_wait3A_169] : memref<40x128xi32, #tpu.memory_space<vmem>> -> memref<1x128xi32, #tpu.memory_space<vmem>>
      %dma_wait3A_171 = tpu.memref_squeeze %dma_wait3A_170 : memref<1x128xi32, #tpu.memory_space<vmem>> -> memref<128xi32, #tpu.memory_space<vmem>>
      %dma_wait3A_172 = arith.constant 0 : i32
      %dma_wait3A_173 = arith.constant 0 : i32
      %dma_wait3A_174 = tpu.memref_slice %arg2[%dma_wait3A_172, %dma_wait3A_173] : memref<10000x128xf32, #tpu.memory_space<hbm>> -> memref<10000x128xf32, #tpu.memory_space<hbm>>
      tpu.wait_indirect_dma semaphore(%arg12 : memref<!tpu.dma_semaphore, #tpu.memory_space<semaphore_mem>>) src(%dma_wait3A_174 : memref<10000x128xf32, #tpu.memory_space<hbm>>) dst(%arg10 : memref<128x128xf32, #tpu.memory_space<vmem>>)
      "tpu.region"() ({
        %run_scoped3A = tpu.sem_alloc : memref<!tpu.dma_semaphore, #tpu.memory_space<semaphore_mem>>
        %dma_start3A_176 = arith.constant 0 : i32
        %dma_start3A_177 = tpu.memref_slice %arg8[%add3A_129, %dma_start3A_176] : memref<40x128xi32, #tpu.memory_space<vmem>> -> memref<1x128xi32, #tpu.memory_space<vmem>>
        %dma_start3A_178 = tpu.memref_squeeze %dma_start3A_177 : memref<1x128xi32, #tpu.memory_space<vmem>> -> memref<128xi32, #tpu.memory_space<vmem>>
        %dma_start3A_179 = arith.constant 0 : i32
        %dma_start3A_180 = arith.constant 0 : i32
        %dma_start3A_181 = tpu.memref_slice %arg6[%dma_start3A_179, %dma_start3A_180] : memref<10240x128xf32, #tpu.memory_space<vmem_shared>> -> memref<10240x128xf32, #tpu.memory_space<vmem_shared>>
        tpu.enqueue_indirect_dma source(%arg10 : memref<128x128xf32, #tpu.memory_space<vmem>>) target(%dma_start3A_181 : memref<10240x128xf32, #tpu.memory_space<vmem_shared>>) offsets(%dma_start3A_178 : memref<128xi32, #tpu.memory_space<vmem>>) semaphore(%run_scoped3A : memref<!tpu.dma_semaphore, #tpu.memory_space<semaphore_mem>>) {add = true}
        %dma_wait3A_182 = arith.constant 0 : i32
        %dma_wait3A_183 = tpu.memref_slice %arg8[%add3A_129, %dma_wait3A_182] : memref<40x128xi32, #tpu.memory_space<vmem>> -> memref<1x128xi32, #tpu.memory_space<vmem>>
        %dma_wait3A_184 = tpu.memref_squeeze %dma_wait3A_183 : memref<1x128xi32, #tpu.memory_space<vmem>> -> memref<128xi32, #tpu.memory_space<vmem>>
        %dma_wait3A_185 = arith.constant 0 : i32
        %dma_wait3A_186 = arith.constant 0 : i32
        %dma_wait3A_187 = tpu.memref_slice %arg6[%dma_wait3A_185, %dma_wait3A_186] : memref<10240x128xf32, #tpu.memory_space<vmem_shared>> -> memref<10240x128xf32, #tpu.memory_space<vmem_shared>>
        tpu.wait_indirect_dma semaphore(%run_scoped3A : memref<!tpu.dma_semaphore, #tpu.memory_space<semaphore_mem>>) src(%arg10 : memref<128x128xf32, #tpu.memory_space<vmem>>) dst(%dma_wait3A_187 : memref<10240x128xf32, #tpu.memory_space<vmem_shared>>)
        tpu.yield
      }) : () -> ()
      %while3A_175 = arith.constant 0 : i32
      scf.yield %while3A_175 : i32
    }
    %barrier3A_114 = arith.constant 0 : index
    tpu.barrier barrier_id(%barrier3A_114)
    %mul3A_115 = arith.constant 640 : i32
    %mul3A_116 = arith.muli %arg1, %mul3A_115 : i32
    %mul3A_117 = arith.constant 10240 : i32
    %mul3A_118 = arith.muli %arg0, %mul3A_117 : i32
    %mul3A_119 = arith.constant 640 : i32
    %mul3A_120 = arith.muli %arg1, %mul3A_119 : i32
    %add3A_121 = arith.addi %mul3A_118, %mul3A_120 : i32
    "tpu.region"() ({
      %run_scoped3A = tpu.sem_alloc : memref<!tpu.dma_semaphore, #tpu.memory_space<semaphore_mem>>
      %dma_start3A = arith.constant 0 : i32
      %dma_start3A_122 = tpu.memref_slice %arg5[%add3A_121, %dma_start3A] : memref<20480x128xf32, #tpu.memory_space<hbm>> -> memref<640x128xf32, #tpu.memory_space<hbm>>
      %dma_start3A_123 = arith.constant 0 : i32
      %dma_start3A_124 = tpu.memref_slice %arg6[%mul3A_116, %dma_start3A_123] : memref<10240x128xf32, #tpu.memory_space<vmem_shared>> -> memref<640x128xf32, #tpu.memory_space<vmem_shared>>
      tpu.enqueue_dma source(%dma_start3A_124 : memref<640x128xf32, #tpu.memory_space<vmem_shared>>) target(%dma_start3A_122 : memref<640x128xf32, #tpu.memory_space<hbm>>) target_semaphore(%run_scoped3A : memref<!tpu.dma_semaphore, #tpu.memory_space<semaphore_mem>>)
      %dma_wait3A = arith.constant 0 : i32
      %dma_wait3A_125 = tpu.memref_slice %arg5[%add3A_121, %dma_wait3A] : memref<20480x128xf32, #tpu.memory_space<hbm>> -> memref<640x128xf32, #tpu.memory_space<hbm>>
      %dma_wait3A_126 = arith.constant 0 : i32
      %dma_wait3A_127 = tpu.memref_slice %arg6[%mul3A_116, %dma_wait3A_126] : memref<10240x128xf32, #tpu.memory_space<vmem_shared>> -> memref<640x128xf32, #tpu.memory_space<vmem_shared>>
      tpu.wait_dma2 semaphore(%run_scoped3A : memref<!tpu.dma_semaphore, #tpu.memory_space<semaphore_mem>>) src(%dma_wait3A_127 : memref<640x128xf32, #tpu.memory_space<vmem_shared>>) dst(%dma_wait3A_125 : memref<640x128xf32, #tpu.memory_space<hbm>>)
      tpu.yield
    }) : () -> ()
    return
  }
}

module attributes {stable_mosaic.version = 14 : i64} {
  func.func @_split_body(%arg0: i32, %arg1: memref<2x32768xi32, #tpu.memory_space<vmem>>, %arg2: memref<256x128xi32, #tpu.memory_space<vmem>>, %arg3: memref<256x128xi32, #tpu.memory_space<vmem>>) attributes {dimension_semantics = [#tpu.dimension_semantics<arbitrary>], iteration_bounds = array<i64: 10>, scalar_prefetch = 0 : i64, scratch_operands = 0 : i64, tpu.core_type = #tpu.core_type<tc>, window_params = [{transform_indices = @transform_0, window_bounds = array<i64: 2, 32768>}, {transform_indices = @transform_1, window_bounds = array<i64: 256, 128>}, {transform_indices = @transform_2, window_bounds = array<i64: 256, 128>}]} {
    %get3A = arith.constant 0 : index
    %get3A_0 = arith.constant 0 : index
    %get3A_1 = vector.load %arg1[%get3A, %get3A_0] : memref<2x32768xi32, #tpu.memory_space<vmem>>, vector<1x32768xi32>
    %get3A_2 = vector.shape_cast %get3A_1 : vector<1x32768xi32> to vector<32768xi32>
    %reshape3A = vector.shape_cast %get3A_2 : vector<32768xi32> to vector<256x128xi32>
    %swap3A = arith.constant 0 : index
    %swap3A_3 = arith.constant 0 : index
    %swap3A_4 = vector.load %arg2[%swap3A, %swap3A_3] : memref<256x128xi32, #tpu.memory_space<vmem>>, vector<256x128xi32>
    tpu.vector_store %arg2[%swap3A, %swap3A_3], %reshape3A {strides = array<i32>} : memref<256x128xi32, #tpu.memory_space<vmem>>, vector<256x128xi32>,
    %get3A_5 = arith.constant 1 : index
    %get3A_6 = arith.constant 0 : index
    %get3A_7 = vector.load %arg1[%get3A_5, %get3A_6] : memref<2x32768xi32, #tpu.memory_space<vmem>>, vector<1x32768xi32>
    %get3A_8 = vector.shape_cast %get3A_7 : vector<1x32768xi32> to vector<32768xi32>
    %reshape3A_9 = vector.shape_cast %get3A_8 : vector<32768xi32> to vector<256x128xi32>
    %swap3A_10 = arith.constant 0 : index
    %swap3A_11 = arith.constant 0 : index
    %swap3A_12 = vector.load %arg3[%swap3A_10, %swap3A_11] : memref<256x128xi32, #tpu.memory_space<vmem>>, vector<256x128xi32>
    tpu.vector_store %arg3[%swap3A_10, %swap3A_11], %reshape3A_9 {strides = array<i32>} : memref<256x128xi32, #tpu.memory_space<vmem>>, vector<256x128xi32>,
    return
  }
  func.func @transform_0(%arg0: i32) -> (i32, i32) {
    %c0_i32 = arith.constant 0 : i32
    %c0_i32_0 = arith.constant 0 : i32
    return %c0_i32, %arg0 : i32, i32
  }
  func.func @transform_1(%arg0: i32) -> (i32, i32) {
    %c0_i32 = arith.constant 0 : i32
    %c0_i32_0 = arith.constant 0 : i32
    return %arg0, %c0_i32 : i32, i32
  }
  func.func @transform_2(%arg0: i32) -> (i32, i32) {
    %c0_i32 = arith.constant 0 : i32
    %c0_i32_0 = arith.constant 0 : i32
    return %arg0, %c0_i32 : i32, i32
  }
}

module attributes {stable_mosaic.version = 14 : i64} {
  func.func @_k2a_body(%arg0: i32, %arg1: memref<2000x128xf32, #tpu.memory_space<vmem>>, %arg2: memref<128x128xf32, #tpu.memory_space<vmem>>, %arg3: memref<128x128xf32, #tpu.memory_space<vmem>>, %arg4: memref<2000x128xf32, #tpu.memory_space<vmem>>) attributes {dimension_semantics = [#tpu.dimension_semantics<arbitrary>], iteration_bounds = array<i64: 5>, scalar_prefetch = 0 : i64, scratch_operands = 0 : i64, tpu.core_type = #tpu.core_type<tc>, window_params = [{transform_indices = @transform_0, window_bounds = array<i64: 2000, 128>}, {pipeline_mode = #tpu.pipeline_mode<synchronous>, transform_indices = @transform_1, window_bounds = array<i64: 128, 128>}, {pipeline_mode = #tpu.pipeline_mode<synchronous>, transform_indices = @transform_2, window_bounds = array<i64: 128, 128>}, {transform_indices = @transform_3, window_bounds = array<i64: 2000, 128>}]} {
    %get3A = arith.constant 0 : index
    %get3A_0 = arith.constant 0 : index
    %get3A_1 = vector.load %arg1[%get3A, %get3A_0] : memref<2000x128xf32, #tpu.memory_space<vmem>>, vector<2000x128xf32>
    %get3A_2 = arith.constant 0 : index
    %get3A_3 = arith.constant 0 : index
    %get3A_4 = vector.load %arg2[%get3A_2, %get3A_3] : memref<128x128xf32, #tpu.memory_space<vmem>>, vector<128x128xf32>
    %dot_general3A = arith.constant dense<0.000000e+00> : vector<2000x128xf32>
    %dot_general3A_5 = tpu.matmul %get3A_1, %get3A_4, %dot_general3A {dimension_numbers = #tpu.dot_dimension_numbers<[1], [0], [0], [1], [0, 0, 1, 1], [], []>, transpose_lhs_hint = false} : vector<2000x128xf32>, vector<128x128xf32>, vector<2000x128xf32> -> vector<2000x128xf32>
    %get3A_6 = arith.constant 0 : index
    %get3A_7 = arith.constant 0 : index
    %get3A_8 = vector.load %arg3[%get3A_6, %get3A_7] : memref<128x128xf32, #tpu.memory_space<vmem>>, vector<128x128xf32>
    %dot_general3A_9 = arith.constant dense<0.000000e+00> : vector<2000x128xf32>
    %dot_general3A_10 = tpu.matmul %dot_general3A_5, %get3A_8, %dot_general3A_9 {dimension_numbers = #tpu.dot_dimension_numbers<[1], [0], [0], [1], [0, 0, 1, 1], [], []>, transpose_lhs_hint = false} : vector<2000x128xf32>, vector<128x128xf32>, vector<2000x128xf32> -> vector<2000x128xf32>
    %swap3A = arith.constant 0 : index
    %swap3A_11 = arith.constant 0 : index
    %swap3A_12 = vector.load %arg4[%swap3A, %swap3A_11] : memref<2000x128xf32, #tpu.memory_space<vmem>>, vector<2000x128xf32>
    tpu.vector_store %arg4[%swap3A, %swap3A_11], %dot_general3A_10 {strides = array<i32>} : memref<2000x128xf32, #tpu.memory_space<vmem>>, vector<2000x128xf32>,
    return
  }
  func.func @transform_0(%arg0: i32) -> (i32, i32) {
    %c0_i32 = arith.constant 0 : i32
    %c0_i32_0 = arith.constant 0 : i32
    return %arg0, %c0_i32 : i32, i32
  }
  func.func @transform_1(%arg0: i32) -> (i32, i32) {
    %c0_i32 = arith.constant 0 : i32
    %c0_i32_0 = arith.constant 0 : i32
    %c0_i32_1 = arith.constant 0 : i32
    return %c0_i32, %c0_i32_0 : i32, i32
  }
  func.func @transform_2(%arg0: i32) -> (i32, i32) {
    %c0_i32 = arith.constant 0 : i32
    %c0_i32_0 = arith.constant 0 : i32
    %c0_i32_1 = arith.constant 0 : i32
    return %c0_i32, %c0_i32_0 : i32, i32
  }
  func.func @transform_3(%arg0: i32) -> (i32, i32) {
    %c0_i32 = arith.constant 0 : i32
    %c0_i32_0 = arith.constant 0 : i32
    return %arg0, %c0_i32 : i32, i32
  }
}

module attributes {stable_mosaic.version = 14 : i64} {
  func.func @_k2b_body(%arg0: i32, %arg1: memref<2000x128xf32, #tpu.memory_space<vmem>>, %arg2: memref<2000x2xf32, #tpu.memory_space<vmem>>, %arg3: memref<2000x128xf32, #tpu.memory_space<vmem>>) attributes {dimension_semantics = [#tpu.dimension_semantics<arbitrary>], iteration_bounds = array<i64: 5>, scalar_prefetch = 0 : i64, scratch_operands = 0 : i64, tpu.core_type = #tpu.core_type<tc>, window_params = [{transform_indices = @transform_0, window_bounds = array<i64: 2000, 128>}, {transform_indices = @transform_1, window_bounds = array<i64: 2000, 2>}, {transform_indices = @transform_2, window_bounds = array<i64: 2000, 128>}]} {
    %get3A = arith.constant 0 : index
    %get3A_0 = arith.constant 0 : index
    %get3A_1 = vector.load %arg2[%get3A, %get3A_0] : memref<2000x2xf32, #tpu.memory_space<vmem>>, vector<2000x2xf32>
    %slice3A = vector.extract_strided_slice %get3A_1 {offsets = [0, 0], sizes = [2000, 1], strides = [1, 1]} : vector<2000x2xf32> to vector<2000x1xf32>
    %slice3A_2 = vector.extract_strided_slice %get3A_1 {offsets = [0, 1], sizes = [2000, 1], strides = [1, 1]} : vector<2000x2xf32> to vector<2000x1xf32>
    %add3A = arith.addf %slice3A, %slice3A_2 : vector<2000x1xf32>
    %add3A_3 = arith.constant 1.000000e+00 : f32
    %add3A_4 = vector.broadcast %add3A_3 : f32 to vector<2000x1xf32>
    %add3A_5 = arith.addf %add3A, %add3A_4 : vector<2000x1xf32>
    %rsqrt3A = math.rsqrt %add3A_5 : vector<2000x1xf32>
    %get3A_6 = arith.constant 0 : index
    %get3A_7 = arith.constant 0 : index
    %get3A_8 = vector.load %arg1[%get3A_6, %get3A_7] : memref<2000x128xf32, #tpu.memory_space<vmem>>, vector<2000x128xf32>
    %mul3A = vector.broadcast %rsqrt3A : vector<2000x1xf32> to vector<2000x128xf32>
    %mul3A_9 = arith.mulf %mul3A, %get3A_8 : vector<2000x128xf32>
    %swap3A = arith.constant 0 : index
    %swap3A_10 = arith.constant 0 : index
    %swap3A_11 = vector.load %arg3[%swap3A, %swap3A_10] : memref<2000x128xf32, #tpu.memory_space<vmem>>, vector<2000x128xf32>
    tpu.vector_store %arg3[%swap3A, %swap3A_10], %mul3A_9 {strides = array<i32>} : memref<2000x128xf32, #tpu.memory_space<vmem>>, vector<2000x128xf32>,
    return
  }
  func.func @transform_0(%arg0: i32) -> (i32, i32) {
    %c0_i32 = arith.constant 0 : i32
    %c0_i32_0 = arith.constant 0 : i32
    return %arg0, %c0_i32 : i32, i32
  }
  func.func @transform_1(%arg0: i32) -> (i32, i32) {
    %c0_i32 = arith.constant 0 : i32
    %c0_i32_0 = arith.constant 0 : i32
    return %arg0, %c0_i32 : i32, i32
  }
  func.func @transform_2(%arg0: i32) -> (i32, i32) {
    %c0_i32 = arith.constant 0 : i32
    %c0_i32_0 = arith.constant 0 : i32
    return %arg0, %c0_i32 : i32, i32
  }
}

module attributes {stable_mosaic.version = 14 : i64} {
  func.func @_k4_body(%arg0: i32, %arg1: memref<2x2000x128xf32, #tpu.memory_space<vmem>>, %arg2: memref<2000x128xf32, #tpu.memory_space<vmem>>, %arg3: memref<2000x2xf32, #tpu.memory_space<vmem>>, %arg4: memref<128x128xf32, #tpu.memory_space<vmem>>, %arg5: memref<1x128xf32, #tpu.memory_space<vmem>>, %arg6: memref<2000x128xf32, #tpu.memory_space<vmem>>) attributes {dimension_semantics = [#tpu.dimension_semantics<arbitrary>], iteration_bounds = array<i64: 5>, scalar_prefetch = 0 : i64, scratch_operands = 0 : i64, tpu.core_type = #tpu.core_type<tc>, window_params = [{transform_indices = @transform_0, window_bounds = array<i64: 2, 2000, 128>}, {transform_indices = @transform_1, window_bounds = array<i64: 2000, 128>}, {transform_indices = @transform_2, window_bounds = array<i64: 2000, 2>}, {pipeline_mode = #tpu.pipeline_mode<synchronous>, transform_indices = @transform_3, window_bounds = array<i64: 128, 128>}, {pipeline_mode = #tpu.pipeline_mode<synchronous>, transform_indices = @transform_4, window_bounds = array<i64: 1, 128>}, {transform_indices = @transform_5, window_bounds = array<i64: 2000, 128>}]} {
    %get3A = arith.constant 0 : index
    %get3A_0 = arith.constant 0 : index
    %get3A_1 = vector.load %arg3[%get3A, %get3A_0] : memref<2000x2xf32, #tpu.memory_space<vmem>>, vector<2000x2xf32>
    %slice3A = vector.extract_strided_slice %get3A_1 {offsets = [0, 0], sizes = [2000, 1], strides = [1, 1]} : vector<2000x2xf32> to vector<2000x1xf32>
    %slice3A_2 = vector.extract_strided_slice %get3A_1 {offsets = [0, 1], sizes = [2000, 1], strides = [1, 1]} : vector<2000x2xf32> to vector<2000x1xf32>
    %add3A = arith.addf %slice3A, %slice3A_2 : vector<2000x1xf32>
    %add3A_3 = arith.constant 1.000000e+00 : f32
    %add3A_4 = vector.broadcast %add3A_3 : f32 to vector<2000x1xf32>
    %add3A_5 = arith.addf %add3A, %add3A_4 : vector<2000x1xf32>
    %rsqrt3A = math.rsqrt %add3A_5 : vector<2000x1xf32>
    %get3A_6 = arith.constant 0 : index
    %get3A_7 = arith.constant 0 : index
    %get3A_8 = arith.constant 0 : index
    %get3A_9 = vector.load %arg1[%get3A_6, %get3A_7, %get3A_8] : memref<2x2000x128xf32, #tpu.memory_space<vmem>>, vector<1x2000x128xf32>
    %get3A_10 = vector.shape_cast %get3A_9 : vector<1x2000x128xf32> to vector<2000x128xf32>
    %get3A_11 = arith.constant 1 : index
    %get3A_12 = arith.constant 0 : index
    %get3A_13 = arith.constant 0 : index
    %get3A_14 = vector.load %arg1[%get3A_11, %get3A_12, %get3A_13] : memref<2x2000x128xf32, #tpu.memory_space<vmem>>, vector<1x2000x128xf32>
    %get3A_15 = vector.shape_cast %get3A_14 : vector<1x2000x128xf32> to vector<2000x128xf32>
    %add3A_16 = arith.addf %get3A_10, %get3A_15 : vector<2000x128xf32>
    %get3A_17 = arith.constant 0 : index
    %get3A_18 = arith.constant 0 : index
    %get3A_19 = vector.load %arg2[%get3A_17, %get3A_18] : memref<2000x128xf32, #tpu.memory_space<vmem>>, vector<2000x128xf32>
    %add3A_20 = arith.addf %add3A_16, %get3A_19 : vector<2000x128xf32>
    %mul3A = vector.broadcast %rsqrt3A : vector<2000x1xf32> to vector<2000x128xf32>
    %mul3A_21 = arith.mulf %mul3A, %add3A_20 : vector<2000x128xf32>
    %get3A_22 = arith.constant 0 : index
    %get3A_23 = arith.constant 0 : index
    %get3A_24 = vector.load %arg5[%get3A_22, %get3A_23] : memref<1x128xf32, #tpu.memory_space<vmem>>, vector<1x128xf32>
    %add3A_25 = vector.broadcast %get3A_24 : vector<1x128xf32> to vector<2000x128xf32>
    %add3A_26 = arith.addf %mul3A_21, %add3A_25 : vector<2000x128xf32>
    %max3A = arith.constant 0.000000e+00 : f32
    %max3A_27 = vector.broadcast %max3A : f32 to vector<2000x128xf32>
    %max3A_28 = arith.maximumf %add3A_26, %max3A_27 : vector<2000x128xf32>
    %get3A_29 = arith.constant 0 : index
    %get3A_30 = arith.constant 0 : index
    %get3A_31 = vector.load %arg4[%get3A_29, %get3A_30] : memref<128x128xf32, #tpu.memory_space<vmem>>, vector<128x128xf32>
    %dot_general3A = arith.constant dense<0.000000e+00> : vector<2000x128xf32>
    %dot_general3A_32 = tpu.matmul %max3A_28, %get3A_31, %dot_general3A {dimension_numbers = #tpu.dot_dimension_numbers<[1], [0], [0], [1], [0, 0, 1, 1], [], []>, transpose_lhs_hint = false} : vector<2000x128xf32>, vector<128x128xf32>, vector<2000x128xf32> -> vector<2000x128xf32>
    %mul3A_33 = vector.broadcast %rsqrt3A : vector<2000x1xf32> to vector<2000x128xf32>
    %mul3A_34 = arith.mulf %mul3A_33, %dot_general3A_32 : vector<2000x128xf32>
    %swap3A = arith.constant 0 : index
    %swap3A_35 = arith.constant 0 : index
    %swap3A_36 = vector.load %arg6[%swap3A, %swap3A_35] : memref<2000x128xf32, #tpu.memory_space<vmem>>, vector<2000x128xf32>
    tpu.vector_store %arg6[%swap3A, %swap3A_35], %mul3A_34 {strides = array<i32>} : memref<2000x128xf32, #tpu.memory_space<vmem>>, vector<2000x128xf32>,
    return
  }
  func.func @transform_0(%arg0: i32) -> (i32, i32, i32) {
    %c0_i32 = arith.constant 0 : i32
    %c0_i32_0 = arith.constant 0 : i32
    %c0_i32_1 = arith.constant 0 : i32
    return %c0_i32, %arg0, %c0_i32_0 : i32, i32, i32
  }
  func.func @transform_1(%arg0: i32) -> (i32, i32) {
    %c0_i32 = arith.constant 0 : i32
    %c0_i32_0 = arith.constant 0 : i32
    return %arg0, %c0_i32 : i32, i32
  }
  func.func @transform_2(%arg0: i32) -> (i32, i32) {
    %c0_i32 = arith.constant 0 : i32
    %c0_i32_0 = arith.constant 0 : i32
    return %arg0, %c0_i32 : i32, i32
  }
  func.func @transform_3(%arg0: i32) -> (i32, i32) {
    %c0_i32 = arith.constant 0 : i32
    %c0_i32_0 = arith.constant 0 : i32
    %c0_i32_1 = arith.constant 0 : i32
    return %c0_i32, %c0_i32_0 : i32, i32
  }
  func.func @transform_4(%arg0: i32) -> (i32, i32) {
    %c0_i32 = arith.constant 0 : i32
    %c0_i32_0 = arith.constant 0 : i32
    %c0_i32_1 = arith.constant 0 : i32
    return %c0_i32, %c0_i32_0 : i32, i32
  }
  func.func @transform_5(%arg0: i32) -> (i32, i32) {
    %c0_i32 = arith.constant 0 : i32
    %c0_i32_0 = arith.constant 0 : i32
    return %arg0, %c0_i32 : i32, i32
  }
}

module attributes {stable_mosaic.version = 14 : i64} {
  func.func @_k6_body(%arg0: i32, %arg1: memref<2x2000x128xf32, #tpu.memory_space<vmem>>, %arg2: memref<2000x128xf32, #tpu.memory_space<vmem>>, %arg3: memref<2000x2xf32, #tpu.memory_space<vmem>>, %arg4: memref<1x1x2000xi32, #tpu.memory_space<vmem>>, %arg5: memref<100x128xf32, #tpu.memory_space<vmem>>, %arg6: memref<1x128xf32, #tpu.memory_space<vmem>>, %arg7: memref<100x10xf32, #tpu.memory_space<vmem>>, %arg8: memref<1x10xf32, #tpu.memory_space<vmem>>, %arg9: memref<128x10xf32, #tpu.memory_space<vmem>>, %arg10: memref<128x101xf32, #tpu.memory_space<vmem>>) attributes {dimension_semantics = [#tpu.dimension_semantics<arbitrary>], iteration_bounds = array<i64: 5>, scalar_prefetch = 0 : i64, scratch_operands = 1 : i64, tpu.core_type = #tpu.core_type<tc>, window_params = [{transform_indices = @transform_0, window_bounds = array<i64: 2, 2000, 128>}, {transform_indices = @transform_1, window_bounds = array<i64: 2000, 128>}, {transform_indices = @transform_2, window_bounds = array<i64: 2000, 2>}, {transform_indices = @transform_3, window_bounds = array<i64: 1, 1, 2000>}, {pipeline_mode = #tpu.pipeline_mode<synchronous>, transform_indices = @transform_4, window_bounds = array<i64: 100, 128>}, {pipeline_mode = #tpu.pipeline_mode<synchronous>, transform_indices = @transform_5, window_bounds = array<i64: 1, 128>}, {pipeline_mode = #tpu.pipeline_mode<synchronous>, transform_indices = @transform_6, window_bounds = array<i64: 100, 10>}, {pipeline_mode = #tpu.pipeline_mode<synchronous>, transform_indices = @transform_7, window_bounds = array<i64: 1, 10>}, {pipeline_mode = #tpu.pipeline_mode<synchronous>, transform_indices = @transform_8, window_bounds = array<i64: 128, 10>}]} {
    %eq3A = arith.constant 0 : i32
    %eq3A_0 = arith.cmpi eq, %arg0, %eq3A : i32
    %convert_element_type3A = arith.extui %eq3A_0 : i1 to i32
    %cond3A = arith.constant 0 : i32
    %cond3A_1 = arith.cmpi ne, %convert_element_type3A, %cond3A : i32
    scf.if %cond3A_1 {
      %broadcast_in_dim3A_73 = arith.constant 0.000000e+00 : f32
      %broadcast_in_dim3A_74 = vector.broadcast %broadcast_in_dim3A_73 : f32 to vector<128x101xf32>
      %swap3A_75 = arith.constant 0 : index
      %swap3A_76 = arith.constant 0 : index
      %swap3A_77 = vector.load %arg10[%swap3A_75, %swap3A_76] : memref<128x101xf32, #tpu.memory_space<vmem>>, vector<128x101xf32>
      tpu.vector_store %arg10[%swap3A_75, %swap3A_76], %broadcast_in_dim3A_74 {strides = array<i32>} : memref<128x101xf32, #tpu.memory_space<vmem>>, vector<128x101xf32>,
    } else {
    }
    %get3A = arith.constant 0 : index
    %get3A_2 = arith.constant 0 : index
    %get3A_3 = vector.load %arg3[%get3A, %get3A_2] : memref<2000x2xf32, #tpu.memory_space<vmem>>, vector<2000x2xf32>
    %slice3A = vector.extract_strided_slice %get3A_3 {offsets = [0, 0], sizes = [2000, 1], strides = [1, 1]} : vector<2000x2xf32> to vector<2000x1xf32>
    %slice3A_4 = vector.extract_strided_slice %get3A_3 {offsets = [0, 1], sizes = [2000, 1], strides = [1, 1]} : vector<2000x2xf32> to vector<2000x1xf32>
    %add3A = arith.addf %slice3A, %slice3A_4 : vector<2000x1xf32>
    %add3A_5 = arith.constant 1.000000e+00 : f32
    %add3A_6 = vector.broadcast %add3A_5 : f32 to vector<2000x1xf32>
    %add3A_7 = arith.addf %add3A, %add3A_6 : vector<2000x1xf32>
    %rsqrt3A = math.rsqrt %add3A_7 : vector<2000x1xf32>
    %get3A_8 = arith.constant 0 : index
    %get3A_9 = arith.constant 0 : index
    %get3A_10 = arith.constant 0 : index
    %get3A_11 = vector.load %arg1[%get3A_8, %get3A_9, %get3A_10] : memref<2x2000x128xf32, #tpu.memory_space<vmem>>, vector<1x2000x128xf32>
    %get3A_12 = vector.shape_cast %get3A_11 : vector<1x2000x128xf32> to vector<2000x128xf32>
    %get3A_13 = arith.constant 1 : index
    %get3A_14 = arith.constant 0 : index
    %get3A_15 = arith.constant 0 : index
    %get3A_16 = vector.load %arg1[%get3A_13, %get3A_14, %get3A_15] : memref<2x2000x128xf32, #tpu.memory_space<vmem>>, vector<1x2000x128xf32>
    %get3A_17 = vector.shape_cast %get3A_16 : vector<1x2000x128xf32> to vector<2000x128xf32>
    %add3A_18 = arith.addf %get3A_12, %get3A_17 : vector<2000x128xf32>
    %get3A_19 = arith.constant 0 : index
    %get3A_20 = arith.constant 0 : index
    %get3A_21 = vector.load %arg2[%get3A_19, %get3A_20] : memref<2000x128xf32, #tpu.memory_space<vmem>>, vector<2000x128xf32>
    %add3A_22 = arith.addf %add3A_18, %get3A_21 : vector<2000x128xf32>
    %mul3A = vector.broadcast %rsqrt3A : vector<2000x1xf32> to vector<2000x128xf32>
    %mul3A_23 = arith.mulf %mul3A, %add3A_22 : vector<2000x128xf32>
    %get3A_24 = arith.constant 0 : index
    %get3A_25 = arith.constant 0 : index
    %get3A_26 = vector.load %arg6[%get3A_24, %get3A_25] : memref<1x128xf32, #tpu.memory_space<vmem>>, vector<1x128xf32>
    %add3A_27 = vector.broadcast %get3A_26 : vector<1x128xf32> to vector<2000x128xf32>
    %add3A_28 = arith.addf %mul3A_23, %add3A_27 : vector<2000x128xf32>
    %max3A = arith.constant 0.000000e+00 : f32
    %max3A_29 = vector.broadcast %max3A : f32 to vector<2000x128xf32>
    %max3A_30 = arith.maximumf %add3A_28, %max3A_29 : vector<2000x128xf32>
    %get3A_31 = arith.constant 0 : index
    %get3A_32 = arith.constant 0 : index
    %get3A_33 = vector.load %arg5[%get3A_31, %get3A_32] : memref<100x128xf32, #tpu.memory_space<vmem>>, vector<100x128xf32>
    %mul3A_34 = arith.mulf %get3A_33, %get3A_33 : vector<100x128xf32>
    %reduce_sum3A = arith.constant dense<0.000000e+00> : vector<100xf32>
    %reduce_sum3A_35 = vector.multi_reduction <add>, %mul3A_34, %reduce_sum3A [1] : vector<100x128xf32> to vector<100xf32>
    %dot_general3A = arith.constant dense<0.000000e+00> : vector<2000x100xf32>
    %dot_general3A_36 = tpu.matmul %max3A_30, %get3A_33, %dot_general3A {dimension_numbers = #tpu.dot_dimension_numbers<[1], [1], [0], [0], [0, 0, 1, 0], [], []>, transpose_lhs_hint = false} : vector<2000x128xf32>, vector<100x128xf32>, vector<2000x100xf32> -> vector<2000x100xf32>
    %mul3A_37 = arith.mulf %max3A_30, %max3A_30 : vector<2000x128xf32>
    %reduce_sum3A_38 = arith.constant dense<0.000000e+00> : vector<2000xf32>
    %reduce_sum3A_39 = vector.multi_reduction <add>, %mul3A_37, %reduce_sum3A_38 [1] : vector<2000x128xf32> to vector<2000xf32>
    %broadcast_in_dim3A = vector.shape_cast %reduce_sum3A_39 : vector<2000xf32> to vector<2000x1xf32>
    %broadcast_in_dim3A_40 = vector.shape_cast %reduce_sum3A_35 : vector<100xf32> to vector<1x100xf32>
    %add3A_41 = vector.broadcast %broadcast_in_dim3A : vector<2000x1xf32> to vector<2000x100xf32>
    %add3A_42 = vector.broadcast %broadcast_in_dim3A_40 : vector<1x100xf32> to vector<2000x100xf32>
    %add3A_43 = arith.addf %add3A_41, %add3A_42 : vector<2000x100xf32>
    %mul3A_44 = arith.constant 2.000000e+00 : f32
    %mul3A_45 = vector.broadcast %mul3A_44 : f32 to vector<2000x100xf32>
    %mul3A_46 = arith.mulf %mul3A_45, %dot_general3A_36 : vector<2000x100xf32>
    %sub3A = arith.subf %add3A_43, %mul3A_46 : vector<2000x100xf32>
    %max3A_47 = arith.constant 9.99999993E-9 : f32
    %max3A_48 = vector.broadcast %max3A_47 : f32 to vector<2000x100xf32>
    %max3A_49 = arith.maximumf %sub3A, %max3A_48 : vector<2000x100xf32>
    %sqrt3A = math.sqrt %max3A_49 : vector<2000x100xf32>
    %broadcast_in_dim3A_50 = arith.constant 1.000000e+00 : f32
    %broadcast_in_dim3A_51 = vector.broadcast %broadcast_in_dim3A_50 : f32 to vector<2000x1xf32>
    %concatenate3A = tpu.concatenate %sqrt3A, %broadcast_in_dim3A_51 in 1 : vector<2000x100xf32>, vector<2000x1xf32> -> vector<2000x101xf32>
    %iota3A = tpu.iota {dimensions = array<i32: 0>} : vector<128x2000xi32>
    %get3A_52 = arith.constant 0 : index
    %get3A_53 = arith.constant 0 : index
    %get3A_54 = arith.constant 0 : index
    %get3A_55 = vector.load %arg4[%get3A_52, %get3A_53, %get3A_54] : memref<1x1x2000xi32, #tpu.memory_space<vmem>>, vector<1x1x2000xi32>
    %reshape3A = vector.shape_cast %get3A_55 : vector<1x1x2000xi32> to vector<1x2000xi32>
    %eq3A_56 = vector.broadcast %reshape3A : vector<1x2000xi32> to vector<128x2000xi32>
    %eq3A_57 = arith.cmpi eq, %eq3A_56, %iota3A : vector<128x2000xi32>
    %convert_element_type3A_58 = arith.extui %eq3A_57 : vector<128x2000xi1> to vector<128x2000xi32>
    %convert_element_type3A_59 = arith.sitofp %convert_element_type3A_58 : vector<128x2000xi32> to vector<128x2000xf32>
    %get3A_60 = arith.constant 0 : index
    %get3A_61 = arith.constant 0 : index
    %get3A_62 = vector.load %arg10[%get3A_60, %get3A_61] : memref<128x101xf32, #tpu.memory_space<vmem>>, vector<128x101xf32>
    %dot_general3A_63 = arith.constant dense<0.000000e+00> : vector<128x101xf32>
    %dot_general3A_64 = tpu.matmul %convert_element_type3A_59, %concatenate3A, %dot_general3A_63 {dimension_numbers = #tpu.dot_dimension_numbers<[1], [0], [0], [1], [0, 0, 1, 1], [], []>, transpose_lhs_hint = false} : vector<128x2000xf32>, vector<2000x101xf32>, vector<128x101xf32> -> vector<128x101xf32>
    %add3A_65 = arith.addf %get3A_62, %dot_general3A_64 : vector<128x101xf32>
    %swap3A = arith.constant 0 : index
    %swap3A_66 = arith.constant 0 : index
    %swap3A_67 = vector.load %arg10[%swap3A, %swap3A_66] : memref<128x101xf32, #tpu.memory_space<vmem>>, vector<128x101xf32>
    tpu.vector_store %arg10[%swap3A, %swap3A_66], %add3A_65 {strides = array<i32>} : memref<128x101xf32, #tpu.memory_space<vmem>>, vector<128x101xf32>,
    %eq3A_68 = arith.constant 4 : i32
    %eq3A_69 = arith.cmpi eq, %arg0, %eq3A_68 : i32
    %convert_element_type3A_70 = arith.extui %eq3A_69 : i1 to i32
    %cond3A_71 = arith.constant 0 : i32
    %cond3A_72 = arith.cmpi ne, %convert_element_type3A_70, %cond3A_71 : i32
    scf.if %cond3A_72 {
      %get3A_73 = arith.constant 0 : index
      %get3A_74 = arith.constant 0 : index
      %get3A_75 = vector.load %arg10[%get3A_73, %get3A_74] : memref<128x101xf32, #tpu.memory_space<vmem>>, vector<128x101xf32>
      %slice3A_76 = vector.extract_strided_slice %get3A_75 {offsets = [0, 0], sizes = [128, 100], strides = [1, 1]} : vector<128x101xf32> to vector<128x100xf32>
      %slice3A_77 = vector.extract_strided_slice %get3A_75 {offsets = [0, 100], sizes = [128, 1], strides = [1, 1]} : vector<128x101xf32> to vector<128x1xf32>
      %max3A_78 = arith.constant 1.000000e+00 : f32
      %max3A_79 = vector.broadcast %max3A_78 : f32 to vector<128x1xf32>
      %max3A_80 = arith.maximumf %slice3A_77, %max3A_79 : vector<128x1xf32>
      %div3A = vector.broadcast %max3A_80 : vector<128x1xf32> to vector<128x100xf32>
      %div3A_81 = arith.divf %slice3A_76, %div3A : vector<128x100xf32>
      %get3A_82 = arith.constant 0 : index
      %get3A_83 = arith.constant 0 : index
      %get3A_84 = vector.load %arg7[%get3A_82, %get3A_83] : memref<100x10xf32, #tpu.memory_space<vmem>>, vector<100x10xf32>
      %dot_general3A_85 = arith.constant dense<0.000000e+00> : vector<128x10xf32>
      %dot_general3A_86 = tpu.matmul %div3A_81, %get3A_84, %dot_general3A_85 {dimension_numbers = #tpu.dot_dimension_numbers<[1], [0], [0], [1], [0, 0, 1, 1], [], []>, precision = #tpu.contract_precision<fp32>, transpose_lhs_hint = false} : vector<128x100xf32>, vector<100x10xf32>, vector<128x10xf32> -> vector<128x10xf32>
      %get3A_87 = arith.constant 0 : index
      %get3A_88 = arith.constant 0 : index
      %get3A_89 = vector.load %arg8[%get3A_87, %get3A_88] : memref<1x10xf32, #tpu.memory_space<vmem>>, vector<1x10xf32>
      %add3A_90 = vector.broadcast %get3A_89 : vector<1x10xf32> to vector<128x10xf32>
      %add3A_91 = arith.addf %dot_general3A_86, %add3A_90 : vector<128x10xf32>
      %swap3A_92 = arith.constant 0 : index
      %swap3A_93 = arith.constant 0 : index
      %swap3A_94 = vector.load %arg9[%swap3A_92, %swap3A_93] : memref<128x10xf32, #tpu.memory_space<vmem>>, vector<128x10xf32>
      tpu.vector_store %arg9[%swap3A_92, %swap3A_93], %add3A_91 {strides = array<i32>} : memref<128x10xf32, #tpu.memory_space<vmem>>, vector<128x10xf32>,
    } else {
    }
    return
  }
  func.func @transform_0(%arg0: i32) -> (i32, i32, i32) {
    %c0_i32 = arith.constant 0 : i32
    %c0_i32_0 = arith.constant 0 : i32
    %c0_i32_1 = arith.constant 0 : i32
    return %c0_i32, %arg0, %c0_i32_0 : i32, i32, i32
  }
  func.func @transform_1(%arg0: i32) -> (i32, i32) {
    %c0_i32 = arith.constant 0 : i32
    %c0_i32_0 = arith.constant 0 : i32
    return %arg0, %c0_i32 : i32, i32
  }
  func.func @transform_2(%arg0: i32) -> (i32, i32) {
    %c0_i32 = arith.constant 0 : i32
    %c0_i32_0 = arith.constant 0 : i32
    return %arg0, %c0_i32 : i32, i32
  }
  func.func @transform_3(%arg0: i32) -> (i32, i32, i32) {
    %c0_i32 = arith.constant 0 : i32
    %c0_i32_0 = arith.constant 0 : i32
    %c0_i32_1 = arith.constant 0 : i32
    return %arg0, %c0_i32, %c0_i32_0 : i32, i32, i32
  }
  func.func @transform_4(%arg0: i32) -> (i32, i32) {
    %c0_i32 = arith.constant 0 : i32
    %c0_i32_0 = arith.constant 0 : i32
    %c0_i32_1 = arith.constant 0 : i32
    return %c0_i32, %c0_i32_0 : i32, i32
  }
  func.func @transform_5(%arg0: i32) -> (i32, i32) {
    %c0_i32 = arith.constant 0 : i32
    %c0_i32_0 = arith.constant 0 : i32
    %c0_i32_1 = arith.constant 0 : i32
    return %c0_i32, %c0_i32_0 : i32, i32
  }
  func.func @transform_6(%arg0: i32) -> (i32, i32) {
    %c0_i32 = arith.constant 0 : i32
    %c0_i32_0 = arith.constant 0 : i32
    %c0_i32_1 = arith.constant 0 : i32
    return %c0_i32, %c0_i32_0 : i32, i32
  }
  func.func @transform_7(%arg0: i32) -> (i32, i32) {
    %c0_i32 = arith.constant 0 : i32
    %c0_i32_0 = arith.constant 0 : i32
    %c0_i32_1 = arith.constant 0 : i32
    return %c0_i32, %c0_i32_0 : i32, i32
  }
  func.func @transform_8(%arg0: i32) -> (i32, i32) {
    %c0_i32 = arith.constant 0 : i32
    %c0_i32_0 = arith.constant 0 : i32
    %c0_i32_1 = arith.constant 0 : i32
    return %c0_i32, %c0_i32_0 : i32, i32
  }
}

</mosaic_0001>

<sc_bundles>
// kernel: kernel.10.cloned.1.call-start
scs
__scs_entry_jumppad:
0x0: {  	(pc) =	sbr.rel $0x88, $3  }
0x1: {  	(tag) =	ssettag $0x0;
	lr =	simm.s32 $0x1  }
0x2: {  	[smem:$0x3F98] =	sst lr;
	_ =	strace $0xD0000000  }
0x3: {  	_ = 	snop  }
0x4: {  	_ = 	snop  }
0x5: {  	_ = 	snop  }
0x6: {  	_ = 	snop  }
0x7: {  	_ = 	snop  }
__scs_overlays_trampoline_lowered:
0x8: {  	[smem:$0x3FA7] =	sst s0  }
0x9: {  	[smem:$0x3FA8] =	sst s1  }
0xa: {  	[smem:$0x3FA9] =	sst s2  }
0xb: {  	[smem:$0x3FAA] =	sst s3  }
0xc: {  	[smem:$0x3FAB] =	sst s4  }
0xd: {  	[smem:$0x3FAC] =	sst s5  }
0xe: {  	[smem:$0x3FAD] =	sst s6  }
0xf: {  	[smem:$0x3FAE] =	sst s7  }
0x10: {  	[smem:$0x3FAF] =	sst s8  }
0x11: {  	[smem:$0x3FB0] =	sst s9;
	s0 =	simm.s32 @!p0 $0x0  }
0x12: {  	s1 =	sld [smem:$0x3F96];
	s0 =	simm.s32 @p0 $0x1  }
0x13: {  	[smem:$0x3FB1] =	sst s0;
	s0 =	simm.s32 @!p1 $0x0  }
0x14: {  	s2 =	sld [smem:$0x3F95];
	s0 =	simm.s32 @p1 $0x1  }
0x15: {  	[smem:$0x3FB2] =	sst s0;
	s0 =	simm.s32 @!p2 $0x0  }
0x16: {  	s3 =	sld [smem:$0x3FDB];
	s0 =	simm.s32 @p2 $0x1  }
0x17: {  	s4 =	simm.s32 $0x1BF5;
	[smem:$0x3FB4] =	sst s0  }
0x18: {  	s0 =	sld [smem:$0x3F97];
	_ =	swait.ge [sflag:s4], $0x0  }
0x19: {  	s7 =	sld [smem:$0x3F98]  }
0x1a: {  	s8 =	sadd.s32 $0xFFFFE003, lr  }
0x1b: {  	s9 =	sadd.s32 $0xFFFFFEF7, lr;
	s5 =	simm.s32 $0xFFFFFFFF;
	p2 =	slt.u32 s8, $0xFFFFF086  }
0x1c: {  	p1 =	slt.u32 s9, $0xF7A;
	s5 =	simm.s32 @!p2 $0x0  }
0x1d: {  	s5 =	simm.s32 @p1 $0x1;
	p0 =	seq.s32 s7, s2  }
0x1e: {  	s7 =	smul.u32 @!p0 $0xF7A, s2;
	p2 =	seq.s32 @!p0 s5, $0x0  }
0x1f: {  	s9 =	smul.u32 $0xF7A, s1;
	s8 =	simm.s32 @!p0 $0x1BF5;
	p2 =	por !p2, p0  }
0x20: {  	[sflag:s8] =	ssyncset.s32 @!p0 $0xFFFFF086;
	s6 =	sadd.s32 @!p0 s3, s7;
	s7 =	simm.s32 @!p0 $0x108  }
0x21: {  	s3 =	sadd.s32 s3, s9;
	s6 =	sadd.s32 @!p0 $0x88, s6;
	s7 =	simm.s32 @p2 $0x1082  }
0x22: {  	[simem:s7], [sflag:s8] =	dma.local @!p0 [hbm:s6], $0xF7A  }
0x23: {  	s9 =	sor.u32 $0xD0000000, s2;
	s6 =	simm.s32 $0x108;
	_ =	swait.ge @!p0 [sflag:s8], $0x0  }
0x24: {  	s3 =	sadd.s32 $0x88, s3;
	s6 =	simm.s32 @!p1 $0x1082;
	[sflag:s4] =	ssyncset.s32 $0xFFFFF086  }
0x25: {  	[simem:s6], [sflag:s4] =	dma.local [hbm:s3], $0xF7A  }
0x26: {  	[smem:$0x3F98] =	sst s1;
	(tag) =	ssettag s2;
	_ =	strace s9  }
0x27: {  	s1 =	sld [smem:$0x3FA8]  }
0x28: {  	s2 =	sld [smem:$0x3FA9]  }
0x29: {  	s4 =	sld [smem:$0x3FAB]  }
0x2a: {  	p0 =	seq.s32 s5, $0x0;
	s5 =	sld [smem:$0x3FAC]  }
0x2b: {  	s6 =	sld [smem:$0x3FAD]  }
0x2c: {  	s7 =	sld [smem:$0x3FAE]  }
0x2d: {  	s3 =	simm.s32 $0x108;
	s8 =	sld [smem:$0x3FAF]  }
0x2e: {  	s3 =	simm.s32 @!p0 $0x1082;
	s9 =	sld [smem:$0x3FB0]  }
0x2f: {  	lr =	sadd.s32 s0, s3;
	s0 =	sld [smem:$0x3FA7]  }
0x30: {  	s3 =	sld [smem:$0x3FAA]  }
0x31: {  	[smem:$0x3FB3] =	sst s10  }
0x32: {  	s10 =	sld [smem:$0x3FB1];
	_ =	sdelay $0x3  }
0x33: {  	p0 =	seq.s32 s10, $0x1;
	s10 =	sld [smem:$0x3FB3];
	_ =	sdelay $0x3  }
0x34: {  	[smem:$0x3FB3] =	sst s10  }
0x35: {  	s10 =	sld [smem:$0x3FB2];
	_ =	sdelay $0x3  }
0x36: {  	p1 =	seq.s32 s10, $0x1;
	s10 =	sld [smem:$0x3FB3];
	_ =	sdelay $0x3  }
0x37: {  	[smem:$0x3FB3] =	sst s10  }
0x38: {  	s10 =	sld [smem:$0x3FB4]  }
0x39: {  	_ = 	snop;
	(pc) =	sbr.ind lr, $3  }
0x3a: {  	_ = 	snop  }
0x3b: {  	_ = 	snop  }
0x3c: {  	p2 =	seq.s32 s10, $0x1;
	s10 =	sld [smem:$0x3FB3]  }
0x3d: {  	_ =	shalt  }
0x3e: {  	_ =	shalt  }
0x3f: {  	_ =	shalt  }
0x40: {  	_ =	shalt  }
0x41: {  	_ =	shalt  }
0x42: {  	_ =	shalt  }
0x43: {  	_ =	shalt  }
0x44: {  	_ =	shalt  }
0x45: {  	_ =	shalt  }
0x46: {  	_ =	shalt  }
0x47: {  	_ =	shalt  }
0x48: {  	_ =	shalt  }
0x49: {  	_ =	shalt  }
0x4a: {  	_ =	shalt  }
0x4b: {  	_ =	shalt  }
0x4c: {  	_ =	shalt  }
0x4d: {  	_ =	shalt  }
0x4e: {  	_ =	shalt  }
0x4f: {  	_ =	shalt  }
0x50: {  	_ =	shalt  }
0x51: {  	_ =	shalt  }
0x52: {  	_ =	shalt  }
0x53: {  	_ =	shalt  }
0x54: {  	_ =	shalt  }
0x55: {  	_ =	shalt  }
0x56: {  	_ =	shalt  }
0x57: {  	_ =	shalt  }
0x58: {  	_ =	shalt  }
0x59: {  	_ =	shalt  }
0x5a: {  	_ =	shalt  }
0x5b: {  	_ =	shalt  }
0x5c: {  	_ =	shalt  }
0x5d: {  	_ =	shalt  }
0x5e: {  	_ =	shalt  }
0x5f: {  	_ =	shalt  }
0x60: {  	_ =	shalt  }
0x61: {  	_ =	shalt  }
0x62: {  	_ =	shalt  }
0x63: {  	_ =	shalt  }
0x64: {  	_ =	shalt  }
0x65: {  	_ =	shalt  }
0x66: {  	_ =	shalt  }
0x67: {  	_ =	shalt  }
0x68: {  	_ =	shalt  }
0x69: {  	_ =	shalt  }
0x6a: {  	_ =	shalt  }
0x6b: {  	_ =	shalt  }
0x6c: {  	_ =	shalt  }
0x6d: {  	_ =	shalt  }
0x6e: {  	_ =	shalt  }
0x6f: {  	_ =	shalt  }
0x70: {  	_ =	shalt  }
0x71: {  	_ =	shalt  }
0x72: {  	_ =	shalt  }
0x73: {  	_ =	shalt  }
0x74: {  	_ =	shalt  }
0x75: {  	_ =	shalt  }
0x76: {  	_ =	shalt  }
0x77: {  	_ =	shalt  }
0x78: {  	_ =	shalt  }
0x79: {  	_ =	shalt  }
0x7a: {  	_ =	shalt  }
0x7b: {  	_ =	shalt  }
0x7c: {  	_ =	shalt  }
0x7d: {  	_ =	shalt  }
0x7e: {  	_ =	shalt  }
0x7f: {  	_ =	shalt  }
0x80: {  	_ =	shalt  }
0x81: {  	_ =	shalt  }
0x82: {  	_ =	shalt  }
0x83: {  	_ =	shalt  }
0x84: {  	_ =	shalt  }
0x85: {  	_ =	shalt  }
0x86: {  	_ =	shalt  }
0x87: {  	_ =	shalt  }
.Lfunc_end0:
.L_simem_size_0:
called_computation_lowered:
.L_overlay_start_0:
0x88: {  	s2 =	sld [smem:$0x3FD9]  }
0x89: {  	s3 =	sld [smem:$0x3FFE];
	_ =	sdelay $0x1  }
0x8a: {  	s1 =	srdreg.scid  }
0x8b: {  	s0 =	sand.u32 $0x1, s1  }
0x8c: {  	s16 =	sshll.u32 s0, $0xA;
	s2 =	sadd.s32 s3, s2  }
0x8d: {  	s2 =	sadd.s32 s2, s16  }
0x8e: {  	[smem:$0x3FBF] =	sst s2  }
0x8f: {  	_ = 	snop  }
0x90: {  	(tm) =	ssettm $0x1  }
0x91: {  	s17 =	sld [smem:$0x3FFB];
	_ =	sdelay $0x3  }
0x92: {  	_ =	strace s17  }
0x93: {  	s2 =	sld [smem:$0x3FFC];
	_ =	sdelay $0x3  }
0x94: {  	_ =	strace s2  }
0x95: {  	s2 =	sld [smem:$0x3FFD];
	_ =	sdelay $0x3  }
0x96: {  	_ =	strace s2  }
0x97: {  	_ =	strace $0x8FFFFFFF  }
0x98: {  	s18 =	sld [smem:$0x3FDB];
	_ =	sdelay $0x1  }
0x99: {  	s19 =	simm.s32 $_scs_section_size  }
0x9a: {  	s4 =	simm.s32 $_size__tile_overlayer_lowered;
	s5 =	simm.s32 $_tile_overlayer_lowered  }
0x9b: {  	s22 =	simm.s32 $0x1BFF;
	s21 =	sshll.u32 s5, $0x1;
	s2 =	sadd.s32 s19, s18  }
0x9c: {  	s6 =	simm.s32 $0x0;
	s20 =	sshll.u32 s4, $0x1;
	s4 =	sadd.s32 s21, s2  }
0x9d: {  	[timem:s6], [sflag:s22] =	dma.local [hbm:s4], s20  }
0x9e: {  	_ =	swait.ge [sflag:s22], s20  }
0x9f: {  	s3 =	ssub.s32 $0x0, s20;
	[sflag:s22] =	ssyncset.done $0x0  }
0xa0: {  	[sflag:s22] =	ssyncadd.s32 s3;
	_ =	sdelay $0x1  }
0xa1: {  	s23 =	simm.s32 $0x1B8B  }
0xa2: {  	_ =	swait.ge [sflag:s23], $0x1  }
0xa3: {  	[sflag:s23] =	ssyncset.done $0x0  }
0xa4: {  	s25 =	simm.s32 $0x1B8E;
	s24 =	sld [smem:$0x3FFE];
	[sflag:s23] =	ssyncadd.s32 $0xFFFFFFFF  }
0xa5: {  	s26 =	simm.s32 $execute0_lowered;
	[smem:$0x3FD2] =	sst s25  }
0xa6: {  	s4 =	sshll.u32 s26, $0x1;
	_ =	strace $0x80000046;
	[dreg:$0x1] =	wrdreg $0xFFFFFFFF  }
0xa7: {  	s28 =	simm.s32 $_size_execute0_lowered;
	s2 =	sadd.s32 s2, s4;
	[dreg:$0x0] =	wrdreg $0x0  }
0xa8: {  	s4 =	sshll.u32 s28, $0x1;
	[dreg:$0x2] =	wrdreg s2  }
0xa9: {  	[dreg:$0x3] =	wrdreg s4  }
0xaa: {  	[dreg:$0x4] =	wrdreg $0xC0  }
0xab: {  	_ =	task [dreg:s6], $0x5FFFF  }
0xac: {  	[dreg:$0x1] =	wrdreg $0xFFFFFFFF  }
0xad: {  	[dreg:$0x0] =	wrdreg $0x60  }
0xae: {  	[dreg:$0x2] =	wrdreg s24  }
0xaf: {  	[dreg:$0x3] =	wrdreg $0x0  }
0xb0: {  	[dreg:$0x4] =	wrdreg $0x9  }
0xb1: {  	_ =	task.clear_ibuf [dreg:s6], $0x5FFFF;
	_ =	strace $0x90000046  }
0xb2: {  	s29 =	simm.s32 $0x9;
	_ =	strace $0x80000048  }
0xb3: {  	_ =	swait.ge [sflag:s29], $0x1  }
0xb4: {  	[sflag:s29] =	ssyncadd.s32 $0xFFFFFFFF  }
0xb5: {  	_ =	strace $0x90000048  }
0xb6: {  	_ =	sfence  }
0xb7: {  	s30 =	sld [smem:$0x0];
	_ =	sdelay $0x2  }
0xb8: {  	s31 =	sshll.u32 s1, $0xD;
	s1 =	sshrl.u32 s1, $0x2  }
0xb9: {  	s3 =	sand.u32 $0x4000, s31;
	s1 =	sadd.s32 s1, s30  }
0xba: {  	s0 =	sor.u32 s3, s0;
	s1 =	sshll.u32 s1, $0x11  }
0xbb: {  	s0 =	sor.u32 s1, s0  }
0xbc: {  	s0 =	sadd.s32 $0x8F2B, s0  }
0xbd: {  	[sflag:s0] =	ssyncadd.remote.s32 $0x1  }
0xbe: {  	_ =	sfence.sel $0xFFFF  }
0xbf: {  	[dreg:$0x0] =	wrdreg $0xFFFFFFFF;
	(pc) =	sbr.abs _section_cstart, $3  }
0xc0: {  	[dreg:$0x1] =	wrdreg $0xFFFFFFFF  }
0xc1: {  	_ =	task.clear_ibuf [dreg:s6], $0x2FFFF;
	_ =	strace $0x9FFFFFFF  }
0xc2: {  	(tm) =	ssettm $0x7FFFFFFF  }
0xc3: {  	_ =	shalt  }
tec
execute0_lowered:
.L_overlay_start_1:
0x0: {  	(tag) =	ssettag $0x1  }
0x1: {  	s4 =	rddreg [dreg:$0x0]  }
0x2: {  	s2 =	rddreg [dreg:$0x1]  }
0x3: {  	s0 =	rddreg [dreg:$0x2];
	s5 =	srdreg.scid  }
0x4: {  	s1 =	stileid.u32;
	s3 =	simm.s32 $0x0;
	s12 =	simm.s32 $0x2A80  }
0x5: {  	s15 =	simm.s32 $0x0;
	s5 =	sand.u32 $0x1, s5;
	s6 =	smul.u32 $0x280, s1  }
0x6: {  	[smem:$0x7FF] =	sst s3;
	s13 =	sshll.u32 s1, $0x6;
	s7 =	sshll.u32 s5, $0x4  }
0x7: {  	s8 =	smul.u32 $0x2800, s5;
	_ =	strace $0x80000047;
	s7 =	sor.u32 s1, s7  }
0x8: {  	s5 =	ssub.s32 $0x2, s5;
	s13 =	sor.u32 $0x1C01, s13;
	s9 =	smul.u32 $0x500, s7  }
0x9: {  	s10 =	sshrl.u32 s5, $0x1;
	s8 =	sadd.s32 s6, s8;
	s11 =	smul.u32 $0xFFFFFFB0, s7  }
0xa: {  	s31 =	ssub.s32 s5, s10;
	s10 =	simm.s32 $0x1;
	s8 =	sshrl.u32 s8, $0x3  }
0xb: {  	s7 =	smax.u32 s31, $0x1;
	s30 =	sadd.s32 s9, s4;
	s8 =	sadd.s32 s8, s4  }
0xc: {  	s4 =	sadd.s32 s6, s2;
	p0 =	slt.s32 s11, $0xFFFFF68C;
	s9 =	simm.s32 $0x2B00  }
0xd: {  	s5 =	sadd.s32 $0x3200, s30;
	s11 =	simm.s32 @!p0 $0xFFFFF68C;
	s6 =	sadd.s32 $0x17200, s8  }
0xe: {  	v0 =	vimm.f32 $1.000000000e+00;
	v1 =	vimm.f32 $0.0e+00;
	s14 =	sshrl.u32 s4, $0x3;
	s8 =	sadd.s32 $0x9C3, s11;
	s11 =	simm.s32 $0x80  }
.LBB2_1:
0xf: {  	[tilespmem:$0x2A80] =	vst v0  }
0x10: {  	[tilespmem:$0x2A90] =	vst v0  }
0x11: {  	[tilespmem:$0x2AA0] =	vst v0  }
0x12: {  	[tilespmem:$0x2AB0] =	vst v0  }
0x13: {  	[tilespmem:$0x2AC0] =	vst v0  }
0x14: {  	[tilespmem:$0x2AD0] =	vst v0  }
0x15: {  	[tilespmem:$0x2AE0] =	vst v0  }
0x16: {  	[tilespmem:$0x2AF0] =	vst v0  }
0x17: {  	[tilespmem:$0x2B00] =	vst v1  }
0x18: {  	[tilespmem:$0x2B10] =	vst v1  }
0x19: {  	[tilespmem:$0x2B20] =	vst v1  }
0x1a: {  	[tilespmem:$0x2B30] =	vst v1  }
0x1b: {  	[tilespmem:$0x2B40] =	vst v1  }
0x1c: {  	[tilespmem:$0x2B50] =	vst v1  }
0x1d: {  	[tilespmem:$0x2B60] =	vst v1  }
0x1e: {  	[tilespmem:$0x2B70] =	vst v1  }
0x1f: {  	[tilespmem:$0x2B80] =	vst v1  }
0x20: {  	[tilespmem:$0x2B90] =	vst v1  }
0x21: {  	[tilespmem:$0x2BA0] =	vst v1  }
0x22: {  	[tilespmem:$0x2BB0] =	vst v1  }
0x23: {  	[tilespmem:$0x2BC0] =	vst v1  }
0x24: {  	[tilespmem:$0x2BD0] =	vst v1  }
0x25: {  	[tilespmem:$0x2BE0] =	vst v1  }
0x26: {  	[tilespmem:$0x2BF0] =	vst v1  }
0x27: {  	[tilespmem:$0x2C00] =	vst v1  }
0x28: {  	[tilespmem:$0x2C10] =	vst v1  }
0x29: {  	[tilespmem:$0x2C20] =	vst v1  }
0x2a: {  	[tilespmem:$0x2C30] =	vst v1  }
0x2b: {  	[tilespmem:$0x2C40] =	vst v1  }
0x2c: {  	[tilespmem:$0x2C50] =	vst v1  }
0x2d: {  	[tilespmem:$0x2C60] =	vst v1  }
0x2e: {  	[tilespmem:$0x2C70] =	vst v1  }
0x2f: {  	[tilespmem:$0x2C80] =	vst v1  }
0x30: {  	[tilespmem:$0x2C90] =	vst v1  }
0x31: {  	[tilespmem:$0x2CA0] =	vst v1  }
0x32: {  	[tilespmem:$0x2CB0] =	vst v1  }
0x33: {  	[tilespmem:$0x2CC0] =	vst v1  }
0x34: {  	[tilespmem:$0x2CD0] =	vst v1  }
0x35: {  	[tilespmem:$0x2CE0] =	vst v1  }
0x36: {  	[tilespmem:$0x2CF0] =	vst v1  }
0x37: {  	[tilespmem:$0x2D00] =	vst v1  }
0x38: {  	[tilespmem:$0x2D10] =	vst v1  }
0x39: {  	[tilespmem:$0x2D20] =	vst v1  }
0x3a: {  	[tilespmem:$0x2D30] =	vst v1  }
0x3b: {  	[tilespmem:$0x2D40] =	vst v1  }
0x3c: {  	[tilespmem:$0x2D50] =	vst v1  }
0x3d: {  	[tilespmem:$0x2D60] =	vst v1  }
0x3e: {  	[tilespmem:$0x2D70] =	vst v1  }
0x3f: {  	[spmem:s4] =	stream.linear.scatter [tilespmem:s9], [sflag:$0x1], $0x280, $0x38;
	[tilespmem:$0x2D80] =	vst v63  }
0x40: {  	_ =	swait.ge [sflag:s10], $0x280  }
0x41: {  	[sflag:s10] =	ssyncset.done $0x0  }
0x42: {  	s16 =	simm.s32 $0x280;
	[sflag:s10] =	ssyncadd.s32 $0xFFFFFD80  }
0x43: {  	[tilespmem:s16], [sflag:$0x1] =	stream.linear.gather [hbm4b:s5+s3], $0x2800, $0x38;
	[tilespmem:$0x2D80] =	vst v63  }
0x44: {  	_ =	swait.ge [sflag:s10], $0x2800  }
0x45: {  	p0 =	sgt.u32 s8, $0x0;
	[sflag:s10] =	ssyncset.done $0x0  }
.Ltmp0:
0x46: {  	[sflag:s10] =	ssyncadd.s32 $0xFFFFD800;
	(pc) =	sbr.rel @!p0 .LBB2_3-.Ltmp0, $4  }
0x47: {  	[bflag:$0x0] =	sbarrier.arrive $0xFFFF  }
0x48: {  	[spmem:s2] =	stream.indirect.scatter.add.f32 [tilespmem:s12], [sflag:$0x1], $0x1, s16, s11, $0xb8;
	[tilespmem:$0x2D80] =	vst v63  }
0x49: {  	_ =	swait.ge [sflag:s10], $0x80  }
0x4a: {  	s17 =	simm.s32 $0x0;
	[sflag:s10] =	ssyncset.done $0x0  }
.LBB2_2:
0x4b: {  	s17 =	sadd.s32 $0x1, s17  }
0x4c: {  	[sflag:s10] =	ssyncadd.s32 $0xFFFFFF80;
	s16 =	sadd.s32 $0x80, s16;
	p0 =	slt.u32 s17, s8  }
.Ltmp1:
0x4d: {  	(pc) =	sbr.rel @p0 .LBB2_2-.Ltmp1, $4  }
0x4e: {  	_ = 	snop  }
0x4f: {  	[spmem:s2] =	stream.indirect.scatter.add.f32 [tilespmem:s12], [sflag:$0x1], $0x1, s16, s11, $0xb8;
	[tilespmem:$0x2D80] =	vst v63  }
0x50: {  	_ =	swait.ge [sflag:s10], $0x80  }
0x51: {  	[sflag:s10] =	ssyncset.done $0x0  }
.LBB2_3:
0x52: {  	s15 =	sadd.s32 $0x1, s15  }
0x53: {  	[sflag:s10] =	ssyncadd.s32 $0xFFFFFF80;
	p0 =	sne.s32 s15, s7  }
.Ltmp2:
0x54: {  	[bflag:$0x0] =	sbarrier.arrive $0xFFFF;
	(pc) =	sbr.rel @p0 .LBB2_1-.Ltmp2, $4  }
0x55: {  	[hbm:s6], [sflag:s13] =	dma.local [spmem:s14], $0x50  }
0x56: {  	_ =	swait.ge [sflag:s10], $0x50  }
0x57: {  	[sflag:s10] =	ssyncset.done $0x0  }
0x58: {  	[sflag:s10] =	ssyncadd.s32 $0xFFFFFFB0  }
0x59: {  	_ =	sfence.sel $0x180000  }
0x5a: {  	[bflag:$0x0] =	sbarrier.arrive $0xFFFF  }
0x5b: {  	p0 =	sne.s32 s1, $0x0;
	_ =	strace $0x90000047  }
0x5c: {  	s0 =	sadd.s32 @!p0 $0x100000, s0;
	[bflag:$0x2] =	sbarrier.arrive $0xFFFF  }
0x5d: {  	[sflag:s0] =	ssyncadd.tile.s32 @!p0 $0x1;
	_ =	shalt  }
.Lfunc_end2:
_tile_overlayer_lowered:
.L_overlay_start_2:
0x5e: {  	(tag) =	ssettag $0x2  }
0x5f: {  	s0 =	rddreg [dreg:$0x0];
	s2 =	stileid.u32  }
0x60: {  	s1 =	rddreg [dreg:$0x1];
	p0 =	sne.s32 s2, $0x0  }
0x61: {  	s3 =	rddreg [dreg:$0x2];
	[bflag:$0x3] =	sbarrier.arrive $0xFFFF;
	s2 =	simm.s32 @!p0 $0x1C01  }
0x62: {  	[timem:s3], [sflag:s2] =	dma.local @!p0 [hbm:s0], s1  }
0x63: {  	s0 =	simm.s32 @!p0 $0x1  }
0x64: {  	_ =	swait.ge @!p0 [sflag:s0], s1  }
0x65: {  	s1 =	ssub.s32 @!p0 $0x0, s1;
	[sflag:s0] =	ssyncset.done @!p0 $0x0  }
0x66: {  	[sflag:s0] =	ssyncadd.s32 @!p0 s1  }
0x67: {  	[bflag:$0x3] =	sbarrier.arrive $0xFFFF  }
0x68: {  	_ =	shalt  }

// kernel: kernel.13.cloned.1.call-start
scs
__scs_entry_jumppad:
0x0: {  	(pc) =	sbr.rel $0x88, $3  }
0x1: {  	(tag) =	ssettag $0x0;
	lr =	simm.s32 $0x1  }
0x2: {  	[smem:$0x3F98] =	sst lr;
	_ =	strace $0xD0000000  }
0x3: {  	_ = 	snop  }
0x4: {  	_ = 	snop  }
0x5: {  	_ = 	snop  }
0x6: {  	_ = 	snop  }
0x7: {  	_ = 	snop  }
__scs_overlays_trampoline_lowered:
0x8: {  	[smem:$0x3FA7] =	sst s0  }
0x9: {  	[smem:$0x3FA8] =	sst s1  }
0xa: {  	[smem:$0x3FA9] =	sst s2  }
0xb: {  	[smem:$0x3FAA] =	sst s3  }
0xc: {  	[smem:$0x3FAB] =	sst s4  }
0xd: {  	[smem:$0x3FAC] =	sst s5  }
0xe: {  	[smem:$0x3FAD] =	sst s6  }
0xf: {  	[smem:$0x3FAE] =	sst s7  }
0x10: {  	[smem:$0x3FAF] =	sst s8  }
0x11: {  	[smem:$0x3FB0] =	sst s9;
	s0 =	simm.s32 @!p0 $0x0  }
0x12: {  	s1 =	sld [smem:$0x3F96];
	s0 =	simm.s32 @p0 $0x1  }
0x13: {  	[smem:$0x3FB1] =	sst s0;
	s0 =	simm.s32 @!p1 $0x0  }
0x14: {  	s2 =	sld [smem:$0x3F95];
	s0 =	simm.s32 @p1 $0x1  }
0x15: {  	[smem:$0x3FB2] =	sst s0;
	s0 =	simm.s32 @!p2 $0x0  }
0x16: {  	s3 =	sld [smem:$0x3FDB];
	s0 =	simm.s32 @p2 $0x1  }
0x17: {  	s4 =	simm.s32 $0x1BF5;
	[smem:$0x3FB4] =	sst s0  }
0x18: {  	s0 =	sld [smem:$0x3F97];
	_ =	swait.ge [sflag:s4], $0x0  }
0x19: {  	s7 =	sld [smem:$0x3F98]  }
0x1a: {  	s8 =	sadd.s32 $0xFFFFE003, lr  }
0x1b: {  	s9 =	sadd.s32 $0xFFFFFEF7, lr;
	s5 =	simm.s32 $0xFFFFFFFF;
	p2 =	slt.u32 s8, $0xFFFFF086  }
0x1c: {  	p1 =	slt.u32 s9, $0xF7A;
	s5 =	simm.s32 @!p2 $0x0  }
0x1d: {  	s5 =	simm.s32 @p1 $0x1;
	p0 =	seq.s32 s7, s2  }
0x1e: {  	s7 =	smul.u32 @!p0 $0xF7A, s2;
	p2 =	seq.s32 @!p0 s5, $0x0  }
0x1f: {  	s9 =	smul.u32 $0xF7A, s1;
	s8 =	simm.s32 @!p0 $0x1BF5;
	p2 =	por !p2, p0  }
0x20: {  	[sflag:s8] =	ssyncset.s32 @!p0 $0xFFFFF086;
	s6 =	sadd.s32 @!p0 s3, s7;
	s7 =	simm.s32 @!p0 $0x108  }
0x21: {  	s3 =	sadd.s32 s3, s9;
	s6 =	sadd.s32 @!p0 $0x88, s6;
	s7 =	simm.s32 @p2 $0x1082  }
0x22: {  	[simem:s7], [sflag:s8] =	dma.local @!p0 [hbm:s6], $0xF7A  }
0x23: {  	s9 =	sor.u32 $0xD0000000, s2;
	s6 =	simm.s32 $0x108;
	_ =	swait.ge @!p0 [sflag:s8], $0x0  }
0x24: {  	s3 =	sadd.s32 $0x88, s3;
	s6 =	simm.s32 @!p1 $0x1082;
	[sflag:s4] =	ssyncset.s32 $0xFFFFF086  }
0x25: {  	[simem:s6], [sflag:s4] =	dma.local [hbm:s3], $0xF7A  }
0x26: {  	[smem:$0x3F98] =	sst s1;
	(tag) =	ssettag s2;
	_ =	strace s9  }
0x27: {  	s1 =	sld [smem:$0x3FA8]  }
0x28: {  	s2 =	sld [smem:$0x3FA9]  }
0x29: {  	s4 =	sld [smem:$0x3FAB]  }
0x2a: {  	p0 =	seq.s32 s5, $0x0;
	s5 =	sld [smem:$0x3FAC]  }
0x2b: {  	s6 =	sld [smem:$0x3FAD]  }
0x2c: {  	s7 =	sld [smem:$0x3FAE]  }
0x2d: {  	s3 =	simm.s32 $0x108;
	s8 =	sld [smem:$0x3FAF]  }
0x2e: {  	s3 =	simm.s32 @!p0 $0x1082;
	s9 =	sld [smem:$0x3FB0]  }
0x2f: {  	lr =	sadd.s32 s0, s3;
	s0 =	sld [smem:$0x3FA7]  }
0x30: {  	s3 =	sld [smem:$0x3FAA]  }
0x31: {  	[smem:$0x3FB3] =	sst s10  }
0x32: {  	s10 =	sld [smem:$0x3FB1];
	_ =	sdelay $0x3  }
0x33: {  	p0 =	seq.s32 s10, $0x1;
	s10 =	sld [smem:$0x3FB3];
	_ =	sdelay $0x3  }
0x34: {  	[smem:$0x3FB3] =	sst s10  }
0x35: {  	s10 =	sld [smem:$0x3FB2];
	_ =	sdelay $0x3  }
0x36: {  	p1 =	seq.s32 s10, $0x1;
	s10 =	sld [smem:$0x3FB3];
	_ =	sdelay $0x3  }
0x37: {  	[smem:$0x3FB3] =	sst s10  }
0x38: {  	s10 =	sld [smem:$0x3FB4]  }
0x39: {  	_ = 	snop;
	(pc) =	sbr.ind lr, $3  }
0x3a: {  	_ = 	snop  }
0x3b: {  	_ = 	snop  }
0x3c: {  	p2 =	seq.s32 s10, $0x1;
	s10 =	sld [smem:$0x3FB3]  }
0x3d: {  	_ =	shalt  }
0x3e: {  	_ =	shalt  }
0x3f: {  	_ =	shalt  }
0x40: {  	_ =	shalt  }
0x41: {  	_ =	shalt  }
0x42: {  	_ =	shalt  }
0x43: {  	_ =	shalt  }
0x44: {  	_ =	shalt  }
0x45: {  	_ =	shalt  }
0x46: {  	_ =	shalt  }
0x47: {  	_ =	shalt  }
0x48: {  	_ =	shalt  }
0x49: {  	_ =	shalt  }
0x4a: {  	_ =	shalt  }
0x4b: {  	_ =	shalt  }
0x4c: {  	_ =	shalt  }
0x4d: {  	_ =	shalt  }
0x4e: {  	_ =	shalt  }
0x4f: {  	_ =	shalt  }
0x50: {  	_ =	shalt  }
0x51: {  	_ =	shalt  }
0x52: {  	_ =	shalt  }
0x53: {  	_ =	shalt  }
0x54: {  	_ =	shalt  }
0x55: {  	_ =	shalt  }
0x56: {  	_ =	shalt  }
0x57: {  	_ =	shalt  }
0x58: {  	_ =	shalt  }
0x59: {  	_ =	shalt  }
0x5a: {  	_ =	shalt  }
0x5b: {  	_ =	shalt  }
0x5c: {  	_ =	shalt  }
0x5d: {  	_ =	shalt  }
0x5e: {  	_ =	shalt  }
0x5f: {  	_ =	shalt  }
0x60: {  	_ =	shalt  }
0x61: {  	_ =	shalt  }
0x62: {  	_ =	shalt  }
0x63: {  	_ =	shalt  }
0x64: {  	_ =	shalt  }
0x65: {  	_ =	shalt  }
0x66: {  	_ =	shalt  }
0x67: {  	_ =	shalt  }
0x68: {  	_ =	shalt  }
0x69: {  	_ =	shalt  }
0x6a: {  	_ =	shalt  }
0x6b: {  	_ =	shalt  }
0x6c: {  	_ =	shalt  }
0x6d: {  	_ =	shalt  }
0x6e: {  	_ =	shalt  }
0x6f: {  	_ =	shalt  }
0x70: {  	_ =	shalt  }
0x71: {  	_ =	shalt  }
0x72: {  	_ =	shalt  }
0x73: {  	_ =	shalt  }
0x74: {  	_ =	shalt  }
0x75: {  	_ =	shalt  }
0x76: {  	_ =	shalt  }
0x77: {  	_ =	shalt  }
0x78: {  	_ =	shalt  }
0x79: {  	_ =	shalt  }
0x7a: {  	_ =	shalt  }
0x7b: {  	_ =	shalt  }
0x7c: {  	_ =	shalt  }
0x7d: {  	_ =	shalt  }
0x7e: {  	_ =	shalt  }
0x7f: {  	_ =	shalt  }
0x80: {  	_ =	shalt  }
0x81: {  	_ =	shalt  }
0x82: {  	_ =	shalt  }
0x83: {  	_ =	shalt  }
0x84: {  	_ =	shalt  }
0x85: {  	_ =	shalt  }
0x86: {  	_ =	shalt  }
0x87: {  	_ =	shalt  }
.Lfunc_end0:
.L_simem_size_0:
called_computation.1_lowered:
.L_overlay_start_0:
0x88: {  	s2 =	sld [smem:$0x3FD9]  }
0x89: {  	s3 =	sld [smem:$0x3FFE];
	_ =	sdelay $0x1  }
0x8a: {  	s1 =	srdreg.scid  }
0x8b: {  	s0 =	sand.u32 $0x1, s1  }
0x8c: {  	s16 =	sshll.u32 s0, $0xA;
	s2 =	sadd.s32 s3, s2  }
0x8d: {  	s2 =	sadd.s32 s2, s16  }
0x8e: {  	[smem:$0x3FBF] =	sst s2  }
0x8f: {  	_ = 	snop  }
0x90: {  	(tm) =	ssettm $0x1  }
0x91: {  	s17 =	sld [smem:$0x3FFB];
	_ =	sdelay $0x3  }
0x92: {  	_ =	strace s17  }
0x93: {  	s2 =	sld [smem:$0x3FFC];
	_ =	sdelay $0x3  }
0x94: {  	_ =	strace s2  }
0x95: {  	s2 =	sld [smem:$0x3FFD];
	_ =	sdelay $0x3  }
0x96: {  	_ =	strace s2  }
0x97: {  	_ =	strace $0x8FFFFFFF  }
0x98: {  	s18 =	sld [smem:$0x3FDB];
	_ =	sdelay $0x1  }
0x99: {  	s19 =	simm.s32 $_scs_section_size  }
0x9a: {  	s4 =	simm.s32 $_size__tile_overlayer_lowered;
	s5 =	simm.s32 $_tile_overlayer_lowered  }
0x9b: {  	s22 =	simm.s32 $0x1BFF;
	s21 =	sshll.u32 s5, $0x1;
	s2 =	sadd.s32 s19, s18  }
0x9c: {  	s6 =	simm.s32 $0x0;
	s20 =	sshll.u32 s4, $0x1;
	s4 =	sadd.s32 s21, s2  }
0x9d: {  	[timem:s6], [sflag:s22] =	dma.local [hbm:s4], s20  }
0x9e: {  	_ =	swait.ge [sflag:s22], s20  }
0x9f: {  	s3 =	ssub.s32 $0x0, s20;
	[sflag:s22] =	ssyncset.done $0x0  }
0xa0: {  	[sflag:s22] =	ssyncadd.s32 s3;
	_ =	sdelay $0x1  }
0xa1: {  	s23 =	simm.s32 $0x1B8B  }
0xa2: {  	_ =	swait.ge [sflag:s23], $0x1  }
0xa3: {  	[sflag:s23] =	ssyncset.done $0x0  }
0xa4: {  	s25 =	simm.s32 $0x1B8E;
	s24 =	sld [smem:$0x3FFE];
	[sflag:s23] =	ssyncadd.s32 $0xFFFFFFFF  }
0xa5: {  	s26 =	simm.s32 $execute0_lowered;
	[smem:$0x3FD2] =	sst s25  }
0xa6: {  	s4 =	sshll.u32 s26, $0x1;
	_ =	strace $0x80000049;
	[dreg:$0x1] =	wrdreg $0xFFFFFFFF  }
0xa7: {  	s28 =	simm.s32 $_size_execute0_lowered;
	s2 =	sadd.s32 s2, s4;
	[dreg:$0x0] =	wrdreg $0x0  }
0xa8: {  	s4 =	sshll.u32 s28, $0x1;
	[dreg:$0x2] =	wrdreg s2  }
0xa9: {  	[dreg:$0x3] =	wrdreg s4  }
0xaa: {  	[dreg:$0x4] =	wrdreg $0xC0  }
0xab: {  	_ =	task [dreg:s6], $0x5FFFF  }
0xac: {  	[dreg:$0x1] =	wrdreg $0xFFFFFFFF  }
0xad: {  	[dreg:$0x0] =	wrdreg $0x60  }
0xae: {  	[dreg:$0x2] =	wrdreg s24  }
0xaf: {  	[dreg:$0x3] =	wrdreg $0x0  }
0xb0: {  	[dreg:$0x4] =	wrdreg $0x9  }
0xb1: {  	_ =	task.clear_ibuf [dreg:s6], $0x5FFFF;
	_ =	strace $0x90000049  }
0xb2: {  	s29 =	simm.s32 $0x9;
	_ =	strace $0x8000004B  }
0xb3: {  	_ =	swait.ge [sflag:s29], $0x1  }
0xb4: {  	[sflag:s29] =	ssyncadd.s32 $0xFFFFFFFF  }
0xb5: {  	_ =	strace $0x9000004B  }
0xb6: {  	_ =	sfence  }
0xb7: {  	s30 =	sld [smem:$0x0];
	_ =	sdelay $0x2  }
0xb8: {  	s31 =	sshll.u32 s1, $0xD;
	s1 =	sshrl.u32 s1, $0x2  }
0xb9: {  	s3 =	sand.u32 $0x4000, s31;
	s1 =	sadd.s32 s1, s30  }
0xba: {  	s0 =	sor.u32 s3, s0;
	s1 =	sshll.u32 s1, $0x11  }
0xbb: {  	s0 =	sor.u32 s1, s0  }
0xbc: {  	s0 =	sadd.s32 $0x8F2B, s0  }
0xbd: {  	[sflag:s0] =	ssyncadd.remote.s32 $0x1  }
0xbe: {  	_ =	sfence.sel $0xFFFF  }
0xbf: {  	[dreg:$0x0] =	wrdreg $0xFFFFFFFF;
	(pc) =	sbr.abs _section_cstart, $3  }
0xc0: {  	[dreg:$0x1] =	wrdreg $0xFFFFFFFF  }
0xc1: {  	_ =	task.clear_ibuf [dreg:s6], $0x2FFFF;
	_ =	strace $0x9FFFFFFF  }
0xc2: {  	(tm) =	ssettm $0x7FFFFFFF  }
0xc3: {  	_ =	shalt  }
tec
execute0_lowered:
.L_overlay_start_1:
0x0: {  	(tag) =	ssettag $0x1  }
0x1: {  	s0 =	srdreg.scid  }
0x2: {  	s9 =	stileid.u32;
	s5 =	rddreg [dreg:$0x0];
	s28 =	simm.s32 $0x1  }
0x3: {  	s29 =	simm.s32 $0x2;
	s0 =	sand.u32 $0x1, s0;
	s21 =	smul.u32 $0xFFFFFFB0, s9  }
0x4: {  	s6 =	smul.u32 $0x2800, s9;
	s4 =	sadd.s32 $0x17200, s5;
	s15 =	sadd.s32 $0xD200, s5  }
0x5: {  	s16 =	sadd.s32 $0x3200, s5;
	s2 =	sshll.u32 s0, $0x4;
	s3 =	smul.u32 $0xFFFFFB00, s0  }
0x6: {  	s7 =	smul.u32 $0x28000, s0;
	s0 =	ssub.s32 $0x2, s0;
	s11 =	sor.u32 s9, s2  }
0x7: {  	s2 =	rddreg [dreg:$0x1];
	s9 =	smul.u32 $0x50000, s9;
	s22 =	sshrl.u32 s0, $0x1  }
0x8: {  	s10 =	smul.u32 $0xFFFFFFB0, s11;
	s19 =	sadd.s32 s21, s3;
	s3 =	simm.s32 $0x0  }
0x9: {  	s6 =	sadd.s32 s6, s7;
	s0 =	ssub.s32 s0, s22;
	s13 =	smul.u32 $0x500, s11  }
0xa: {  	s14 =	smul.u32 $0x2800, s11;
	s22 =	simm.s32 $0x16800;
	s18 =	smov.u32 s19  }
0xb: {  	p1 =	sgt.s32 s19, $0xFFFFF664;
	[smem:$0x7FF] =	sst s3;
	s9 =	sshrl.u32 s9, $0x2  }
0xc: {  	s20 =	sadd.s32 s6, s5;
	p0 =	slt.s32 s10, $0xFFFFF68C;
	_ =	strace $0x8000004A  }
0xd: {  	s5 =	sadd.s32 s9, s2;
	s21 =	sshrl.u32 s14, $0x3;
	s10 =	simm.s32 @!p0 $0xFFFFF68C  }
0xe: {  	p0 =	slt.s32 s19, $0xFFFFF664;
	s19 =	simm.s32 @!p1 $0xFFFFF664;
	s6 =	sadd.s32 $0x4000, s5  }
0xf: {  	s7 =	sadd.s32 $0x8000, s5;
	s9 =	sadd.s32 $0xC000, s5;
	s11 =	sadd.s32 $0x10000, s5  }
0x10: {  	s21 =	sadd.s32 $0x280, s21;
	s12 =	smin.u32 s10, $0xFFFFF664;
	s23 =	smax.u32 s10, $0xFFFFF664  }
0x11: {  	s24 =	sadd.s32 s16, s21;
	s18 =	simm.s32 @!p0 $0xFFFFF664;
	p0 =	slt.s32 s19, $0xFFFFF68C  }
0x12: {  	s17 =	sadd.s32 $0x9C4, s12;
	s12 =	sadd.s32 s15, s13;
	s13 =	sadd.s32 s16, s13  }
0x13: {  	s15 =	sadd.s32 s15, s21;
	[dreg:$0x4] =	wrdreg s24;
	s16 =	stileid.u32  }
0x14: {  	s25 =	sadd.s32 $0x9C4, s18;
	s19 =	simm.s32 @!p0 $0xFFFFF68C;
	s18 =	sadd.s32 $0x3E400, s20  }
0x15: {  	s24 =	simm.s32 $0x14000;
	p0 =	slt.u32 s10, $0xFFFFF665;
	s17 =	sshrl.u32 s17, $0x1  }
.Ltmp0:
0x16: {  	[dreg:$0x3] =	wrdreg s15;
	s26 =	sshrl.u32 s25, $0x1;
	(pc) =	sbr.rel .LBB2_1-.Ltmp0, $4  }
0x17: {  	s30 =	sadd.s32 $0x99C, s19;
	s19 =	smax.u32 s0, $0x1;
	s25 =	simm.s32 $0x80  }
0x18: {  	s14 =	sadd.s32 $0xFFFFFFFF, s17;
	s17 =	sadd.s32 $0x99C, s23;
	s20 =	sadd.s32 $0xFFFFFFFF, s26  }
0x19: {  	s31 =	sshrl.u32 s30, $0x1;
	s23 =	simm.s32 $0x3;
	s17 =	sshrl.u32 s17, $0x1  }
0x1a: {  	v0 =	vimm.f32 $0.0e+00;
	s26 =	simm.s32 $0x1A800;
	s21 =	smax.u32 s31, $0x1;
	s17 =	sadd.s32 $0xFFFFFFFF, s17  }
.LBB2_10:
0x1b: {  	s0 =	simm.s32 $0x1;
	s16 =	stileid.u32  }
.LBB2_13:
0x1c: {  	s15 =	sadd.s32 $0xFFFFFF80, s10;
	[sflag:s23] =	ssyncadd.s32 @p1 $0xFFFFC000  }
0x1d: {  	[tilespmem:s26], [sflag:$0x2] =	stream.indirect.gather [hbm4b:s4+s25], $0x80, s15, s25, $0xb8;
	[tilespmem:$0x1E800] =	vst v63  }
0x1e: {  	_ =	swait.ge [sflag:s28], $0x4000  }
0x1f: {  	[sflag:s28] =	ssyncset.done $0x0  }
0x20: {  	[sflag:s28] =	ssyncadd.s32 $0xFFFFC000  }
0x21: {  	[spmem:s2] =	stream.indirect.scatter.add.f32 [tilespmem:s22], [sflag:$0x3], $0x80, s30, s25, $0xb8;
	[tilespmem:$0x1E800] =	vst v63  }
0x22: {  	_ =	swait.ge [sflag:s23], $0x4000  }
0x23: {  	p1 =	sge.s32 s0, s17;
	[sflag:s23] =	ssyncset.done $0x0  }
0x24: {  	s0 =	simm.s32 @!p1 $0x80;
	s15 =	simm.s32 @!p1 $0x16800;
	[sflag:s23] =	ssyncadd.s32 $0xFFFFC000  }
0x25: {  	[tilespmem:s15], [sflag:$0x1] =	stream.indirect.gather @!p1 [hbm4b:s4+s0], $0x80, s10, s0, $0xb8;
	[tilespmem:$0x1E800] =	vst v63  }
0x26: {  	_ =	swait.ge [sflag:s29], $0x4000  }
0x27: {  	[sflag:s29] =	ssyncset.done $0x0  }
0x28: {  	s31 =	sadd.s32 $0x80, s30;
	[sflag:s29] =	ssyncadd.s32 $0xFFFFC000  }
0x29: {  	[spmem:s2] =	stream.indirect.scatter.add.f32 [tilespmem:s26], [sflag:$0x3], $0x80, s31, s25, $0xb8;
	[tilespmem:$0x1E800] =	vst v63  }
0x2a: {  	_ =	swait.ge [sflag:s23], $0x4000  }
0x2b: {  	[sflag:s23] =	ssyncset.done $0x0  }
0x2c: {  	[sflag:s23] =	ssyncadd.s32 $0xFFFFC000  }
.LBB2_14:
0x2d: {  	s3 =	sadd.s32 $0x1, s3  }
0x2e: {  	s0 =	sshll.u32 s16, $0x6;
	[bflag:$0x0] =	sbarrier.arrive $0xFFFF;
	p1 =	sne.s32 s3, s19  }
.Ltmp1:
0x2f: {  	s10 =	sshrl.u32 s5, $0x3;
	s0 =	sor.u32 $0x1C03, s0;
	(pc) =	sbr.rel @!p1 .LBB2_15-.Ltmp1, $4  }
0x30: {  	[hbm:s18], [sflag:s0] =	dma.local [spmem:s10], $0x2800  }
0x31: {  	_ =	swait.ge [sflag:s23], $0x2800  }
0x32: {  	[sflag:s23] =	ssyncset.done $0x0  }
0x33: {  	[sflag:s23] =	ssyncadd.s32 $0xFFFFD800  }
.LBB2_1:
0x34: {  	s0 =	simm.s32 $0x0;
	s10 =	simm.s32 $0x200  }
.LBB2_2:
0x35: {  	p1 =	sne.s32 s10, $0xFE00;
	[tilespmem:s0+$0x16870] =	vst v0  }
0x36: {  	[tilespmem:s0+$0x16800] =	vst v0  }
0x37: {  	[tilespmem:s0+$0x16810] =	vst v0  }
.Ltmp2:
0x38: {  	[tilespmem:s0+$0x16820] =	vst v0;
	(pc) =	sbr.rel @p1 .LBB2_2-.Ltmp2, $4  }
0x39: {  	[tilespmem:s0+$0x16830] =	vst v0  }
0x3a: {  	[tilespmem:s0+$0x16840] =	vst v0  }
0x3b: {  	[tilespmem:s0+$0x16850] =	vst v0  }
0x3c: {  	[tilespmem:s0+$0x16860] =	vst v0;
	s0 =	sshra.s32 s10, $0x2;
	s10 =	sadd.s32 $0x200, s10  }
0x3d: {  	[tilespmem:s0+$0x16870] =	vst v0  }
0x3e: {  	[tilespmem:s0+$0x16800] =	vst v0  }
0x3f: {  	[tilespmem:s0+$0x16810] =	vst v0  }
0x40: {  	[tilespmem:s0+$0x16820] =	vst v0  }
0x41: {  	[tilespmem:s0+$0x16830] =	vst v0  }
0x42: {  	[tilespmem:s0+$0x16840] =	vst v0  }
0x43: {  	[tilespmem:s0+$0x16850] =	vst v0  }
0x44: {  	[tilespmem:s0+$0x16860] =	vst v0  }
0x45: {  	[spmem:s5] =	stream.linear.scatter [tilespmem:s22], [sflag:$0x3], $0x4000, $0x38;
	[tilespmem:$0x1E800] =	vst v63  }
0x46: {  	_ =	swait.ge [sflag:s23], $0x4000  }
0x47: {  	[sflag:s23] =	ssyncset.done $0x0  }
0x48: {  	[sflag:s23] =	ssyncadd.s32 $0xFFFFC000  }
0x49: {  	[spmem:s6] =	stream.linear.scatter [tilespmem:s22], [sflag:$0x3], $0x4000, $0x38;
	[tilespmem:$0x1E800] =	vst v63  }
0x4a: {  	_ =	swait.ge [sflag:s23], $0x4000  }
0x4b: {  	[sflag:s23] =	ssyncset.done $0x0  }
0x4c: {  	[sflag:s23] =	ssyncadd.s32 $0xFFFFC000  }
0x4d: {  	[spmem:s7] =	stream.linear.scatter [tilespmem:s22], [sflag:$0x3], $0x4000, $0x38;
	[tilespmem:$0x1E800] =	vst v63  }
0x4e: {  	_ =	swait.ge [sflag:s23], $0x4000  }
0x4f: {  	[sflag:s23] =	ssyncset.done $0x0  }
0x50: {  	[sflag:s23] =	ssyncadd.s32 $0xFFFFC000  }
0x51: {  	[spmem:s9] =	stream.linear.scatter [tilespmem:s22], [sflag:$0x3], $0x4000, $0x38;
	[tilespmem:$0x1E800] =	vst v63  }
0x52: {  	_ =	swait.ge [sflag:s23], $0x4000  }
0x53: {  	[sflag:s23] =	ssyncset.done $0x0  }
0x54: {  	[sflag:s23] =	ssyncadd.s32 $0xFFFFC000  }
0x55: {  	[spmem:s11] =	stream.linear.scatter [tilespmem:s22], [sflag:$0x3], $0x4000, $0x38;
	[tilespmem:$0x1E800] =	vst v63  }
0x56: {  	_ =	swait.ge [sflag:s23], $0x4000  }
0x57: {  	[sflag:s23] =	ssyncset.done $0x0  }
0x58: {  	[sflag:s23] =	ssyncadd.s32 $0xFFFFC000  }
0x59: {  	s15 =	simm.s32 $0x0;
	[bflag:$0x0] =	sbarrier.arrive $0xFFFF  }
0x5a: {  	[tilespmem:s24], [sflag:$0x3] =	stream.linear.gather [hbm4b:s12+s15], $0x1400, $0x38;
	[tilespmem:$0x1E800] =	vst v63  }
0x5b: {  	_ =	swait.ge [sflag:s23], $0x1400  }
0x5c: {  	[sflag:s23] =	ssyncset.done $0x0  }
0x5d: {  	s10 =	simm.s32 $0x15400;
	p2 =	sne.s32 s20, $0x1;
	[sflag:s23] =	ssyncadd.s32 $0xFFFFEC00  }
0x5e: {  	[tilespmem:s10], [sflag:$0x3] =	stream.linear.gather [hbm4b:s13+s15], $0x1400, $0x38;
	[tilespmem:$0x1E800] =	vst v63  }
.Ltmp3:
0x5f: {  	_ = 	snop;
	(pc) =	sbr.rel @!p2 .LBB2_7-.Ltmp3, $4  }
0x60: {  	_ =	swait.ge [sflag:s23], $0x1400  }
0x61: {  	s30 =	simm.s32 $0x14100;
	[sflag:s23] =	ssyncset.done $0x0  }
0x62: {  	s31 =	simm.s32 $0x1;
	p1 =	por $0x0, $0x0;
	[sflag:s23] =	ssyncadd.s32 $0xFFFFEC00  }
0x63: {  	[tilespmem:s22], [sflag:$0x1] =	stream.indirect.gather [hbm4b:s4+s25], $0x80, s24, s25, $0xb8;
	[tilespmem:$0x1E800] =	vst v63  }
0x64: {  	s0 =	simm.s32 $0x14080  }
0x65: {  	[tilespmem:s26], [sflag:$0x2] =	stream.indirect.gather [hbm4b:s4+s25], $0x80, s0, s25, $0xb8;
	[tilespmem:$0x1E800] =	vst v63  }
0x66: {  	_ =	swait.ge [sflag:s28], $0x4000  }
0x67: {  	[sflag:s28] =	ssyncset.done $0x0  }
0x68: {  	[sflag:s28] =	ssyncadd.s32 $0xFFFFC000  }
0x69: {  	[spmem:s2] =	stream.indirect.scatter.add.f32 [tilespmem:s22], [sflag:$0x3], $0x80, s10, s25, $0xb8;
	[tilespmem:$0x1E800] =	vst v63  }
0x6a: {  	_ =	swait.ge [sflag:s23], $0x4000  }
0x6b: {  	[sflag:s23] =	ssyncset.done $0x0  }
0x6c: {  	[sflag:s23] =	ssyncadd.s32 $0xFFFFC000  }
0x6d: {  	[tilespmem:s22], [sflag:$0x1] =	stream.indirect.gather [hbm4b:s4+s25], $0x80, s30, s25, $0xb8;
	[tilespmem:$0x1E800] =	vst v63  }
0x6e: {  	p2 =	sne.s32 s20, $0x2;
	_ =	swait.ge [sflag:s29], $0x4000  }
.Ltmp4:
0x6f: {  	[sflag:s29] =	ssyncset.done $0x0;
	(pc) =	sbr.rel @!p2 .LBB2_7-.Ltmp4, $4  }
0x70: {  	s15 =	simm.s32 $0x15480;
	[sflag:s29] =	ssyncadd.s32 $0xFFFFC000  }
0x71: {  	[spmem:s2] =	stream.indirect.scatter.add.f32 [tilespmem:s26], [sflag:$0x3], $0x80, s15, s25, $0xb8;
	[tilespmem:$0x1E800] =	vst v63  }
0x72: {  	s31 =	simm.s32 $0x2;
	p1 =	por $0x1, $0x1;
	_ =	swait.ge [sflag:s23], $0x4000  }
0x73: {  	s10 =	simm.s32 $0x15500;
	s30 =	simm.s32 $0x14200;
	[sflag:s23] =	ssyncset.done $0x0  }
.LBB2_5:
0x74: {  	s31 =	sadd.s32 $0x1, s31;
	s0 =	sadd.s32 $0xFFFFFF80, s30;
	[sflag:s23] =	ssyncadd.s32 $0xFFFFC000  }
0x75: {  	[tilespmem:s26], [sflag:$0x2] =	stream.indirect.gather [hbm4b:s4+s25], $0x80, s0, s25, $0xb8;
	[tilespmem:$0x1E800] =	vst v63  }
0x76: {  	p2 =	sne.s32 s20, s31;
	_ =	swait.ge [sflag:s28], $0x4000  }
0x77: {  	[sflag:s28] =	ssyncset.done $0x0  }
0x78: {  	[sflag:s28] =	ssyncadd.s32 $0xFFFFC000  }
0x79: {  	[spmem:s2] =	stream.indirect.scatter.add.f32 [tilespmem:s22], [sflag:$0x3], $0x80, s10, s25, $0xb8;
	[tilespmem:$0x1E800] =	vst v63  }
0x7a: {  	_ =	swait.ge [sflag:s23], $0x4000  }
0x7b: {  	[sflag:s23] =	ssyncset.done $0x0  }
0x7c: {  	[sflag:s23] =	ssyncadd.s32 $0xFFFFC000  }
0x7d: {  	[tilespmem:s22], [sflag:$0x1] =	stream.indirect.gather [hbm4b:s4+s25], $0x80, s30, s25, $0xb8;
	[tilespmem:$0x1E800] =	vst v63  }
0x7e: {  	_ =	swait.ge [sflag:s29], $0x4000  }
.Ltmp5:
0x7f: {  	[sflag:s29] =	ssyncset.done $0x0;
	(pc) =	sbr.rel @p2 .LBB2_5-.Ltmp5, $4  }
0x80: {  	s0 =	sadd.s32 $0x80, s10;
	[sflag:s29] =	ssyncadd.s32 $0xFFFFC000  }
0x81: {  	[spmem:s2] =	stream.indirect.scatter.add.f32 [tilespmem:s26], [sflag:$0x3], $0x80, s0, s25, $0xb8;
	[tilespmem:$0x1E800] =	vst v63  }
0x82: {  	s8 =	sadd.s32 $0x100, s30;
	s1 =	sadd.s32 $0x100, s10;
	_ =	swait.ge [sflag:s23], $0x4000  }
0x83: {  	s10 =	smov.u32 s1;
	s30 =	smov.u32 s8;
	[sflag:s23] =	ssyncset.done $0x0  }
0x84: {  	s30 =	smov.u32 s8;
	s10 =	smov.u32 s1  }
.LBB2_7:
0x85: {  	s0 =	sadd.s32 $0xFFFFFF80, s30;
	[sflag:s23] =	ssyncadd.s32 @p1 $0xFFFFC000  }
0x86: {  	[tilespmem:s26], [sflag:$0x2] =	stream.indirect.gather [hbm4b:s4+s25], $0x80, s0, s25, $0xb8;
	[tilespmem:$0x1E800] =	vst v63  }
0x87: {  	_ =	swait.ge [sflag:s28], $0x4000  }
0x88: {  	[sflag:s28] =	ssyncset.done $0x0  }
0x89: {  	[sflag:s28] =	ssyncadd.s32 $0xFFFFC000  }
0x8a: {  	[spmem:s2] =	stream.indirect.scatter.add.f32 [tilespmem:s22], [sflag:$0x3], $0x80, s10, s25, $0xb8;
	[tilespmem:$0x1E800] =	vst v63  }
0x8b: {  	_ =	swait.ge [sflag:s23], $0x4000  }
0x8c: {  	[sflag:s23] =	ssyncset.done $0x0  }
0x8d: {  	[sflag:s23] =	ssyncadd.s32 $0xFFFFC000  }
0x8e: {  	[tilespmem:s22], [sflag:$0x1] =	stream.indirect.gather [hbm4b:s4+s25], $0x80, s30, s25, $0xb8;
	[tilespmem:$0x1E800] =	vst v63  }
0x8f: {  	_ =	swait.ge [sflag:s29], $0x4000  }
0x90: {  	[sflag:s29] =	ssyncset.done $0x0  }
0x91: {  	s15 =	sadd.s32 $0x80, s10;
	[sflag:s29] =	ssyncadd.s32 $0xFFFFC000  }
0x92: {  	[spmem:s2] =	stream.indirect.scatter.add.f32 [tilespmem:s26], [sflag:$0x3], $0x80, s15, s25, $0xb8;
	[tilespmem:$0x1E800] =	vst v63  }
0x93: {  	_ =	swait.ge [sflag:s23], $0x4000  }
0x94: {  	[sflag:s23] =	ssyncset.done $0x0  }
0x95: {  	s15 =	sadd.s32 $0x80, s8;
	[sflag:s23] =	ssyncadd.s32 $0xFFFFC000  }
0x96: {  	[tilespmem:s26], [sflag:$0x2] =	stream.indirect.gather [hbm4b:s4+s25], $0x80, s15, s25, $0xb8;
	[tilespmem:$0x1E800] =	vst v63  }
0x97: {  	_ =	swait.ge [sflag:s28], $0x4000  }
0x98: {  	[sflag:s28] =	ssyncset.done $0x0  }
0x99: {  	s15 =	sadd.s32 $0x100, s10;
	[sflag:s28] =	ssyncadd.s32 $0xFFFFC000  }
0x9a: {  	[spmem:s2] =	stream.indirect.scatter.add.f32 [tilespmem:s22], [sflag:$0x3], $0x80, s15, s25, $0xb8;
	[tilespmem:$0x1E800] =	vst v63  }
0x9b: {  	_ =	swait.ge [sflag:s23], $0x4000  }
0x9c: {  	p1 =	sge.u32 s31, s14;
	s0 =	sadd.s32 $0x100, s30;
	[sflag:s23] =	ssyncset.done $0x0  }
0x9d: {  	s30 =	simm.s32 @!p1 $0x16800;
	s10 =	simm.s32 @!p1 $0x80;
	[sflag:s23] =	ssyncadd.s32 $0xFFFFC000  }
0x9e: {  	[tilespmem:s30], [sflag:$0x1] =	stream.indirect.gather @!p1 [hbm4b:s4+s10], $0x80, s0, s10, $0xb8;
	[tilespmem:$0x1E800] =	vst v63  }
0x9f: {  	_ =	swait.ge [sflag:s29], $0x4000  }
0xa0: {  	[sflag:s29] =	ssyncset.done $0x0  }
.Ltmp6:
0xa1: {  	s31 =	sadd.s32 $0x180, s1;
	[sflag:s29] =	ssyncadd.s32 $0xFFFFC000;
	(pc) =	sbr.rel @p0 .LBB2_14-.Ltmp6, $4  }
0xa2: {  	[spmem:s2] =	stream.indirect.scatter.add.f32 [tilespmem:s26], [sflag:$0x3], $0x80, s31, s25, $0xb8;
	[tilespmem:$0x1E800] =	vst v63  }
0xa3: {  	_ =	swait.ge [sflag:s23], $0x4000  }
0xa4: {  	[sflag:s23] =	ssyncset.done $0x0  }
0xa5: {  	[sflag:s23] =	ssyncadd.s32 $0xFFFFC000  }
0xa6: {  	s0 =	simm.s32 $0x0;
	s10 =	rddreg [dreg:$0x3]  }
0xa7: {  	[tilespmem:s24], [sflag:$0x3] =	stream.linear.gather [hbm4b:s10+s0], $0x1400, $0x38;
	[tilespmem:$0x1E800] =	vst v63  }
0xa8: {  	_ =	swait.ge [sflag:s23], $0x1400  }
0xa9: {  	s30 =	simm.s32 $0x15400;
	[sflag:s23] =	ssyncset.done $0x0  }
0xaa: {  	p2 =	sne.s32 s21, $0x1;
	s15 =	rddreg [dreg:$0x4];
	[sflag:s23] =	ssyncadd.s32 $0xFFFFEC00  }
0xab: {  	[tilespmem:s30], [sflag:$0x3] =	stream.linear.gather [hbm4b:s15+s0], $0x1400, $0x38;
	[tilespmem:$0x1E800] =	vst v63  }
.Ltmp7:
0xac: {  	_ = 	snop;
	(pc) =	sbr.rel @!p2 .LBB2_13-.Ltmp7, $4  }
0xad: {  	_ =	swait.ge [sflag:s23], $0x1400  }
0xae: {  	s31 =	simm.s32 $0x1;
	[sflag:s23] =	ssyncset.done $0x0  }
0xaf: {  	p1 =	por $0x0, $0x0;
	s10 =	simm.s32 $0x14100;
	[sflag:s23] =	ssyncadd.s32 $0xFFFFEC00  }
0xb0: {  	[tilespmem:s22], [sflag:$0x1] =	stream.indirect.gather [hbm4b:s4+s25], $0x80, s24, s25, $0xb8;
	[tilespmem:$0x1E800] =	vst v63  }
0xb1: {  	s0 =	simm.s32 $0x14080  }
0xb2: {  	[tilespmem:s26], [sflag:$0x2] =	stream.indirect.gather [hbm4b:s4+s25], $0x80, s0, s25, $0xb8;
	[tilespmem:$0x1E800] =	vst v63  }
0xb3: {  	_ =	swait.ge [sflag:s28], $0x4000  }
0xb4: {  	[sflag:s28] =	ssyncset.done $0x0  }
0xb5: {  	[sflag:s28] =	ssyncadd.s32 $0xFFFFC000  }
0xb6: {  	[spmem:s2] =	stream.indirect.scatter.add.f32 [tilespmem:s22], [sflag:$0x3], $0x80, s30, s25, $0xb8;
	[tilespmem:$0x1E800] =	vst v63  }
0xb7: {  	_ =	swait.ge [sflag:s23], $0x4000  }
0xb8: {  	p1 =	sle.s32 s17, $0x0;
	[sflag:s23] =	ssyncset.done $0x0  }
0xb9: {  	s0 =	simm.s32 @!p1 $0x80;
	s30 =	simm.s32 @!p1 $0x16800;
	[sflag:s23] =	ssyncadd.s32 $0xFFFFC000  }
0xba: {  	[tilespmem:s30], [sflag:$0x1] =	stream.indirect.gather @!p1 [hbm4b:s4+s0], $0x80, s10, s0, $0xb8;
	[tilespmem:$0x1E800] =	vst v63  }
0xbb: {  	p2 =	sne.s32 s21, $0x2;
	_ =	swait.ge [sflag:s29], $0x4000  }
.Ltmp8:
0xbc: {  	[sflag:s29] =	ssyncset.done $0x0;
	(pc) =	sbr.rel @!p2 .LBB2_10-.Ltmp8, $4  }
0xbd: {  	s16 =	simm.s32 $0x15480;
	[sflag:s29] =	ssyncadd.s32 $0xFFFFC000  }
0xbe: {  	[spmem:s2] =	stream.indirect.scatter.add.f32 [tilespmem:s26], [sflag:$0x3], $0x80, s16, s25, $0xb8;
	[tilespmem:$0x1E800] =	vst v63  }
0xbf: {  	s0 =	simm.s32 $0x2;
	s10 =	simm.s32 $0x14200;
	_ =	swait.ge [sflag:s23], $0x4000  }
0xc0: {  	s30 =	simm.s32 $0x15500;
	p1 =	por $0x1, $0x1;
	[sflag:s23] =	ssyncset.done $0x0  }
.LBB2_11:
0xc1: {  	s15 =	sadd.s32 $0xFFFFFF80, s10  }
0xc2: {  	[sflag:s23] =	ssyncadd.s32 $0xFFFFC000;
	s16 =	smov.u32 s0;
	s0 =	sadd.s32 $0x1, s0  }
0xc3: {  	[tilespmem:s26], [sflag:$0x2] =	stream.indirect.gather [hbm4b:s4+s25], $0x80, s15, s25, $0xb8;
	[tilespmem:$0x1E800] =	vst v63  }
0xc4: {  	p2 =	sne.s32 s21, s0;
	_ =	swait.ge [sflag:s28], $0x4000  }
0xc5: {  	[sflag:s28] =	ssyncset.done $0x0  }
0xc6: {  	[sflag:s28] =	ssyncadd.s32 $0xFFFFC000  }
0xc7: {  	[spmem:s2] =	stream.indirect.scatter.add.f32 [tilespmem:s22], [sflag:$0x3], $0x80, s30, s25, $0xb8;
	[tilespmem:$0x1E800] =	vst v63  }
0xc8: {  	_ =	swait.ge [sflag:s23], $0x4000  }
0xc9: {  	p3 =	sge.s32 s31, s17;
	s31 =	smov.u32 s16;
	[sflag:s23] =	ssyncset.done $0x0  }
0xca: {  	s15 =	simm.s32 @!p3 $0x80;
	s16 =	simm.s32 @!p3 $0x16800;
	[sflag:s23] =	ssyncadd.s32 $0xFFFFC000  }
0xcb: {  	[tilespmem:s16], [sflag:$0x1] =	stream.indirect.gather @!p3 [hbm4b:s4+s15], $0x80, s10, s15, $0xb8;
	[tilespmem:$0x1E800] =	vst v63  }
0xcc: {  	_ =	swait.ge [sflag:s29], $0x4000  }
.Ltmp9:
0xcd: {  	[sflag:s29] =	ssyncset.done $0x0;
	(pc) =	sbr.rel @p2 .LBB2_11-.Ltmp9, $4  }
0xce: {  	s15 =	sadd.s32 $0x80, s30;
	[sflag:s29] =	ssyncadd.s32 $0xFFFFC000  }
0xcf: {  	[spmem:s2] =	stream.indirect.scatter.add.f32 [tilespmem:s26], [sflag:$0x3], $0x80, s15, s25, $0xb8;
	[tilespmem:$0x1E800] =	vst v63  }
0xd0: {  	_ =	swait.ge [sflag:s23], $0x4000  }
0xd1: {  	s10 =	sadd.s32 $0x100, s10;
	s30 =	sadd.s32 $0x100, s30;
	[sflag:s23] =	ssyncset.done $0x0  }
.Ltmp10:
0xd2: {  	(pc) =	sbr.rel .LBB2_13-.Ltmp10, $2  }
0xd3: {  	_ =	sdelay $0x2  }
0xd4: {  	s0 =	smov.u32 s31;
	s16 =	stileid.u32  }
.LBB2_15:
0xd5: {  	_ =	sfence.sel $0x180000  }
0xd6: {  	[bflag:$0x0] =	sbarrier.arrive $0xFFFF  }
0xd7: {  	_ =	strace $0x9000004A  }
0xd8: {  	[bflag:$0x2] =	sbarrier.arrive $0xFFFF  }
0xd9: {  	p0 =	sne.s32 s16, $0x0;
	s0 =	rddreg [dreg:$0x2]  }
0xda: {  	s0 =	sadd.s32 @!p0 $0x100000, s0  }
0xdb: {  	[sflag:s0] =	ssyncadd.tile.s32 @!p0 $0x1;
	_ =	shalt  }
.Lfunc_end2:
_tile_overlayer_lowered:
.L_overlay_start_2:
0xdc: {  	(tag) =	ssettag $0x2  }
0xdd: {  	s0 =	rddreg [dreg:$0x0];
	s2 =	stileid.u32  }
0xde: {  	s1 =	rddreg [dreg:$0x1];
	p0 =	sne.s32 s2, $0x0  }
0xdf: {  	s3 =	rddreg [dreg:$0x2];
	[bflag:$0x3] =	sbarrier.arrive $0xFFFF;
	s2 =	simm.s32 @!p0 $0x1C03  }
0xe0: {  	[timem:s3], [sflag:s2] =	dma.local @!p0 [hbm:s0], s1  }
0xe1: {  	s0 =	simm.s32 @!p0 $0x3  }
0xe2: {  	_ =	swait.ge @!p0 [sflag:s0], s1  }
0xe3: {  	s1 =	ssub.s32 @!p0 $0x0, s1;
	[sflag:s0] =	ssyncset.done @!p0 $0x0  }
0xe4: {  	[sflag:s0] =	ssyncadd.s32 @!p0 s1  }
0xe5: {  	[bflag:$0x3] =	sbarrier.arrive $0xFFFF  }
0xe6: {  	_ =	shalt  }

// kernel: kernel.16.cloned.1.call-start
scs
__scs_entry_jumppad:
0x0: {  	(pc) =	sbr.rel $0x88, $3  }
0x1: {  	(tag) =	ssettag $0x0;
	lr =	simm.s32 $0x1  }
0x2: {  	[smem:$0x3F98] =	sst lr;
	_ =	strace $0xD0000000  }
0x3: {  	_ = 	snop  }
0x4: {  	_ = 	snop  }
0x5: {  	_ = 	snop  }
0x6: {  	_ = 	snop  }
0x7: {  	_ = 	snop  }
__scs_overlays_trampoline_lowered:
0x8: {  	[smem:$0x3FA7] =	sst s0  }
0x9: {  	[smem:$0x3FA8] =	sst s1  }
0xa: {  	[smem:$0x3FA9] =	sst s2  }
0xb: {  	[smem:$0x3FAA] =	sst s3  }
0xc: {  	[smem:$0x3FAB] =	sst s4  }
0xd: {  	[smem:$0x3FAC] =	sst s5  }
0xe: {  	[smem:$0x3FAD] =	sst s6  }
0xf: {  	[smem:$0x3FAE] =	sst s7  }
0x10: {  	[smem:$0x3FAF] =	sst s8  }
0x11: {  	[smem:$0x3FB0] =	sst s9;
	s0 =	simm.s32 @!p0 $0x0  }
0x12: {  	s1 =	sld [smem:$0x3F96];
	s0 =	simm.s32 @p0 $0x1  }
0x13: {  	[smem:$0x3FB1] =	sst s0;
	s0 =	simm.s32 @!p1 $0x0  }
0x14: {  	s2 =	sld [smem:$0x3F95];
	s0 =	simm.s32 @p1 $0x1  }
0x15: {  	[smem:$0x3FB2] =	sst s0;
	s0 =	simm.s32 @!p2 $0x0  }
0x16: {  	s3 =	sld [smem:$0x3FDB];
	s0 =	simm.s32 @p2 $0x1  }
0x17: {  	s4 =	simm.s32 $0x1BF5;
	[smem:$0x3FB4] =	sst s0  }
0x18: {  	s0 =	sld [smem:$0x3F97];
	_ =	swait.ge [sflag:s4], $0x0  }
0x19: {  	s7 =	sld [smem:$0x3F98]  }
0x1a: {  	s8 =	sadd.s32 $0xFFFFE003, lr  }
0x1b: {  	s9 =	sadd.s32 $0xFFFFFEF7, lr;
	s5 =	simm.s32 $0xFFFFFFFF;
	p2 =	slt.u32 s8, $0xFFFFF086  }
0x1c: {  	p1 =	slt.u32 s9, $0xF7A;
	s5 =	simm.s32 @!p2 $0x0  }
0x1d: {  	s5 =	simm.s32 @p1 $0x1;
	p0 =	seq.s32 s7, s2  }
0x1e: {  	s7 =	smul.u32 @!p0 $0xF7A, s2;
	p2 =	seq.s32 @!p0 s5, $0x0  }
0x1f: {  	s9 =	smul.u32 $0xF7A, s1;
	s8 =	simm.s32 @!p0 $0x1BF5;
	p2 =	por !p2, p0  }
0x20: {  	[sflag:s8] =	ssyncset.s32 @!p0 $0xFFFFF086;
	s6 =	sadd.s32 @!p0 s3, s7;
	s7 =	simm.s32 @!p0 $0x108  }
0x21: {  	s3 =	sadd.s32 s3, s9;
	s6 =	sadd.s32 @!p0 $0x88, s6;
	s7 =	simm.s32 @p2 $0x1082  }
0x22: {  	[simem:s7], [sflag:s8] =	dma.local @!p0 [hbm:s6], $0xF7A  }
0x23: {  	s9 =	sor.u32 $0xD0000000, s2;
	s6 =	simm.s32 $0x108;
	_ =	swait.ge @!p0 [sflag:s8], $0x0  }
0x24: {  	s3 =	sadd.s32 $0x88, s3;
	s6 =	simm.s32 @!p1 $0x1082;
	[sflag:s4] =	ssyncset.s32 $0xFFFFF086  }
0x25: {  	[simem:s6], [sflag:s4] =	dma.local [hbm:s3], $0xF7A  }
0x26: {  	[smem:$0x3F98] =	sst s1;
	(tag) =	ssettag s2;
	_ =	strace s9  }
0x27: {  	s1 =	sld [smem:$0x3FA8]  }
0x28: {  	s2 =	sld [smem:$0x3FA9]  }
0x29: {  	s4 =	sld [smem:$0x3FAB]  }
0x2a: {  	p0 =	seq.s32 s5, $0x0;
	s5 =	sld [smem:$0x3FAC]  }
0x2b: {  	s6 =	sld [smem:$0x3FAD]  }
0x2c: {  	s7 =	sld [smem:$0x3FAE]  }
0x2d: {  	s3 =	simm.s32 $0x108;
	s8 =	sld [smem:$0x3FAF]  }
0x2e: {  	s3 =	simm.s32 @!p0 $0x1082;
	s9 =	sld [smem:$0x3FB0]  }
0x2f: {  	lr =	sadd.s32 s0, s3;
	s0 =	sld [smem:$0x3FA7]  }
0x30: {  	s3 =	sld [smem:$0x3FAA]  }
0x31: {  	[smem:$0x3FB3] =	sst s10  }
0x32: {  	s10 =	sld [smem:$0x3FB1];
	_ =	sdelay $0x3  }
0x33: {  	p0 =	seq.s32 s10, $0x1;
	s10 =	sld [smem:$0x3FB3];
	_ =	sdelay $0x3  }
0x34: {  	[smem:$0x3FB3] =	sst s10  }
0x35: {  	s10 =	sld [smem:$0x3FB2];
	_ =	sdelay $0x3  }
0x36: {  	p1 =	seq.s32 s10, $0x1;
	s10 =	sld [smem:$0x3FB3];
	_ =	sdelay $0x3  }
0x37: {  	[smem:$0x3FB3] =	sst s10  }
0x38: {  	s10 =	sld [smem:$0x3FB4]  }
0x39: {  	_ = 	snop;
	(pc) =	sbr.ind lr, $3  }
0x3a: {  	_ = 	snop  }
0x3b: {  	_ = 	snop  }
0x3c: {  	p2 =	seq.s32 s10, $0x1;
	s10 =	sld [smem:$0x3FB3]  }
0x3d: {  	_ =	shalt  }
0x3e: {  	_ =	shalt  }
0x3f: {  	_ =	shalt  }
0x40: {  	_ =	shalt  }
0x41: {  	_ =	shalt  }
0x42: {  	_ =	shalt  }
0x43: {  	_ =	shalt  }
0x44: {  	_ =	shalt  }
0x45: {  	_ =	shalt  }
0x46: {  	_ =	shalt  }
0x47: {  	_ =	shalt  }
0x48: {  	_ =	shalt  }
0x49: {  	_ =	shalt  }
0x4a: {  	_ =	shalt  }
0x4b: {  	_ =	shalt  }
0x4c: {  	_ =	shalt  }
0x4d: {  	_ =	shalt  }
0x4e: {  	_ =	shalt  }
0x4f: {  	_ =	shalt  }
0x50: {  	_ =	shalt  }
0x51: {  	_ =	shalt  }
0x52: {  	_ =	shalt  }
0x53: {  	_ =	shalt  }
0x54: {  	_ =	shalt  }
0x55: {  	_ =	shalt  }
0x56: {  	_ =	shalt  }
0x57: {  	_ =	shalt  }
0x58: {  	_ =	shalt  }
0x59: {  	_ =	shalt  }
0x5a: {  	_ =	shalt  }
0x5b: {  	_ =	shalt  }
0x5c: {  	_ =	shalt  }
0x5d: {  	_ =	shalt  }
0x5e: {  	_ =	shalt  }
0x5f: {  	_ =	shalt  }
0x60: {  	_ =	shalt  }
0x61: {  	_ =	shalt  }
0x62: {  	_ =	shalt  }
0x63: {  	_ =	shalt  }
0x64: {  	_ =	shalt  }
0x65: {  	_ =	shalt  }
0x66: {  	_ =	shalt  }
0x67: {  	_ =	shalt  }
0x68: {  	_ =	shalt  }
0x69: {  	_ =	shalt  }
0x6a: {  	_ =	shalt  }
0x6b: {  	_ =	shalt  }
0x6c: {  	_ =	shalt  }
0x6d: {  	_ =	shalt  }
0x6e: {  	_ =	shalt  }
0x6f: {  	_ =	shalt  }
0x70: {  	_ =	shalt  }
0x71: {  	_ =	shalt  }
0x72: {  	_ =	shalt  }
0x73: {  	_ =	shalt  }
0x74: {  	_ =	shalt  }
0x75: {  	_ =	shalt  }
0x76: {  	_ =	shalt  }
0x77: {  	_ =	shalt  }
0x78: {  	_ =	shalt  }
0x79: {  	_ =	shalt  }
0x7a: {  	_ =	shalt  }
0x7b: {  	_ =	shalt  }
0x7c: {  	_ =	shalt  }
0x7d: {  	_ =	shalt  }
0x7e: {  	_ =	shalt  }
0x7f: {  	_ =	shalt  }
0x80: {  	_ =	shalt  }
0x81: {  	_ =	shalt  }
0x82: {  	_ =	shalt  }
0x83: {  	_ =	shalt  }
0x84: {  	_ =	shalt  }
0x85: {  	_ =	shalt  }
0x86: {  	_ =	shalt  }
0x87: {  	_ =	shalt  }
.Lfunc_end0:
.L_simem_size_0:
called_computation.2_lowered:
.L_overlay_start_0:
0x88: {  	s2 =	sld [smem:$0x3FD9]  }
0x89: {  	s3 =	sld [smem:$0x3FFE];
	_ =	sdelay $0x1  }
0x8a: {  	s1 =	srdreg.scid  }
0x8b: {  	s0 =	sand.u32 $0x1, s1  }
0x8c: {  	s16 =	sshll.u32 s0, $0xA;
	s2 =	sadd.s32 s3, s2  }
0x8d: {  	s2 =	sadd.s32 s2, s16  }
0x8e: {  	[smem:$0x3FBF] =	sst s2  }
0x8f: {  	_ = 	snop  }
0x90: {  	(tm) =	ssettm $0x1  }
0x91: {  	s17 =	sld [smem:$0x3FFB];
	_ =	sdelay $0x3  }
0x92: {  	_ =	strace s17  }
0x93: {  	s2 =	sld [smem:$0x3FFC];
	_ =	sdelay $0x3  }
0x94: {  	_ =	strace s2  }
0x95: {  	s2 =	sld [smem:$0x3FFD];
	_ =	sdelay $0x3  }
0x96: {  	_ =	strace s2  }
0x97: {  	_ =	strace $0x8FFFFFFF  }
0x98: {  	s18 =	sld [smem:$0x3FDB];
	_ =	sdelay $0x1  }
0x99: {  	s19 =	simm.s32 $_scs_section_size  }
0x9a: {  	s4 =	simm.s32 $_size__tile_overlayer_lowered;
	s5 =	simm.s32 $_tile_overlayer_lowered  }
0x9b: {  	s22 =	simm.s32 $0x1BFF;
	s21 =	sshll.u32 s5, $0x1;
	s2 =	sadd.s32 s19, s18  }
0x9c: {  	s6 =	simm.s32 $0x0;
	s20 =	sshll.u32 s4, $0x1;
	s4 =	sadd.s32 s21, s2  }
0x9d: {  	[timem:s6], [sflag:s22] =	dma.local [hbm:s4], s20  }
0x9e: {  	_ =	swait.ge [sflag:s22], s20  }
0x9f: {  	s3 =	ssub.s32 $0x0, s20;
	[sflag:s22] =	ssyncset.done $0x0  }
0xa0: {  	[sflag:s22] =	ssyncadd.s32 s3;
	_ =	sdelay $0x1  }
0xa1: {  	s23 =	simm.s32 $0x1B8B  }
0xa2: {  	_ =	swait.ge [sflag:s23], $0x1  }
0xa3: {  	[sflag:s23] =	ssyncset.done $0x0  }
0xa4: {  	s25 =	simm.s32 $0x1B8E;
	s24 =	sld [smem:$0x3FFE];
	[sflag:s23] =	ssyncadd.s32 $0xFFFFFFFF  }
0xa5: {  	s26 =	simm.s32 $execute0_lowered;
	[smem:$0x3FD2] =	sst s25  }
0xa6: {  	s4 =	sshll.u32 s26, $0x1;
	_ =	strace $0x8000004C;
	[dreg:$0x1] =	wrdreg $0xFFFFFFFF  }
0xa7: {  	s28 =	simm.s32 $_size_execute0_lowered;
	s2 =	sadd.s32 s2, s4;
	[dreg:$0x0] =	wrdreg $0x0  }
0xa8: {  	s4 =	sshll.u32 s28, $0x1;
	[dreg:$0x2] =	wrdreg s2  }
0xa9: {  	[dreg:$0x3] =	wrdreg s4  }
0xaa: {  	[dreg:$0x4] =	wrdreg $0xC0  }
0xab: {  	_ =	task [dreg:s6], $0x5FFFF  }
0xac: {  	[dreg:$0x1] =	wrdreg $0xFFFFFFFF  }
0xad: {  	[dreg:$0x0] =	wrdreg $0x60  }
0xae: {  	[dreg:$0x2] =	wrdreg s24  }
0xaf: {  	[dreg:$0x3] =	wrdreg $0x0  }
0xb0: {  	[dreg:$0x4] =	wrdreg $0x9  }
0xb1: {  	_ =	task.clear_ibuf [dreg:s6], $0x5FFFF;
	_ =	strace $0x9000004C  }
0xb2: {  	s29 =	simm.s32 $0x9;
	_ =	strace $0x8000004E  }
0xb3: {  	_ =	swait.ge [sflag:s29], $0x1  }
0xb4: {  	[sflag:s29] =	ssyncadd.s32 $0xFFFFFFFF  }
0xb5: {  	_ =	strace $0x9000004E  }
0xb6: {  	_ =	sfence  }
0xb7: {  	s30 =	sld [smem:$0x0];
	_ =	sdelay $0x2  }
0xb8: {  	s31 =	sshll.u32 s1, $0xD;
	s1 =	sshrl.u32 s1, $0x2  }
0xb9: {  	s3 =	sand.u32 $0x4000, s31;
	s1 =	sadd.s32 s1, s30  }
0xba: {  	s0 =	sor.u32 s3, s0;
	s1 =	sshll.u32 s1, $0x11  }
0xbb: {  	s0 =	sor.u32 s1, s0  }
0xbc: {  	s0 =	sadd.s32 $0x8F2B, s0  }
0xbd: {  	[sflag:s0] =	ssyncadd.remote.s32 $0x1  }
0xbe: {  	_ =	sfence.sel $0xFFFF  }
0xbf: {  	[dreg:$0x0] =	wrdreg $0xFFFFFFFF;
	(pc) =	sbr.abs _section_cstart, $3  }
0xc0: {  	[dreg:$0x1] =	wrdreg $0xFFFFFFFF  }
0xc1: {  	_ =	task.clear_ibuf [dreg:s6], $0x2FFFF;
	_ =	strace $0x9FFFFFFF  }
0xc2: {  	(tm) =	ssettm $0x7FFFFFFF  }
0xc3: {  	_ =	shalt  }
tec
execute0_lowered:
.L_overlay_start_1:
0x0: {  	(tag) =	ssettag $0x1  }
0x1: {  	s0 =	srdreg.scid  }
0x2: {  	s9 =	stileid.u32;
	s5 =	rddreg [dreg:$0x0];
	s28 =	simm.s32 $0x1  }
0x3: {  	s29 =	simm.s32 $0x2;
	s0 =	sand.u32 $0x1, s0;
	s21 =	smul.u32 $0xFFFFFFB0, s9  }
0x4: {  	s6 =	smul.u32 $0x2800, s9;
	s4 =	sadd.s32 $0x17200, s5;
	s15 =	sadd.s32 $0xD200, s5  }
0x5: {  	s16 =	sadd.s32 $0x3200, s5;
	s2 =	sshll.u32 s0, $0x4;
	s3 =	smul.u32 $0xFFFFFB00, s0  }
0x6: {  	s7 =	smul.u32 $0x28000, s0;
	s0 =	ssub.s32 $0x2, s0;
	s11 =	sor.u32 s9, s2  }
0x7: {  	s2 =	rddreg [dreg:$0x1];
	s9 =	smul.u32 $0x50000, s9;
	s22 =	sshrl.u32 s0, $0x1  }
0x8: {  	s10 =	smul.u32 $0xFFFFFFB0, s11;
	s19 =	sadd.s32 s21, s3;
	s3 =	simm.s32 $0x0  }
0x9: {  	s6 =	sadd.s32 s6, s7;
	s0 =	ssub.s32 s0, s22;
	s13 =	smul.u32 $0x500, s11  }
0xa: {  	s14 =	smul.u32 $0x2800, s11;
	s22 =	simm.s32 $0x16800;
	s18 =	smov.u32 s19  }
0xb: {  	p1 =	sgt.s32 s19, $0xFFFFF664;
	[smem:$0x7FF] =	sst s3;
	s9 =	sshrl.u32 s9, $0x2  }
0xc: {  	s20 =	sadd.s32 s6, s5;
	p0 =	slt.s32 s10, $0xFFFFF68C;
	_ =	strace $0x8000004D  }
0xd: {  	s5 =	sadd.s32 s9, s2;
	s21 =	sshrl.u32 s14, $0x3;
	s10 =	simm.s32 @!p0 $0xFFFFF68C  }
0xe: {  	p0 =	slt.s32 s19, $0xFFFFF664;
	s19 =	simm.s32 @!p1 $0xFFFFF664;
	s6 =	sadd.s32 $0x4000, s5  }
0xf: {  	s7 =	sadd.s32 $0x8000, s5;
	s9 =	sadd.s32 $0xC000, s5;
	s11 =	sadd.s32 $0x10000, s5  }
0x10: {  	s21 =	sadd.s32 $0x280, s21;
	s12 =	smin.u32 s10, $0xFFFFF664;
	s23 =	smax.u32 s10, $0xFFFFF664  }
0x11: {  	s24 =	sadd.s32 s16, s21;
	s18 =	simm.s32 @!p0 $0xFFFFF664;
	p0 =	slt.s32 s19, $0xFFFFF68C  }
0x12: {  	s17 =	sadd.s32 $0x9C4, s12;
	s12 =	sadd.s32 s15, s13;
	s13 =	sadd.s32 s16, s13  }
0x13: {  	s15 =	sadd.s32 s15, s21;
	[dreg:$0x4] =	wrdreg s24;
	s16 =	stileid.u32  }
0x14: {  	s25 =	sadd.s32 $0x9C4, s18;
	s19 =	simm.s32 @!p0 $0xFFFFF68C;
	s18 =	sadd.s32 $0x3E400, s20  }
0x15: {  	s24 =	simm.s32 $0x14000;
	p0 =	slt.u32 s10, $0xFFFFF665;
	s17 =	sshrl.u32 s17, $0x1  }
.Ltmp0:
0x16: {  	[dreg:$0x3] =	wrdreg s15;
	s26 =	sshrl.u32 s25, $0x1;
	(pc) =	sbr.rel .LBB2_1-.Ltmp0, $4  }
0x17: {  	s30 =	sadd.s32 $0x99C, s19;
	s19 =	smax.u32 s0, $0x1;
	s25 =	simm.s32 $0x80  }
0x18: {  	s14 =	sadd.s32 $0xFFFFFFFF, s17;
	s17 =	sadd.s32 $0x99C, s23;
	s20 =	sadd.s32 $0xFFFFFFFF, s26  }
0x19: {  	s31 =	sshrl.u32 s30, $0x1;
	s23 =	simm.s32 $0x3;
	s17 =	sshrl.u32 s17, $0x1  }
0x1a: {  	v0 =	vimm.f32 $0.0e+00;
	s26 =	simm.s32 $0x1A800;
	s21 =	smax.u32 s31, $0x1;
	s17 =	sadd.s32 $0xFFFFFFFF, s17  }
.LBB2_10:
0x1b: {  	s0 =	simm.s32 $0x1;
	s16 =	stileid.u32  }
.LBB2_13:
0x1c: {  	s15 =	sadd.s32 $0xFFFFFF80, s10;
	[sflag:s23] =	ssyncadd.s32 @p1 $0xFFFFC000  }
0x1d: {  	[tilespmem:s26], [sflag:$0x2] =	stream.indirect.gather [hbm4b:s4+s25], $0x80, s15, s25, $0xb8;
	[tilespmem:$0x1E800] =	vst v63  }
0x1e: {  	_ =	swait.ge [sflag:s28], $0x4000  }
0x1f: {  	[sflag:s28] =	ssyncset.done $0x0  }
0x20: {  	[sflag:s28] =	ssyncadd.s32 $0xFFFFC000  }
0x21: {  	[spmem:s2] =	stream.indirect.scatter.add.f32 [tilespmem:s22], [sflag:$0x3], $0x80, s30, s25, $0xb8;
	[tilespmem:$0x1E800] =	vst v63  }
0x22: {  	_ =	swait.ge [sflag:s23], $0x4000  }
0x23: {  	p1 =	sge.s32 s0, s17;
	[sflag:s23] =	ssyncset.done $0x0  }
0x24: {  	s0 =	simm.s32 @!p1 $0x80;
	s15 =	simm.s32 @!p1 $0x16800;
	[sflag:s23] =	ssyncadd.s32 $0xFFFFC000  }
0x25: {  	[tilespmem:s15], [sflag:$0x1] =	stream.indirect.gather @!p1 [hbm4b:s4+s0], $0x80, s10, s0, $0xb8;
	[tilespmem:$0x1E800] =	vst v63  }
0x26: {  	_ =	swait.ge [sflag:s29], $0x4000  }
0x27: {  	[sflag:s29] =	ssyncset.done $0x0  }
0x28: {  	s31 =	sadd.s32 $0x80, s30;
	[sflag:s29] =	ssyncadd.s32 $0xFFFFC000  }
0x29: {  	[spmem:s2] =	stream.indirect.scatter.add.f32 [tilespmem:s26], [sflag:$0x3], $0x80, s31, s25, $0xb8;
	[tilespmem:$0x1E800] =	vst v63  }
0x2a: {  	_ =	swait.ge [sflag:s23], $0x4000  }
0x2b: {  	[sflag:s23] =	ssyncset.done $0x0  }
0x2c: {  	[sflag:s23] =	ssyncadd.s32 $0xFFFFC000  }
.LBB2_14:
0x2d: {  	s3 =	sadd.s32 $0x1, s3  }
0x2e: {  	s0 =	sshll.u32 s16, $0x6;
	[bflag:$0x0] =	sbarrier.arrive $0xFFFF;
	p1 =	sne.s32 s3, s19  }
.Ltmp1:
0x2f: {  	s10 =	sshrl.u32 s5, $0x3;
	s0 =	sor.u32 $0x1C03, s0;
	(pc) =	sbr.rel @!p1 .LBB2_15-.Ltmp1, $4  }
0x30: {  	[hbm:s18], [sflag:s0] =	dma.local [spmem:s10], $0x2800  }
0x31: {  	_ =	swait.ge [sflag:s23], $0x2800  }
0x32: {  	[sflag:s23] =	ssyncset.done $0x0  }
0x33: {  	[sflag:s23] =	ssyncadd.s32 $0xFFFFD800  }
.LBB2_1:
0x34: {  	s0 =	simm.s32 $0x0;
	s10 =	simm.s32 $0x200  }
.LBB2_2:
0x35: {  	p1 =	sne.s32 s10, $0xFE00;
	[tilespmem:s0+$0x16870] =	vst v0  }
0x36: {  	[tilespmem:s0+$0x16800] =	vst v0  }
0x37: {  	[tilespmem:s0+$0x16810] =	vst v0  }
.Ltmp2:
0x38: {  	[tilespmem:s0+$0x16820] =	vst v0;
	(pc) =	sbr.rel @p1 .LBB2_2-.Ltmp2, $4  }
0x39: {  	[tilespmem:s0+$0x16830] =	vst v0  }
0x3a: {  	[tilespmem:s0+$0x16840] =	vst v0  }
0x3b: {  	[tilespmem:s0+$0x16850] =	vst v0  }
0x3c: {  	[tilespmem:s0+$0x16860] =	vst v0;
	s0 =	sshra.s32 s10, $0x2;
	s10 =	sadd.s32 $0x200, s10  }
0x3d: {  	[tilespmem:s0+$0x16870] =	vst v0  }
0x3e: {  	[tilespmem:s0+$0x16800] =	vst v0  }
0x3f: {  	[tilespmem:s0+$0x16810] =	vst v0  }
0x40: {  	[tilespmem:s0+$0x16820] =	vst v0  }
0x41: {  	[tilespmem:s0+$0x16830] =	vst v0  }
0x42: {  	[tilespmem:s0+$0x16840] =	vst v0  }
0x43: {  	[tilespmem:s0+$0x16850] =	vst v0  }
0x44: {  	[tilespmem:s0+$0x16860] =	vst v0  }
0x45: {  	[spmem:s5] =	stream.linear.scatter [tilespmem:s22], [sflag:$0x3], $0x4000, $0x38;
	[tilespmem:$0x1E800] =	vst v63  }
0x46: {  	_ =	swait.ge [sflag:s23], $0x4000  }
0x47: {  	[sflag:s23] =	ssyncset.done $0x0  }
0x48: {  	[sflag:s23] =	ssyncadd.s32 $0xFFFFC000  }
0x49: {  	[spmem:s6] =	stream.linear.scatter [tilespmem:s22], [sflag:$0x3], $0x4000, $0x38;
	[tilespmem:$0x1E800] =	vst v63  }
0x4a: {  	_ =	swait.ge [sflag:s23], $0x4000  }
0x4b: {  	[sflag:s23] =	ssyncset.done $0x0  }
0x4c: {  	[sflag:s23] =	ssyncadd.s32 $0xFFFFC000  }
0x4d: {  	[spmem:s7] =	stream.linear.scatter [tilespmem:s22], [sflag:$0x3], $0x4000, $0x38;
	[tilespmem:$0x1E800] =	vst v63  }
0x4e: {  	_ =	swait.ge [sflag:s23], $0x4000  }
0x4f: {  	[sflag:s23] =	ssyncset.done $0x0  }
0x50: {  	[sflag:s23] =	ssyncadd.s32 $0xFFFFC000  }
0x51: {  	[spmem:s9] =	stream.linear.scatter [tilespmem:s22], [sflag:$0x3], $0x4000, $0x38;
	[tilespmem:$0x1E800] =	vst v63  }
0x52: {  	_ =	swait.ge [sflag:s23], $0x4000  }
0x53: {  	[sflag:s23] =	ssyncset.done $0x0  }
0x54: {  	[sflag:s23] =	ssyncadd.s32 $0xFFFFC000  }
0x55: {  	[spmem:s11] =	stream.linear.scatter [tilespmem:s22], [sflag:$0x3], $0x4000, $0x38;
	[tilespmem:$0x1E800] =	vst v63  }
0x56: {  	_ =	swait.ge [sflag:s23], $0x4000  }
0x57: {  	[sflag:s23] =	ssyncset.done $0x0  }
0x58: {  	[sflag:s23] =	ssyncadd.s32 $0xFFFFC000  }
0x59: {  	s15 =	simm.s32 $0x0;
	[bflag:$0x0] =	sbarrier.arrive $0xFFFF  }
0x5a: {  	[tilespmem:s24], [sflag:$0x3] =	stream.linear.gather [hbm4b:s12+s15], $0x1400, $0x38;
	[tilespmem:$0x1E800] =	vst v63  }
0x5b: {  	_ =	swait.ge [sflag:s23], $0x1400  }
0x5c: {  	[sflag:s23] =	ssyncset.done $0x0  }
0x5d: {  	s10 =	simm.s32 $0x15400;
	p2 =	sne.s32 s20, $0x1;
	[sflag:s23] =	ssyncadd.s32 $0xFFFFEC00  }
0x5e: {  	[tilespmem:s10], [sflag:$0x3] =	stream.linear.gather [hbm4b:s13+s15], $0x1400, $0x38;
	[tilespmem:$0x1E800] =	vst v63  }
.Ltmp3:
0x5f: {  	_ = 	snop;
	(pc) =	sbr.rel @!p2 .LBB2_7-.Ltmp3, $4  }
0x60: {  	_ =	swait.ge [sflag:s23], $0x1400  }
0x61: {  	s30 =	simm.s32 $0x14100;
	[sflag:s23] =	ssyncset.done $0x0  }
0x62: {  	s31 =	simm.s32 $0x1;
	p1 =	por $0x0, $0x0;
	[sflag:s23] =	ssyncadd.s32 $0xFFFFEC00  }
0x63: {  	[tilespmem:s22], [sflag:$0x1] =	stream.indirect.gather [hbm4b:s4+s25], $0x80, s24, s25, $0xb8;
	[tilespmem:$0x1E800] =	vst v63  }
0x64: {  	s0 =	simm.s32 $0x14080  }
0x65: {  	[tilespmem:s26], [sflag:$0x2] =	stream.indirect.gather [hbm4b:s4+s25], $0x80, s0, s25, $0xb8;
	[tilespmem:$0x1E800] =	vst v63  }
0x66: {  	_ =	swait.ge [sflag:s28], $0x4000  }
0x67: {  	[sflag:s28] =	ssyncset.done $0x0  }
0x68: {  	[sflag:s28] =	ssyncadd.s32 $0xFFFFC000  }
0x69: {  	[spmem:s2] =	stream.indirect.scatter.add.f32 [tilespmem:s22], [sflag:$0x3], $0x80, s10, s25, $0xb8;
	[tilespmem:$0x1E800] =	vst v63  }
0x6a: {  	_ =	swait.ge [sflag:s23], $0x4000  }
0x6b: {  	[sflag:s23] =	ssyncset.done $0x0  }
0x6c: {  	[sflag:s23] =	ssyncadd.s32 $0xFFFFC000  }
0x6d: {  	[tilespmem:s22], [sflag:$0x1] =	stream.indirect.gather [hbm4b:s4+s25], $0x80, s30, s25, $0xb8;
	[tilespmem:$0x1E800] =	vst v63  }
0x6e: {  	p2 =	sne.s32 s20, $0x2;
	_ =	swait.ge [sflag:s29], $0x4000  }
.Ltmp4:
0x6f: {  	[sflag:s29] =	ssyncset.done $0x0;
	(pc) =	sbr.rel @!p2 .LBB2_7-.Ltmp4, $4  }
0x70: {  	s15 =	simm.s32 $0x15480;
	[sflag:s29] =	ssyncadd.s32 $0xFFFFC000  }
0x71: {  	[spmem:s2] =	stream.indirect.scatter.add.f32 [tilespmem:s26], [sflag:$0x3], $0x80, s15, s25, $0xb8;
	[tilespmem:$0x1E800] =	vst v63  }
0x72: {  	s31 =	simm.s32 $0x2;
	p1 =	por $0x1, $0x1;
	_ =	swait.ge [sflag:s23], $0x4000  }
0x73: {  	s10 =	simm.s32 $0x15500;
	s30 =	simm.s32 $0x14200;
	[sflag:s23] =	ssyncset.done $0x0  }
.LBB2_5:
0x74: {  	s31 =	sadd.s32 $0x1, s31;
	s0 =	sadd.s32 $0xFFFFFF80, s30;
	[sflag:s23] =	ssyncadd.s32 $0xFFFFC000  }
0x75: {  	[tilespmem:s26], [sflag:$0x2] =	stream.indirect.gather [hbm4b:s4+s25], $0x80, s0, s25, $0xb8;
	[tilespmem:$0x1E800] =	vst v63  }
0x76: {  	p2 =	sne.s32 s20, s31;
	_ =	swait.ge [sflag:s28], $0x4000  }
0x77: {  	[sflag:s28] =	ssyncset.done $0x0  }
0x78: {  	[sflag:s28] =	ssyncadd.s32 $0xFFFFC000  }
0x79: {  	[spmem:s2] =	stream.indirect.scatter.add.f32 [tilespmem:s22], [sflag:$0x3], $0x80, s10, s25, $0xb8;
	[tilespmem:$0x1E800] =	vst v63  }
0x7a: {  	_ =	swait.ge [sflag:s23], $0x4000  }
0x7b: {  	[sflag:s23] =	ssyncset.done $0x0  }
0x7c: {  	[sflag:s23] =	ssyncadd.s32 $0xFFFFC000  }
0x7d: {  	[tilespmem:s22], [sflag:$0x1] =	stream.indirect.gather [hbm4b:s4+s25], $0x80, s30, s25, $0xb8;
	[tilespmem:$0x1E800] =	vst v63  }
0x7e: {  	_ =	swait.ge [sflag:s29], $0x4000  }
.Ltmp5:
0x7f: {  	[sflag:s29] =	ssyncset.done $0x0;
	(pc) =	sbr.rel @p2 .LBB2_5-.Ltmp5, $4  }
0x80: {  	s0 =	sadd.s32 $0x80, s10;
	[sflag:s29] =	ssyncadd.s32 $0xFFFFC000  }
0x81: {  	[spmem:s2] =	stream.indirect.scatter.add.f32 [tilespmem:s26], [sflag:$0x3], $0x80, s0, s25, $0xb8;
	[tilespmem:$0x1E800] =	vst v63  }
0x82: {  	s8 =	sadd.s32 $0x100, s30;
	s1 =	sadd.s32 $0x100, s10;
	_ =	swait.ge [sflag:s23], $0x4000  }
0x83: {  	s10 =	smov.u32 s1;
	s30 =	smov.u32 s8;
	[sflag:s23] =	ssyncset.done $0x0  }
0x84: {  	s30 =	smov.u32 s8;
	s10 =	smov.u32 s1  }
.LBB2_7:
0x85: {  	s0 =	sadd.s32 $0xFFFFFF80, s30;
	[sflag:s23] =	ssyncadd.s32 @p1 $0xFFFFC000  }
0x86: {  	[tilespmem:s26], [sflag:$0x2] =	stream.indirect.gather [hbm4b:s4+s25], $0x80, s0, s25, $0xb8;
	[tilespmem:$0x1E800] =	vst v63  }
0x87: {  	_ =	swait.ge [sflag:s28], $0x4000  }
0x88: {  	[sflag:s28] =	ssyncset.done $0x0  }
0x89: {  	[sflag:s28] =	ssyncadd.s32 $0xFFFFC000  }
0x8a: {  	[spmem:s2] =	stream.indirect.scatter.add.f32 [tilespmem:s22], [sflag:$0x3], $0x80, s10, s25, $0xb8;
	[tilespmem:$0x1E800] =	vst v63  }
0x8b: {  	_ =	swait.ge [sflag:s23], $0x4000  }
0x8c: {  	[sflag:s23] =	ssyncset.done $0x0  }
0x8d: {  	[sflag:s23] =	ssyncadd.s32 $0xFFFFC000  }
0x8e: {  	[tilespmem:s22], [sflag:$0x1] =	stream.indirect.gather [hbm4b:s4+s25], $0x80, s30, s25, $0xb8;
	[tilespmem:$0x1E800] =	vst v63  }
0x8f: {  	_ =	swait.ge [sflag:s29], $0x4000  }
0x90: {  	[sflag:s29] =	ssyncset.done $0x0  }
0x91: {  	s15 =	sadd.s32 $0x80, s10;
	[sflag:s29] =	ssyncadd.s32 $0xFFFFC000  }
0x92: {  	[spmem:s2] =	stream.indirect.scatter.add.f32 [tilespmem:s26], [sflag:$0x3], $0x80, s15, s25, $0xb8;
	[tilespmem:$0x1E800] =	vst v63  }
0x93: {  	_ =	swait.ge [sflag:s23], $0x4000  }
0x94: {  	[sflag:s23] =	ssyncset.done $0x0  }
0x95: {  	s15 =	sadd.s32 $0x80, s8;
	[sflag:s23] =	ssyncadd.s32 $0xFFFFC000  }
0x96: {  	[tilespmem:s26], [sflag:$0x2] =	stream.indirect.gather [hbm4b:s4+s25], $0x80, s15, s25, $0xb8;
	[tilespmem:$0x1E800] =	vst v63  }
0x97: {  	_ =	swait.ge [sflag:s28], $0x4000  }
0x98: {  	[sflag:s28] =	ssyncset.done $0x0  }
0x99: {  	s15 =	sadd.s32 $0x100, s10;
	[sflag:s28] =	ssyncadd.s32 $0xFFFFC000  }
0x9a: {  	[spmem:s2] =	stream.indirect.scatter.add.f32 [tilespmem:s22], [sflag:$0x3], $0x80, s15, s25, $0xb8;
	[tilespmem:$0x1E800] =	vst v63  }
0x9b: {  	_ =	swait.ge [sflag:s23], $0x4000  }
0x9c: {  	p1 =	sge.u32 s31, s14;
	s0 =	sadd.s32 $0x100, s30;
	[sflag:s23] =	ssyncset.done $0x0  }
0x9d: {  	s30 =	simm.s32 @!p1 $0x16800;
	s10 =	simm.s32 @!p1 $0x80;
	[sflag:s23] =	ssyncadd.s32 $0xFFFFC000  }
0x9e: {  	[tilespmem:s30], [sflag:$0x1] =	stream.indirect.gather @!p1 [hbm4b:s4+s10], $0x80, s0, s10, $0xb8;
	[tilespmem:$0x1E800] =	vst v63  }
0x9f: {  	_ =	swait.ge [sflag:s29], $0x4000  }
0xa0: {  	[sflag:s29] =	ssyncset.done $0x0  }
.Ltmp6:
0xa1: {  	s31 =	sadd.s32 $0x180, s1;
	[sflag:s29] =	ssyncadd.s32 $0xFFFFC000;
	(pc) =	sbr.rel @p0 .LBB2_14-.Ltmp6, $4  }
0xa2: {  	[spmem:s2] =	stream.indirect.scatter.add.f32 [tilespmem:s26], [sflag:$0x3], $0x80, s31, s25, $0xb8;
	[tilespmem:$0x1E800] =	vst v63  }
0xa3: {  	_ =	swait.ge [sflag:s23], $0x4000  }
0xa4: {  	[sflag:s23] =	ssyncset.done $0x0  }
0xa5: {  	[sflag:s23] =	ssyncadd.s32 $0xFFFFC000  }
0xa6: {  	s0 =	simm.s32 $0x0;
	s10 =	rddreg [dreg:$0x3]  }
0xa7: {  	[tilespmem:s24], [sflag:$0x3] =	stream.linear.gather [hbm4b:s10+s0], $0x1400, $0x38;
	[tilespmem:$0x1E800] =	vst v63  }
0xa8: {  	_ =	swait.ge [sflag:s23], $0x1400  }
0xa9: {  	s30 =	simm.s32 $0x15400;
	[sflag:s23] =	ssyncset.done $0x0  }
0xaa: {  	p2 =	sne.s32 s21, $0x1;
	s15 =	rddreg [dreg:$0x4];
	[sflag:s23] =	ssyncadd.s32 $0xFFFFEC00  }
0xab: {  	[tilespmem:s30], [sflag:$0x3] =	stream.linear.gather [hbm4b:s15+s0], $0x1400, $0x38;
	[tilespmem:$0x1E800] =	vst v63  }
.Ltmp7:
0xac: {  	_ = 	snop;
	(pc) =	sbr.rel @!p2 .LBB2_13-.Ltmp7, $4  }
0xad: {  	_ =	swait.ge [sflag:s23], $0x1400  }
0xae: {  	s31 =	simm.s32 $0x1;
	[sflag:s23] =	ssyncset.done $0x0  }
0xaf: {  	p1 =	por $0x0, $0x0;
	s10 =	simm.s32 $0x14100;
	[sflag:s23] =	ssyncadd.s32 $0xFFFFEC00  }
0xb0: {  	[tilespmem:s22], [sflag:$0x1] =	stream.indirect.gather [hbm4b:s4+s25], $0x80, s24, s25, $0xb8;
	[tilespmem:$0x1E800] =	vst v63  }
0xb1: {  	s0 =	simm.s32 $0x14080  }
0xb2: {  	[tilespmem:s26], [sflag:$0x2] =	stream.indirect.gather [hbm4b:s4+s25], $0x80, s0, s25, $0xb8;
	[tilespmem:$0x1E800] =	vst v63  }
0xb3: {  	_ =	swait.ge [sflag:s28], $0x4000  }
0xb4: {  	[sflag:s28] =	ssyncset.done $0x0  }
0xb5: {  	[sflag:s28] =	ssyncadd.s32 $0xFFFFC000  }
0xb6: {  	[spmem:s2] =	stream.indirect.scatter.add.f32 [tilespmem:s22], [sflag:$0x3], $0x80, s30, s25, $0xb8;
	[tilespmem:$0x1E800] =	vst v63  }
0xb7: {  	_ =	swait.ge [sflag:s23], $0x4000  }
0xb8: {  	p1 =	sle.s32 s17, $0x0;
	[sflag:s23] =	ssyncset.done $0x0  }
0xb9: {  	s0 =	simm.s32 @!p1 $0x80;
	s30 =	simm.s32 @!p1 $0x16800;
	[sflag:s23] =	ssyncadd.s32 $0xFFFFC000  }
0xba: {  	[tilespmem:s30], [sflag:$0x1] =	stream.indirect.gather @!p1 [hbm4b:s4+s0], $0x80, s10, s0, $0xb8;
	[tilespmem:$0x1E800] =	vst v63  }
0xbb: {  	p2 =	sne.s32 s21, $0x2;
	_ =	swait.ge [sflag:s29], $0x4000  }
.Ltmp8:
0xbc: {  	[sflag:s29] =	ssyncset.done $0x0;
	(pc) =	sbr.rel @!p2 .LBB2_10-.Ltmp8, $4  }
0xbd: {  	s16 =	simm.s32 $0x15480;
	[sflag:s29] =	ssyncadd.s32 $0xFFFFC000  }
0xbe: {  	[spmem:s2] =	stream.indirect.scatter.add.f32 [tilespmem:s26], [sflag:$0x3], $0x80, s16, s25, $0xb8;
	[tilespmem:$0x1E800] =	vst v63  }
0xbf: {  	s0 =	simm.s32 $0x2;
	s10 =	simm.s32 $0x14200;
	_ =	swait.ge [sflag:s23], $0x4000  }
0xc0: {  	s30 =	simm.s32 $0x15500;
	p1 =	por $0x1, $0x1;
	[sflag:s23] =	ssyncset.done $0x0  }
.LBB2_11:
0xc1: {  	s15 =	sadd.s32 $0xFFFFFF80, s10  }
0xc2: {  	[sflag:s23] =	ssyncadd.s32 $0xFFFFC000;
	s16 =	smov.u32 s0;
	s0 =	sadd.s32 $0x1, s0  }
0xc3: {  	[tilespmem:s26], [sflag:$0x2] =	stream.indirect.gather [hbm4b:s4+s25], $0x80, s15, s25, $0xb8;
	[tilespmem:$0x1E800] =	vst v63  }
0xc4: {  	p2 =	sne.s32 s21, s0;
	_ =	swait.ge [sflag:s28], $0x4000  }
0xc5: {  	[sflag:s28] =	ssyncset.done $0x0  }
0xc6: {  	[sflag:s28] =	ssyncadd.s32 $0xFFFFC000  }
0xc7: {  	[spmem:s2] =	stream.indirect.scatter.add.f32 [tilespmem:s22], [sflag:$0x3], $0x80, s30, s25, $0xb8;
	[tilespmem:$0x1E800] =	vst v63  }
0xc8: {  	_ =	swait.ge [sflag:s23], $0x4000  }
0xc9: {  	p3 =	sge.s32 s31, s17;
	s31 =	smov.u32 s16;
	[sflag:s23] =	ssyncset.done $0x0  }
0xca: {  	s15 =	simm.s32 @!p3 $0x80;
	s16 =	simm.s32 @!p3 $0x16800;
	[sflag:s23] =	ssyncadd.s32 $0xFFFFC000  }
0xcb: {  	[tilespmem:s16], [sflag:$0x1] =	stream.indirect.gather @!p3 [hbm4b:s4+s15], $0x80, s10, s15, $0xb8;
	[tilespmem:$0x1E800] =	vst v63  }
0xcc: {  	_ =	swait.ge [sflag:s29], $0x4000  }
.Ltmp9:
0xcd: {  	[sflag:s29] =	ssyncset.done $0x0;
	(pc) =	sbr.rel @p2 .LBB2_11-.Ltmp9, $4  }
0xce: {  	s15 =	sadd.s32 $0x80, s30;
	[sflag:s29] =	ssyncadd.s32 $0xFFFFC000  }
0xcf: {  	[spmem:s2] =	stream.indirect.scatter.add.f32 [tilespmem:s26], [sflag:$0x3], $0x80, s15, s25, $0xb8;
	[tilespmem:$0x1E800] =	vst v63  }
0xd0: {  	_ =	swait.ge [sflag:s23], $0x4000  }
0xd1: {  	s10 =	sadd.s32 $0x100, s10;
	s30 =	sadd.s32 $0x100, s30;
	[sflag:s23] =	ssyncset.done $0x0  }
.Ltmp10:
0xd2: {  	(pc) =	sbr.rel .LBB2_13-.Ltmp10, $2  }
0xd3: {  	_ =	sdelay $0x2  }
0xd4: {  	s0 =	smov.u32 s31;
	s16 =	stileid.u32  }
.LBB2_15:
0xd5: {  	_ =	sfence.sel $0x180000  }
0xd6: {  	[bflag:$0x0] =	sbarrier.arrive $0xFFFF  }
0xd7: {  	_ =	strace $0x9000004D  }
0xd8: {  	[bflag:$0x2] =	sbarrier.arrive $0xFFFF  }
0xd9: {  	p0 =	sne.s32 s16, $0x0;
	s0 =	rddreg [dreg:$0x2]  }
0xda: {  	s0 =	sadd.s32 @!p0 $0x100000, s0  }
0xdb: {  	[sflag:s0] =	ssyncadd.tile.s32 @!p0 $0x1;
	_ =	shalt  }
.Lfunc_end2:
_tile_overlayer_lowered:
.L_overlay_start_2:
0xdc: {  	(tag) =	ssettag $0x2  }
0xdd: {  	s0 =	rddreg [dreg:$0x0];
	s2 =	stileid.u32  }
0xde: {  	s1 =	rddreg [dreg:$0x1];
	p0 =	sne.s32 s2, $0x0  }
0xdf: {  	s3 =	rddreg [dreg:$0x2];
	[bflag:$0x3] =	sbarrier.arrive $0xFFFF;
	s2 =	simm.s32 @!p0 $0x1C03  }
0xe0: {  	[timem:s3], [sflag:s2] =	dma.local @!p0 [hbm:s0], s1  }
0xe1: {  	s0 =	simm.s32 @!p0 $0x3  }
0xe2: {  	_ =	swait.ge @!p0 [sflag:s0], s1  }
0xe3: {  	s1 =	ssub.s32 @!p0 $0x0, s1;
	[sflag:s0] =	ssyncset.done @!p0 $0x0  }
0xe4: {  	[sflag:s0] =	ssyncadd.s32 @!p0 s1  }
0xe5: {  	[bflag:$0x3] =	sbarrier.arrive $0xFFFF  }
0xe6: {  	_ =	shalt  }

</sc_bundles>
